<compile_context>
chip_gen: v7x
topology: tpu7x:2x2x1
jax: 0.10.2.dev20260603
libtpu: 0.0.44.dev20260713+nightly
codegen_flags: <defaults>
</compile_context>

<pallas_src>
import functools

import jax
import jax.numpy as jnp
from jax import lax
from jax.experimental import pallas as pl
from jax.experimental.pallas import tpu as pltpu
from jax.experimental.pallas import tpu_sc as plsc

D = 128
CHUNK = 80
NSUB = 16
NB = 2
EDGE_ALIGN = NSUB * CHUNK * 2 * NB


@functools.lru_cache(maxsize=None)
def _make_sc_kernel(n, e1, e2):
    mesh = plsc.VectorSubcoreMesh(core_axis_name="c", subcore_axis_name="s")
    e2a = max(0, (e2 - e1) // 2 // EDGE_ALIGN * EDGE_ALIGN)
    per_tile1 = e1 // NSUB
    per_tile2a = e2a // NSUB
    per_tile2b = (e2 - e2a) // NSUB
    n_iter1 = per_tile1 // CHUNK
    n_iter2a = per_tile2a // CHUNK
    n_iter2b = per_tile2b // CHUNK
    rows_out = -(-n // (NSUB * 8)) * 8
    n_acc = rows_out * NSUB

    out_sds = jax.ShapeDtypeStruct((n_acc, D), jnp.float32)

    @functools.partial(
        pl.kernel,
        mesh=mesh,
        out_type=[out_sds, out_sds, out_sds],
        scratch_types=[
            pltpu.VMEM((2 * NB, CHUNK), jnp.int32),
            pltpu.VMEM((2 * NB, CHUNK), jnp.int32),
            pltpu.VMEM((2 * NB, CHUNK, D), jnp.float32),
            pltpu.VMEM_SHARED((n_acc, D), jnp.float32),
            pltpu.SemaphoreType.DMA((2 * NB,)),
            pltpu.SemaphoreType.DMA((2 * NB,)),
            pltpu.SemaphoreType.DMA((2 * NB,)),
        ],
    )
    def k(x_hbm, s1_hbm, d1_hbm, s2_hbm, d2_hbm, z_hbm,
          o1_hbm, o2b_hbm, o2p_hbm,
          src_v, dst_v, rows_v, acc, isem, gsem, ssem):
        sid = lax.axis_index("s")
        cid = lax.axis_index("c")

        row0 = pl.multiple_of(sid * rows_out, 8)
        pltpu.sync_copy(z_hbm.at[pl.ds(row0, rows_out)],
                        acc.at[pl.ds(row0, rows_out)])
        plsc.subcore_barrier()

        def process(s_hbm, d_hbm, base0, per_tile, n_iter):
            base = base0 + sid * per_tile

            def idx_start(c, u):
                e0 = base + c * CHUNK
                pltpu.async_copy(s_hbm.at[pl.ds(e0, CHUNK)],
                                 src_v.at[u], isem.at[u])
                pltpu.async_copy(d_hbm.at[pl.ds(e0, CHUNK)],
                                 dst_v.at[u], isem.at[u])

            def idx_wait(u):
                pltpu.make_async_copy(s_hbm.at[pl.ds(0, CHUNK)],
                                      src_v.at[u], isem.at[u]).wait()
                pltpu.make_async_copy(d_hbm.at[pl.ds(0, CHUNK)],
                                      dst_v.at[u], isem.at[u]).wait()

            def gather_wait(u):
                pltpu.make_async_copy(x_hbm.at[pl.ds(0, CHUNK)],
                                      rows_v.at[u], gsem.at[u]).wait()

            def scatter_wait(u):
                pltpu.make_async_copy(z_hbm.at[pl.ds(0, CHUNK)],
                                      rows_v.at[u], ssem.at[u]).wait()

            for b in range(NB):
                idx_start(b, b)

            @pl.loop(0, n_iter, step=2 * NB)
            def _(r):
                for S in (0, 1):
                    cb = r + S * NB
                    for b in range(NB):
                        u = S * NB + b
                        idx_wait(u)
                        pltpu.async_copy(x_hbm.at[src_v.at[u]],
                                         rows_v.at[u], gsem.at[u])

                    for b in range(NB):
                        u = S * NB + b
                        gather_wait(u)
                        pltpu.async_copy(rows_v.at[u], acc.at[dst_v.at[u]],
                                         ssem.at[u], add=True)

                    for b in range(NB):
                        u2 = (1 - S) * NB + b
                        c2 = cb + NB + b
                        if S == 0:
                            @pl.when(r > 0)
                            def _():
                                scatter_wait(u2)
                        else:
                            scatter_wait(u2)

                        @pl.when(c2 < n_iter)
                        def _():
                            idx_start(c2, u2)

            for b in range(NB):
                scatter_wait(NB + b)

        sl = pl.ds(row0, rows_out)

        @pl.when(cid == 0)
        def _():
            process(s1_hbm, d1_hbm, 0, per_tile1, n_iter1)
            plsc.subcore_barrier()
            pltpu.sync_copy(acc.at[sl], o1_hbm.at[sl])
            pltpu.sync_copy(z_hbm.at[sl], acc.at[sl])
            plsc.subcore_barrier()
            if n_iter2a > 0:
                process(s2_hbm, d2_hbm, 0, per_tile2a, n_iter2a)
            plsc.subcore_barrier()
            pltpu.sync_copy(acc.at[sl], o2p_hbm.at[sl])

        @pl.when(cid == 1)
        def _():
            process(s2_hbm, d2_hbm, e2a, per_tile2b, n_iter2b)
            plsc.subcore_barrier()
            pltpu.sync_copy(acc.at[sl], o2b_hbm.at[sl])

    return k


def _pad_edges(src, dst, n, n_acc):
    e = src.shape[0]
    e_pad = -(-e // EDGE_ALIGN) * EDGE_ALIGN
    if e_pad != e:
        pad = e_pad - e
        src = jnp.concatenate([src, jnp.zeros((pad,), src.dtype)])
        trash = n + jnp.arange(pad, dtype=dst.dtype) % (n_acc - n)
        dst = jnp.concatenate([dst, trash])
    return src, dst


def _merge_body(a_ref, b_ref, o_ref):
    o_ref[...] = a_ref[...] + b_ref[...]


@functools.lru_cache(maxsize=None)
def _make_merge(n_acc):
    blk = 1024
    spec = pl.BlockSpec((blk, D), lambda i: (i, 0))
    return pl.pallas_call(
        _merge_body,
        grid=(n_acc // blk,),
        in_specs=[spec, spec],
        out_specs=spec,
        out_shape=jax.ShapeDtypeStruct((n_acc, D), jnp.float32),
    )


def kernel(x, adj_t, adj_t2):
    n = x.shape[0]
    n_acc = -(-n // (NSUB * 8)) * 8 * NSUB
    s1, d1 = _pad_edges(adj_t[0], adj_t[1], n, n_acc)
    s2, d2 = _pad_edges(adj_t2[0], adj_t2[1], n, n_acc)
    zeros = jnp.zeros((n_acc, D), jnp.float32)
    k = _make_sc_kernel(n, s1.shape[0], s2.shape[0])
    x1, x2b, x2p = k(x, s1, d1, s2, d2, zeros)
    x2 = _make_merge(n_acc)(x2b, x2p)
    return jnp.concatenate([x1[:n], x2[:n]], axis=1)

# --- scband reference (transcript-rebuilt; emitter-appended) ---
"""Pipeline reference for scband-h2-gcnconv-16604343566796 (READ-ONLY COPY).

The authoritative reference and input builder live on the scoring server;
editing this copy changes nothing except your own understanding.
"""

import jax, jax.numpy as jnp
import numpy as np

N = 10000
D = 128
E = 320000
E2 = 640000


def setup_inputs(seed: int = 0) -> dict:
    key = jax.random.key(seed)
    k1, k2, k3 = jax.random.split(key, 3)
    x = jax.random.normal(k1, (N, D), dtype=jnp.float32)
    adj_t = jax.random.randint(k2, (2, E), 0, N, dtype=jnp.int32)
    adj_t2 = jax.random.randint(k3, (2, E2), 0, N, dtype=jnp.int32)
    return {"x": x, "adj_t": adj_t, "adj_t2": adj_t2}


def reference(x, adj_t, adj_t2):
    # matmul(adj_t, x): sparse-dense matmul with an unweighted (binary) adjacency
    # == gather source-node features and scatter-add into destination nodes.
    n = x.shape[0]
    src1, dst1 = adj_t[0], adj_t[1]
    x1 = jax.ops.segment_sum(x[src1], dst1, num_segments=n)
    src2, dst2 = adj_t2[0], adj_t2[1]
    x2 = jax.ops.segment_sum(x[src2], dst2, num_segments=n)
    return jnp.concatenate([x1, x2], axis=1)

if __name__ == "__main__":
    import jax
    _d = setup_inputs()
    print(jax.jit(kernel)(*tuple(_d.values())))

</pallas_src>

<mosaic_0001>
#map = affine_map<(d0, d1) -> (0, 0)>
#map1 = affine_map<(d0, d1) -> (0)>
module attributes {stable_mosaic.version = 14 : i64} {
  func.func @k(%arg0: i32, %arg1: i32, %arg2: memref<10000x128xf32, #tpu.memory_space<hbm>>, %arg3: memref<322560xi32, #tpu.memory_space<hbm>>, %arg4: memref<322560xi32, #tpu.memory_space<hbm>>, %arg5: memref<640000xi32, #tpu.memory_space<hbm>>, %arg6: memref<640000xi32, #tpu.memory_space<hbm>>, %arg7: memref<10112x128xf32, #tpu.memory_space<hbm>>, %arg8: memref<10112x128xf32, #tpu.memory_space<hbm>>, %arg9: memref<10112x128xf32, #tpu.memory_space<hbm>>, %arg10: memref<10112x128xf32, #tpu.memory_space<hbm>>, %arg11: memref<4x80xi32, #tpu.memory_space<vmem>>, %arg12: memref<4x80xi32, #tpu.memory_space<vmem>>, %arg13: memref<4x80x128xf32, #tpu.memory_space<vmem>>, %arg14: memref<10112x128xf32, #tpu.memory_space<vmem_shared>>, %arg15: memref<4x!tpu.dma_semaphore, #tpu.memory_space<semaphore_mem>>, %arg16: memref<4x!tpu.dma_semaphore, #tpu.memory_space<semaphore_mem>>, %arg17: memref<4x!tpu.dma_semaphore, #tpu.memory_space<semaphore_mem>>) attributes {dimension_semantics = [#tpu.dimension_semantics<core_parallel>, #tpu.dimension_semantics<subcore_parallel>], iteration_bounds = array<i64: 2, 16>, scalar_prefetch = 0 : i64, scratch_operands = 7 : i64, tpu.core_type = #tpu.core_type<sc_vector_subcore>, window_params = [{transform_indices = #map}, {transform_indices = #map1}, {transform_indices = #map1}, {transform_indices = #map1}, {transform_indices = #map1}, {transform_indices = #map}, {transform_indices = #map}, {transform_indices = #map}, {transform_indices = #map}]} {
    %mul3A = arith.constant 632 : i32
    %mul3A_0 = arith.muli %arg1, %mul3A : i32
    %multiple_of3A = tpu.assume_multiple %mul3A_0, 8 : i32
    "tpu.region"() ({
      %run_scoped3A = tpu.sem_alloc : memref<!tpu.dma_semaphore, #tpu.memory_space<semaphore_mem>>
      %dma_start3A = arith.constant 0 : i32
      %dma_start3A_8 = tpu.memref_slice %arg14[%multiple_of3A, %dma_start3A] : memref<10112x128xf32, #tpu.memory_space<vmem_shared>> -> memref<632x128xf32, #tpu.memory_space<vmem_shared>>
      %dma_start3A_9 = arith.constant 0 : i32
      %dma_start3A_10 = tpu.memref_slice %arg7[%multiple_of3A, %dma_start3A_9] : memref<10112x128xf32, #tpu.memory_space<hbm>> -> memref<632x128xf32, #tpu.memory_space<hbm>>
      tpu.enqueue_dma source(%dma_start3A_10 : memref<632x128xf32, #tpu.memory_space<hbm>>) target(%dma_start3A_8 : memref<632x128xf32, #tpu.memory_space<vmem_shared>>) target_semaphore(%run_scoped3A : memref<!tpu.dma_semaphore, #tpu.memory_space<semaphore_mem>>)
      %dma_wait3A = arith.constant 0 : i32
      %dma_wait3A_11 = tpu.memref_slice %arg14[%multiple_of3A, %dma_wait3A] : memref<10112x128xf32, #tpu.memory_space<vmem_shared>> -> memref<632x128xf32, #tpu.memory_space<vmem_shared>>
      %dma_wait3A_12 = arith.constant 0 : i32
      %dma_wait3A_13 = tpu.memref_slice %arg7[%multiple_of3A, %dma_wait3A_12] : memref<10112x128xf32, #tpu.memory_space<hbm>> -> memref<632x128xf32, #tpu.memory_space<hbm>>
      tpu.wait_dma2 semaphore(%run_scoped3A : memref<!tpu.dma_semaphore, #tpu.memory_space<semaphore_mem>>) src(%dma_wait3A_13 : memref<632x128xf32, #tpu.memory_space<hbm>>) dst(%dma_wait3A_11 : memref<632x128xf32, #tpu.memory_space<vmem_shared>>)
      tpu.yield
    }) : () -> ()
    %barrier3A = arith.constant 0 : index
    tpu.barrier barrier_id(%barrier3A)
    %eq3A = arith.constant 0 : i32
    %eq3A_1 = arith.cmpi eq, %arg0, %eq3A : i32
    %convert_element_type3A = arith.extui %eq3A_1 : i1 to i32
    %cond3A = arith.constant 0 : i32
    %cond3A_2 = arith.cmpi ne, %convert_element_type3A, %cond3A : i32
    scf.if %cond3A_2 {
      %mul3A_8 = arith.constant 20160 : i32
      %mul3A_9 = arith.muli %arg1, %mul3A_8 : i32
      %add3A = arith.constant 0 : i32
      %add3A_10 = arith.addi %add3A, %mul3A_9 : i32
      %add3A_11 = arith.constant 0 : i32
      %add3A_12 = arith.addi %add3A_10, %add3A_11 : i32
      %dma_start3A = arith.constant 0 : i32
      %dma_start3A_13 = arith.constant 0 : i32
      %dma_start3A_14 = arith.constant 0 : i32
      %dma_start3A_15 = tpu.memref_slice %arg11[%dma_start3A, %dma_start3A_14] : memref<4x80xi32, #tpu.memory_space<vmem>> -> memref<1x80xi32, #tpu.memory_space<vmem>>
      %dma_start3A_16 = tpu.memref_squeeze %dma_start3A_15 : memref<1x80xi32, #tpu.memory_space<vmem>> -> memref<80xi32, #tpu.memory_space<vmem>>
      %dma_start3A_17 = tpu.memref_slice %arg3[%add3A_12] : memref<322560xi32, #tpu.memory_space<hbm>> -> memref<80xi32, #tpu.memory_space<hbm>>
      %dma_start3A_18 = tpu.memref_slice %arg15[%dma_start3A_13] : memref<4x!tpu.dma_semaphore, #tpu.memory_space<semaphore_mem>> -> memref<1x!tpu.dma_semaphore, #tpu.memory_space<semaphore_mem>>
      %dma_start3A_19 = tpu.memref_squeeze %dma_start3A_18 : memref<1x!tpu.dma_semaphore, #tpu.memory_space<semaphore_mem>> -> memref<!tpu.dma_semaphore, #tpu.memory_space<semaphore_mem>>
      %dma_start3A_20 = arith.constant 0 : i32
      %dma_start3A_21 = tpu.memref_slice %arg11[%dma_start3A, %dma_start3A_20] : memref<4x80xi32, #tpu.memory_space<vmem>> -> memref<1x80xi32, #tpu.memory_space<vmem>>
      %dma_start3A_22 = tpu.memref_squeeze %dma_start3A_21 : memref<1x80xi32, #tpu.memory_space<vmem>> -> memref<80xi32, #tpu.memory_space<vmem>>
      %dma_start3A_23 = tpu.memref_slice %arg3[%add3A_12] : memref<322560xi32, #tpu.memory_space<hbm>> -> memref<80xi32, #tpu.memory_space<hbm>>
      tpu.enqueue_dma source(%dma_start3A_23 : memref<80xi32, #tpu.memory_space<hbm>>) target(%dma_start3A_22 : memref<80xi32, #tpu.memory_space<vmem>>) target_semaphore(%dma_start3A_19 : memref<!tpu.dma_semaphore, #tpu.memory_space<semaphore_mem>>)
      %dma_start3A_24 = arith.constant 0 : i32
      %dma_start3A_25 = arith.constant 0 : i32
      %dma_start3A_26 = arith.constant 0 : i32
      %dma_start3A_27 = tpu.memref_slice %arg12[%dma_start3A_24, %dma_start3A_26] : memref<4x80xi32, #tpu.memory_space<vmem>> -> memref<1x80xi32, #tpu.memory_space<vmem>>
      %dma_start3A_28 = tpu.memref_squeeze %dma_start3A_27 : memref<1x80xi32, #tpu.memory_space<vmem>> -> memref<80xi32, #tpu.memory_space<vmem>>
      %dma_start3A_29 = tpu.memref_slice %arg4[%add3A_12] : memref<322560xi32, #tpu.memory_space<hbm>> -> memref<80xi32, #tpu.memory_space<hbm>>
      %dma_start3A_30 = tpu.memref_slice %arg15[%dma_start3A_25] : memref<4x!tpu.dma_semaphore, #tpu.memory_space<semaphore_mem>> -> memref<1x!tpu.dma_semaphore, #tpu.memory_space<semaphore_mem>>
      %dma_start3A_31 = tpu.memref_squeeze %dma_start3A_30 : memref<1x!tpu.dma_semaphore, #tpu.memory_space<semaphore_mem>> -> memref<!tpu.dma_semaphore, #tpu.memory_space<semaphore_mem>>
      %dma_start3A_32 = arith.constant 0 : i32
      %dma_start3A_33 = tpu.memref_slice %arg12[%dma_start3A_24, %dma_start3A_32] : memref<4x80xi32, #tpu.memory_space<vmem>> -> memref<1x80xi32, #tpu.memory_space<vmem>>
      %dma_start3A_34 = tpu.memref_squeeze %dma_start3A_33 : memref<1x80xi32, #tpu.memory_space<vmem>> -> memref<80xi32, #tpu.memory_space<vmem>>
      %dma_start3A_35 = tpu.memref_slice %arg4[%add3A_12] : memref<322560xi32, #tpu.memory_space<hbm>> -> memref<80xi32, #tpu.memory_space<hbm>>
      tpu.enqueue_dma source(%dma_start3A_35 : memref<80xi32, #tpu.memory_space<hbm>>) target(%dma_start3A_34 : memref<80xi32, #tpu.memory_space<vmem>>) target_semaphore(%dma_start3A_31 : memref<!tpu.dma_semaphore, #tpu.memory_space<semaphore_mem>>)
      %add3A_36 = arith.constant 80 : i32
      %add3A_37 = arith.addi %add3A_10, %add3A_36 : i32
      %dma_start3A_38 = arith.constant 1 : i32
      %dma_start3A_39 = arith.constant 1 : i32
      %dma_start3A_40 = arith.constant 0 : i32
      %dma_start3A_41 = tpu.memref_slice %arg11[%dma_start3A_38, %dma_start3A_40] : memref<4x80xi32, #tpu.memory_space<vmem>> -> memref<1x80xi32, #tpu.memory_space<vmem>>
      %dma_start3A_42 = tpu.memref_squeeze %dma_start3A_41 : memref<1x80xi32, #tpu.memory_space<vmem>> -> memref<80xi32, #tpu.memory_space<vmem>>
      %dma_start3A_43 = tpu.memref_slice %arg3[%add3A_37] : memref<322560xi32, #tpu.memory_space<hbm>> -> memref<80xi32, #tpu.memory_space<hbm>>
      %dma_start3A_44 = tpu.memref_slice %arg15[%dma_start3A_39] : memref<4x!tpu.dma_semaphore, #tpu.memory_space<semaphore_mem>> -> memref<1x!tpu.dma_semaphore, #tpu.memory_space<semaphore_mem>>
      %dma_start3A_45 = tpu.memref_squeeze %dma_start3A_44 : memref<1x!tpu.dma_semaphore, #tpu.memory_space<semaphore_mem>> -> memref<!tpu.dma_semaphore, #tpu.memory_space<semaphore_mem>>
      %dma_start3A_46 = arith.constant 0 : i32
      %dma_start3A_47 = tpu.memref_slice %arg11[%dma_start3A_38, %dma_start3A_46] : memref<4x80xi32, #tpu.memory_space<vmem>> -> memref<1x80xi32, #tpu.memory_space<vmem>>
      %dma_start3A_48 = tpu.memref_squeeze %dma_start3A_47 : memref<1x80xi32, #tpu.memory_space<vmem>> -> memref<80xi32, #tpu.memory_space<vmem>>
      %dma_start3A_49 = tpu.memref_slice %arg3[%add3A_37] : memref<322560xi32, #tpu.memory_space<hbm>> -> memref<80xi32, #tpu.memory_space<hbm>>
      tpu.enqueue_dma source(%dma_start3A_49 : memref<80xi32, #tpu.memory_space<hbm>>) target(%dma_start3A_48 : memref<80xi32, #tpu.memory_space<vmem>>) target_semaphore(%dma_start3A_45 : memref<!tpu.dma_semaphore, #tpu.memory_space<semaphore_mem>>)
      %dma_start3A_50 = arith.constant 1 : i32
      %dma_start3A_51 = arith.constant 1 : i32
      %dma_start3A_52 = arith.constant 0 : i32
      %dma_start3A_53 = tpu.memref_slice %arg12[%dma_start3A_50, %dma_start3A_52] : memref<4x80xi32, #tpu.memory_space<vmem>> -> memref<1x80xi32, #tpu.memory_space<vmem>>
      %dma_start3A_54 = tpu.memref_squeeze %dma_start3A_53 : memref<1x80xi32, #tpu.memory_space<vmem>> -> memref<80xi32, #tpu.memory_space<vmem>>
      %dma_start3A_55 = tpu.memref_slice %arg4[%add3A_37] : memref<322560xi32, #tpu.memory_space<hbm>> -> memref<80xi32, #tpu.memory_space<hbm>>
      %dma_start3A_56 = tpu.memref_slice %arg15[%dma_start3A_51] : memref<4x!tpu.dma_semaphore, #tpu.memory_space<semaphore_mem>> -> memref<1x!tpu.dma_semaphore, #tpu.memory_space<semaphore_mem>>
      %dma_start3A_57 = tpu.memref_squeeze %dma_start3A_56 : memref<1x!tpu.dma_semaphore, #tpu.memory_space<semaphore_mem>> -> memref<!tpu.dma_semaphore, #tpu.memory_space<semaphore_mem>>
      %dma_start3A_58 = arith.constant 0 : i32
      %dma_start3A_59 = tpu.memref_slice %arg12[%dma_start3A_50, %dma_start3A_58] : memref<4x80xi32, #tpu.memory_space<vmem>> -> memref<1x80xi32, #tpu.memory_space<vmem>>
      %dma_start3A_60 = tpu.memref_squeeze %dma_start3A_59 : memref<1x80xi32, #tpu.memory_space<vmem>> -> memref<80xi32, #tpu.memory_space<vmem>>
      %dma_start3A_61 = tpu.memref_slice %arg4[%add3A_37] : memref<322560xi32, #tpu.memory_space<hbm>> -> memref<80xi32, #tpu.memory_space<hbm>>
      tpu.enqueue_dma source(%dma_start3A_61 : memref<80xi32, #tpu.memory_space<hbm>>) target(%dma_start3A_60 : memref<80xi32, #tpu.memory_space<vmem>>) target_semaphore(%dma_start3A_57 : memref<!tpu.dma_semaphore, #tpu.memory_space<semaphore_mem>>)
      %scan3A = arith.constant 0 : i32
      %scan3A_62 = arith.constant 63 : i32
      %scan3A_63 = arith.addi %scan3A, %scan3A_62 : i32
      %scan3A_64 = arith.constant 1 : i32
      scf.for %scan3A_201 = %scan3A to %scan3A_63 step %scan3A_64  : i32 {
        %mul3A_202 = arith.constant 4 : i32
        %mul3A_203 = arith.muli %scan3A_201, %mul3A_202 : i32
        %add3A_204 = arith.constant 0 : i32
        %add3A_205 = arith.addi %add3A_204, %mul3A_203 : i32
        %add3A_206 = arith.constant 0 : i32
        %add3A_207 = arith.addi %add3A_205, %add3A_206 : i32
        %dma_wait3A_208 = arith.constant 0 : i32
        %dma_wait3A_209 = arith.constant 0 : i32
        %dma_wait3A_210 = arith.constant 0 : i32
        %dma_wait3A_211 = tpu.memref_slice %arg11[%dma_wait3A_208, %dma_wait3A_210] : memref<4x80xi32, #tpu.memory_space<vmem>> -> memref<1x80xi32, #tpu.memory_space<vmem>>
        %dma_wait3A_212 = tpu.memref_squeeze %dma_wait3A_211 : memref<1x80xi32, #tpu.memory_space<vmem>> -> memref<80xi32, #tpu.memory_space<vmem>>
        %dma_wait3A_213 = arith.constant 0 : i32
        %dma_wait3A_214 = tpu.memref_slice %arg3[%dma_wait3A_213] : memref<322560xi32, #tpu.memory_space<hbm>> -> memref<80xi32, #tpu.memory_space<hbm>>
        %dma_wait3A_215 = tpu.memref_slice %arg15[%dma_wait3A_209] : memref<4x!tpu.dma_semaphore, #tpu.memory_space<semaphore_mem>> -> memref<1x!tpu.dma_semaphore, #tpu.memory_space<semaphore_mem>>
        %dma_wait3A_216 = tpu.memref_squeeze %dma_wait3A_215 : memref<1x!tpu.dma_semaphore, #tpu.memory_space<semaphore_mem>> -> memref<!tpu.dma_semaphore, #tpu.memory_space<semaphore_mem>>
        %dma_wait3A_217 = arith.constant 0 : i32
        %dma_wait3A_218 = tpu.memref_slice %arg11[%dma_wait3A_208, %dma_wait3A_217] : memref<4x80xi32, #tpu.memory_space<vmem>> -> memref<1x80xi32, #tpu.memory_space<vmem>>
        %dma_wait3A_219 = tpu.memref_squeeze %dma_wait3A_218 : memref<1x80xi32, #tpu.memory_space<vmem>> -> memref<80xi32, #tpu.memory_space<vmem>>
        %dma_wait3A_220 = arith.constant 0 : i32
        %dma_wait3A_221 = tpu.memref_slice %arg3[%dma_wait3A_220] : memref<322560xi32, #tpu.memory_space<hbm>> -> memref<80xi32, #tpu.memory_space<hbm>>
        tpu.wait_dma2 semaphore(%dma_wait3A_216 : memref<!tpu.dma_semaphore, #tpu.memory_space<semaphore_mem>>) src(%dma_wait3A_221 : memref<80xi32, #tpu.memory_space<hbm>>) dst(%dma_wait3A_219 : memref<80xi32, #tpu.memory_space<vmem>>)
        %dma_wait3A_222 = arith.constant 0 : i32
        %dma_wait3A_223 = arith.constant 0 : i32
        %dma_wait3A_224 = arith.constant 0 : i32
        %dma_wait3A_225 = tpu.memref_slice %arg12[%dma_wait3A_222, %dma_wait3A_224] : memref<4x80xi32, #tpu.memory_space<vmem>> -> memref<1x80xi32, #tpu.memory_space<vmem>>
        %dma_wait3A_226 = tpu.memref_squeeze %dma_wait3A_225 : memref<1x80xi32, #tpu.memory_space<vmem>> -> memref<80xi32, #tpu.memory_space<vmem>>
        %dma_wait3A_227 = arith.constant 0 : i32
        %dma_wait3A_228 = tpu.memref_slice %arg4[%dma_wait3A_227] : memref<322560xi32, #tpu.memory_space<hbm>> -> memref<80xi32, #tpu.memory_space<hbm>>
        %dma_wait3A_229 = tpu.memref_slice %arg15[%dma_wait3A_223] : memref<4x!tpu.dma_semaphore, #tpu.memory_space<semaphore_mem>> -> memref<1x!tpu.dma_semaphore, #tpu.memory_space<semaphore_mem>>
        %dma_wait3A_230 = tpu.memref_squeeze %dma_wait3A_229 : memref<1x!tpu.dma_semaphore, #tpu.memory_space<semaphore_mem>> -> memref<!tpu.dma_semaphore, #tpu.memory_space<semaphore_mem>>
        %dma_wait3A_231 = arith.constant 0 : i32
        %dma_wait3A_232 = tpu.memref_slice %arg12[%dma_wait3A_222, %dma_wait3A_231] : memref<4x80xi32, #tpu.memory_space<vmem>> -> memref<1x80xi32, #tpu.memory_space<vmem>>
        %dma_wait3A_233 = tpu.memref_squeeze %dma_wait3A_232 : memref<1x80xi32, #tpu.memory_space<vmem>> -> memref<80xi32, #tpu.memory_space<vmem>>
        %dma_wait3A_234 = arith.constant 0 : i32
        %dma_wait3A_235 = tpu.memref_slice %arg4[%dma_wait3A_234] : memref<322560xi32, #tpu.memory_space<hbm>> -> memref<80xi32, #tpu.memory_space<hbm>>
        tpu.wait_dma2 semaphore(%dma_wait3A_230 : memref<!tpu.dma_semaphore, #tpu.memory_space<semaphore_mem>>) src(%dma_wait3A_235 : memref<80xi32, #tpu.memory_space<hbm>>) dst(%dma_wait3A_233 : memref<80xi32, #tpu.memory_space<vmem>>)
        %dma_start3A_236 = arith.constant 0 : i32
        %dma_start3A_237 = arith.constant 0 : i32
        %dma_start3A_238 = arith.constant 0 : i32
        %dma_start3A_239 = arith.constant 0 : i32
        %dma_start3A_240 = arith.constant 0 : i32
        %dma_start3A_241 = tpu.memref_slice %arg13[%dma_start3A_237, %dma_start3A_239, %dma_start3A_240] : memref<4x80x128xf32, #tpu.memory_space<vmem>> -> memref<1x80x128xf32, #tpu.memory_space<vmem>>
        %dma_start3A_242 = tpu.memref_squeeze %dma_start3A_241 : memref<1x80x128xf32, #tpu.memory_space<vmem>> -> memref<80x128xf32, #tpu.memory_space<vmem>>
        %dma_start3A_243 = arith.constant 0 : i32
        %dma_start3A_244 = tpu.memref_slice %arg11[%dma_start3A_236, %dma_start3A_243] : memref<4x80xi32, #tpu.memory_space<vmem>> -> memref<1x80xi32, #tpu.memory_space<vmem>>
        %dma_start3A_245 = tpu.memref_squeeze %dma_start3A_244 : memref<1x80xi32, #tpu.memory_space<vmem>> -> memref<80xi32, #tpu.memory_space<vmem>>
        %dma_start3A_246 = arith.constant 0 : i32
        %dma_start3A_247 = arith.constant 0 : i32
        %dma_start3A_248 = tpu.memref_slice %arg2[%dma_start3A_246, %dma_start3A_247] : memref<10000x128xf32, #tpu.memory_space<hbm>> -> memref<10000x128xf32, #tpu.memory_space<hbm>>
        %dma_start3A_249 = tpu.memref_slice %arg16[%dma_start3A_238] : memref<4x!tpu.dma_semaphore, #tpu.memory_space<semaphore_mem>> -> memref<1x!tpu.dma_semaphore, #tpu.memory_space<semaphore_mem>>
        %dma_start3A_250 = tpu.memref_squeeze %dma_start3A_249 : memref<1x!tpu.dma_semaphore, #tpu.memory_space<semaphore_mem>> -> memref<!tpu.dma_semaphore, #tpu.memory_space<semaphore_mem>>
        tpu.enqueue_indirect_dma source(%dma_start3A_248 : memref<10000x128xf32, #tpu.memory_space<hbm>>) target(%dma_start3A_242 : memref<80x128xf32, #tpu.memory_space<vmem>>) offsets(%dma_start3A_245 : memref<80xi32, #tpu.memory_space<vmem>>) semaphore(%dma_start3A_250 : memref<!tpu.dma_semaphore, #tpu.memory_space<semaphore_mem>>)
        %dma_wait3A_251 = arith.constant 1 : i32
        %dma_wait3A_252 = arith.constant 1 : i32
        %dma_wait3A_253 = arith.constant 0 : i32
        %dma_wait3A_254 = tpu.memref_slice %arg11[%dma_wait3A_251, %dma_wait3A_253] : memref<4x80xi32, #tpu.memory_space<vmem>> -> memref<1x80xi32, #tpu.memory_space<vmem>>
        %dma_wait3A_255 = tpu.memref_squeeze %dma_wait3A_254 : memref<1x80xi32, #tpu.memory_space<vmem>> -> memref<80xi32, #tpu.memory_space<vmem>>
        %dma_wait3A_256 = arith.constant 0 : i32
        %dma_wait3A_257 = tpu.memref_slice %arg3[%dma_wait3A_256] : memref<322560xi32, #tpu.memory_space<hbm>> -> memref<80xi32, #tpu.memory_space<hbm>>
        %dma_wait3A_258 = tpu.memref_slice %arg15[%dma_wait3A_252] : memref<4x!tpu.dma_semaphore, #tpu.memory_space<semaphore_mem>> -> memref<1x!tpu.dma_semaphore, #tpu.memory_space<semaphore_mem>>
        %dma_wait3A_259 = tpu.memref_squeeze %dma_wait3A_258 : memref<1x!tpu.dma_semaphore, #tpu.memory_space<semaphore_mem>> -> memref<!tpu.dma_semaphore, #tpu.memory_space<semaphore_mem>>
        %dma_wait3A_260 = arith.constant 0 : i32
        %dma_wait3A_261 = tpu.memref_slice %arg11[%dma_wait3A_251, %dma_wait3A_260] : memref<4x80xi32, #tpu.memory_space<vmem>> -> memref<1x80xi32, #tpu.memory_space<vmem>>
        %dma_wait3A_262 = tpu.memref_squeeze %dma_wait3A_261 : memref<1x80xi32, #tpu.memory_space<vmem>> -> memref<80xi32, #tpu.memory_space<vmem>>
        %dma_wait3A_263 = arith.constant 0 : i32
        %dma_wait3A_264 = tpu.memref_slice %arg3[%dma_wait3A_263] : memref<322560xi32, #tpu.memory_space<hbm>> -> memref<80xi32, #tpu.memory_space<hbm>>
        tpu.wait_dma2 semaphore(%dma_wait3A_259 : memref<!tpu.dma_semaphore, #tpu.memory_space<semaphore_mem>>) src(%dma_wait3A_264 : memref<80xi32, #tpu.memory_space<hbm>>) dst(%dma_wait3A_262 : memref<80xi32, #tpu.memory_space<vmem>>)
        %dma_wait3A_265 = arith.constant 1 : i32
        %dma_wait3A_266 = arith.constant 1 : i32
        %dma_wait3A_267 = arith.constant 0 : i32
        %dma_wait3A_268 = tpu.memref_slice %arg12[%dma_wait3A_265, %dma_wait3A_267] : memref<4x80xi32, #tpu.memory_space<vmem>> -> memref<1x80xi32, #tpu.memory_space<vmem>>
        %dma_wait3A_269 = tpu.memref_squeeze %dma_wait3A_268 : memref<1x80xi32, #tpu.memory_space<vmem>> -> memref<80xi32, #tpu.memory_space<vmem>>
        %dma_wait3A_270 = arith.constant 0 : i32
        %dma_wait3A_271 = tpu.memref_slice %arg4[%dma_wait3A_270] : memref<322560xi32, #tpu.memory_space<hbm>> -> memref<80xi32, #tpu.memory_space<hbm>>
        %dma_wait3A_272 = tpu.memref_slice %arg15[%dma_wait3A_266] : memref<4x!tpu.dma_semaphore, #tpu.memory_space<semaphore_mem>> -> memref<1x!tpu.dma_semaphore, #tpu.memory_space<semaphore_mem>>
        %dma_wait3A_273 = tpu.memref_squeeze %dma_wait3A_272 : memref<1x!tpu.dma_semaphore, #tpu.memory_space<semaphore_mem>> -> memref<!tpu.dma_semaphore, #tpu.memory_space<semaphore_mem>>
        %dma_wait3A_274 = arith.constant 0 : i32
        %dma_wait3A_275 = tpu.memref_slice %arg12[%dma_wait3A_265, %dma_wait3A_274] : memref<4x80xi32, #tpu.memory_space<vmem>> -> memref<1x80xi32, #tpu.memory_space<vmem>>
        %dma_wait3A_276 = tpu.memref_squeeze %dma_wait3A_275 : memref<1x80xi32, #tpu.memory_space<vmem>> -> memref<80xi32, #tpu.memory_space<vmem>>
        %dma_wait3A_277 = arith.constant 0 : i32
        %dma_wait3A_278 = tpu.memref_slice %arg4[%dma_wait3A_277] : memref<322560xi32, #tpu.memory_space<hbm>> -> memref<80xi32, #tpu.memory_space<hbm>>
        tpu.wait_dma2 semaphore(%dma_wait3A_273 : memref<!tpu.dma_semaphore, #tpu.memory_space<semaphore_mem>>) src(%dma_wait3A_278 : memref<80xi32, #tpu.memory_space<hbm>>) dst(%dma_wait3A_276 : memref<80xi32, #tpu.memory_space<vmem>>)
        %dma_start3A_279 = arith.constant 1 : i32
        %dma_start3A_280 = arith.constant 1 : i32
        %dma_start3A_281 = arith.constant 1 : i32
        %dma_start3A_282 = arith.constant 0 : i32
        %dma_start3A_283 = arith.constant 0 : i32
        %dma_start3A_284 = tpu.memref_slice %arg13[%dma_start3A_280, %dma_start3A_282, %dma_start3A_283] : memref<4x80x128xf32, #tpu.memory_space<vmem>> -> memref<1x80x128xf32, #tpu.memory_space<vmem>>
        %dma_start3A_285 = tpu.memref_squeeze %dma_start3A_284 : memref<1x80x128xf32, #tpu.memory_space<vmem>> -> memref<80x128xf32, #tpu.memory_space<vmem>>
        %dma_start3A_286 = arith.constant 0 : i32
        %dma_start3A_287 = tpu.memref_slice %arg11[%dma_start3A_279, %dma_start3A_286] : memref<4x80xi32, #tpu.memory_space<vmem>> -> memref<1x80xi32, #tpu.memory_space<vmem>>
        %dma_start3A_288 = tpu.memref_squeeze %dma_start3A_287 : memref<1x80xi32, #tpu.memory_space<vmem>> -> memref<80xi32, #tpu.memory_space<vmem>>
        %dma_start3A_289 = arith.constant 0 : i32
        %dma_start3A_290 = arith.constant 0 : i32
        %dma_start3A_291 = tpu.memref_slice %arg2[%dma_start3A_289, %dma_start3A_290] : memref<10000x128xf32, #tpu.memory_space<hbm>> -> memref<10000x128xf32, #tpu.memory_space<hbm>>
        %dma_start3A_292 = tpu.memref_slice %arg16[%dma_start3A_281] : memref<4x!tpu.dma_semaphore, #tpu.memory_space<semaphore_mem>> -> memref<1x!tpu.dma_semaphore, #tpu.memory_space<semaphore_mem>>
        %dma_start3A_293 = tpu.memref_squeeze %dma_start3A_292 : memref<1x!tpu.dma_semaphore, #tpu.memory_space<semaphore_mem>> -> memref<!tpu.dma_semaphore, #tpu.memory_space<semaphore_mem>>
        tpu.enqueue_indirect_dma source(%dma_start3A_291 : memref<10000x128xf32, #tpu.memory_space<hbm>>) target(%dma_start3A_285 : memref<80x128xf32, #tpu.memory_space<vmem>>) offsets(%dma_start3A_288 : memref<80xi32, #tpu.memory_space<vmem>>) semaphore(%dma_start3A_293 : memref<!tpu.dma_semaphore, #tpu.memory_space<semaphore_mem>>)
        %dma_wait3A_294 = arith.constant 0 : i32
        %dma_wait3A_295 = arith.constant 0 : i32
        %dma_wait3A_296 = arith.constant 0 : i32
        %dma_wait3A_297 = arith.constant 0 : i32
        %dma_wait3A_298 = tpu.memref_slice %arg13[%dma_wait3A_294, %dma_wait3A_296, %dma_wait3A_297] : memref<4x80x128xf32, #tpu.memory_space<vmem>> -> memref<1x80x128xf32, #tpu.memory_space<vmem>>
        %dma_wait3A_299 = tpu.memref_squeeze %dma_wait3A_298 : memref<1x80x128xf32, #tpu.memory_space<vmem>> -> memref<80x128xf32, #tpu.memory_space<vmem>>
        %dma_wait3A_300 = arith.constant 0 : i32
        %dma_wait3A_301 = arith.constant 0 : i32
        %dma_wait3A_302 = tpu.memref_slice %arg2[%dma_wait3A_300, %dma_wait3A_301] : memref<10000x128xf32, #tpu.memory_space<hbm>> -> memref<80x128xf32, #tpu.memory_space<hbm>>
        %dma_wait3A_303 = tpu.memref_slice %arg16[%dma_wait3A_295] : memref<4x!tpu.dma_semaphore, #tpu.memory_space<semaphore_mem>> -> memref<1x!tpu.dma_semaphore, #tpu.memory_space<semaphore_mem>>
        %dma_wait3A_304 = tpu.memref_squeeze %dma_wait3A_303 : memref<1x!tpu.dma_semaphore, #tpu.memory_space<semaphore_mem>> -> memref<!tpu.dma_semaphore, #tpu.memory_space<semaphore_mem>>
        %dma_wait3A_305 = arith.constant 0 : i32
        %dma_wait3A_306 = arith.constant 0 : i32
        %dma_wait3A_307 = tpu.memref_slice %arg13[%dma_wait3A_294, %dma_wait3A_305, %dma_wait3A_306] : memref<4x80x128xf32, #tpu.memory_space<vmem>> -> memref<1x80x128xf32, #tpu.memory_space<vmem>>
        %dma_wait3A_308 = tpu.memref_squeeze %dma_wait3A_307 : memref<1x80x128xf32, #tpu.memory_space<vmem>> -> memref<80x128xf32, #tpu.memory_space<vmem>>
        %dma_wait3A_309 = arith.constant 0 : i32
        %dma_wait3A_310 = arith.constant 0 : i32
        %dma_wait3A_311 = tpu.memref_slice %arg2[%dma_wait3A_309, %dma_wait3A_310] : memref<10000x128xf32, #tpu.memory_space<hbm>> -> memref<80x128xf32, #tpu.memory_space<hbm>>
        tpu.wait_dma2 semaphore(%dma_wait3A_304 : memref<!tpu.dma_semaphore, #tpu.memory_space<semaphore_mem>>) src(%dma_wait3A_311 : memref<80x128xf32, #tpu.memory_space<hbm>>) dst(%dma_wait3A_308 : memref<80x128xf32, #tpu.memory_space<vmem>>)
        %dma_start3A_312 = arith.constant 0 : i32
        %dma_start3A_313 = arith.constant 0 : i32
        %dma_start3A_314 = arith.constant 0 : i32
        %dma_start3A_315 = arith.constant 0 : i32
        %dma_start3A_316 = arith.constant 0 : i32
        %dma_start3A_317 = tpu.memref_slice %arg13[%dma_start3A_312, %dma_start3A_315, %dma_start3A_316] : memref<4x80x128xf32, #tpu.memory_space<vmem>> -> memref<1x80x128xf32, #tpu.memory_space<vmem>>
        %dma_start3A_318 = tpu.memref_squeeze %dma_start3A_317 : memref<1x80x128xf32, #tpu.memory_space<vmem>> -> memref<80x128xf32, #tpu.memory_space<vmem>>
        %dma_start3A_319 = arith.constant 0 : i32
        %dma_start3A_320 = tpu.memref_slice %arg12[%dma_start3A_313, %dma_start3A_319] : memref<4x80xi32, #tpu.memory_space<vmem>> -> memref<1x80xi32, #tpu.memory_space<vmem>>
        %dma_start3A_321 = tpu.memref_squeeze %dma_start3A_320 : memref<1x80xi32, #tpu.memory_space<vmem>> -> memref<80xi32, #tpu.memory_space<vmem>>
        %dma_start3A_322 = arith.constant 0 : i32
        %dma_start3A_323 = arith.constant 0 : i32
        %dma_start3A_324 = tpu.memref_slice %arg14[%dma_start3A_322, %dma_start3A_323] : memref<10112x128xf32, #tpu.memory_space<vmem_shared>> -> memref<10112x128xf32, #tpu.memory_space<vmem_shared>>
        %dma_start3A_325 = tpu.memref_slice %arg17[%dma_start3A_314] : memref<4x!tpu.dma_semaphore, #tpu.memory_space<semaphore_mem>> -> memref<1x!tpu.dma_semaphore, #tpu.memory_space<semaphore_mem>>
        %dma_start3A_326 = tpu.memref_squeeze %dma_start3A_325 : memref<1x!tpu.dma_semaphore, #tpu.memory_space<semaphore_mem>> -> memref<!tpu.dma_semaphore, #tpu.memory_space<semaphore_mem>>
        tpu.enqueue_indirect_dma source(%dma_start3A_318 : memref<80x128xf32, #tpu.memory_space<vmem>>) target(%dma_start3A_324 : memref<10112x128xf32, #tpu.memory_space<vmem_shared>>) offsets(%dma_start3A_321 : memref<80xi32, #tpu.memory_space<vmem>>) semaphore(%dma_start3A_326 : memref<!tpu.dma_semaphore, #tpu.memory_space<semaphore_mem>>) {add = true}
        %dma_wait3A_327 = arith.constant 1 : i32
        %dma_wait3A_328 = arith.constant 1 : i32
        %dma_wait3A_329 = arith.constant 0 : i32
        %dma_wait3A_330 = arith.constant 0 : i32
        %dma_wait3A_331 = tpu.memref_slice %arg13[%dma_wait3A_327, %dma_wait3A_329, %dma_wait3A_330] : memref<4x80x128xf32, #tpu.memory_space<vmem>> -> memref<1x80x128xf32, #tpu.memory_space<vmem>>
        %dma_wait3A_332 = tpu.memref_squeeze %dma_wait3A_331 : memref<1x80x128xf32, #tpu.memory_space<vmem>> -> memref<80x128xf32, #tpu.memory_space<vmem>>
        %dma_wait3A_333 = arith.constant 0 : i32
        %dma_wait3A_334 = arith.constant 0 : i32
        %dma_wait3A_335 = tpu.memref_slice %arg2[%dma_wait3A_333, %dma_wait3A_334] : memref<10000x128xf32, #tpu.memory_space<hbm>> -> memref<80x128xf32, #tpu.memory_space<hbm>>
        %dma_wait3A_336 = tpu.memref_slice %arg16[%dma_wait3A_328] : memref<4x!tpu.dma_semaphore, #tpu.memory_space<semaphore_mem>> -> memref<1x!tpu.dma_semaphore, #tpu.memory_space<semaphore_mem>>
        %dma_wait3A_337 = tpu.memref_squeeze %dma_wait3A_336 : memref<1x!tpu.dma_semaphore, #tpu.memory_space<semaphore_mem>> -> memref<!tpu.dma_semaphore, #tpu.memory_space<semaphore_mem>>
        %dma_wait3A_338 = arith.constant 0 : i32
        %dma_wait3A_339 = arith.constant 0 : i32
        %dma_wait3A_340 = tpu.memref_slice %arg13[%dma_wait3A_327, %dma_wait3A_338, %dma_wait3A_339] : memref<4x80x128xf32, #tpu.memory_space<vmem>> -> memref<1x80x128xf32, #tpu.memory_space<vmem>>
        %dma_wait3A_341 = tpu.memref_squeeze %dma_wait3A_340 : memref<1x80x128xf32, #tpu.memory_space<vmem>> -> memref<80x128xf32, #tpu.memory_space<vmem>>
        %dma_wait3A_342 = arith.constant 0 : i32
        %dma_wait3A_343 = arith.constant 0 : i32
        %dma_wait3A_344 = tpu.memref_slice %arg2[%dma_wait3A_342, %dma_wait3A_343] : memref<10000x128xf32, #tpu.memory_space<hbm>> -> memref<80x128xf32, #tpu.memory_space<hbm>>
        tpu.wait_dma2 semaphore(%dma_wait3A_337 : memref<!tpu.dma_semaphore, #tpu.memory_space<semaphore_mem>>) src(%dma_wait3A_344 : memref<80x128xf32, #tpu.memory_space<hbm>>) dst(%dma_wait3A_341 : memref<80x128xf32, #tpu.memory_space<vmem>>)
        %dma_start3A_345 = arith.constant 1 : i32
        %dma_start3A_346 = arith.constant 1 : i32
        %dma_start3A_347 = arith.constant 1 : i32
        %dma_start3A_348 = arith.constant 0 : i32
        %dma_start3A_349 = arith.constant 0 : i32
        %dma_start3A_350 = tpu.memref_slice %arg13[%dma_start3A_345, %dma_start3A_348, %dma_start3A_349] : memref<4x80x128xf32, #tpu.memory_space<vmem>> -> memref<1x80x128xf32, #tpu.memory_space<vmem>>
        %dma_start3A_351 = tpu.memref_squeeze %dma_start3A_350 : memref<1x80x128xf32, #tpu.memory_space<vmem>> -> memref<80x128xf32, #tpu.memory_space<vmem>>
        %dma_start3A_352 = arith.constant 0 : i32
        %dma_start3A_353 = tpu.memref_slice %arg12[%dma_start3A_346, %dma_start3A_352] : memref<4x80xi32, #tpu.memory_space<vmem>> -> memref<1x80xi32, #tpu.memory_space<vmem>>
        %dma_start3A_354 = tpu.memref_squeeze %dma_start3A_353 : memref<1x80xi32, #tpu.memory_space<vmem>> -> memref<80xi32, #tpu.memory_space<vmem>>
        %dma_start3A_355 = arith.constant 0 : i32
        %dma_start3A_356 = arith.constant 0 : i32
        %dma_start3A_357 = tpu.memref_slice %arg14[%dma_start3A_355, %dma_start3A_356] : memref<10112x128xf32, #tpu.memory_space<vmem_shared>> -> memref<10112x128xf32, #tpu.memory_space<vmem_shared>>
        %dma_start3A_358 = tpu.memref_slice %arg17[%dma_start3A_347] : memref<4x!tpu.dma_semaphore, #tpu.memory_space<semaphore_mem>> -> memref<1x!tpu.dma_semaphore, #tpu.memory_space<semaphore_mem>>
        %dma_start3A_359 = tpu.memref_squeeze %dma_start3A_358 : memref<1x!tpu.dma_semaphore, #tpu.memory_space<semaphore_mem>> -> memref<!tpu.dma_semaphore, #tpu.memory_space<semaphore_mem>>
        tpu.enqueue_indirect_dma source(%dma_start3A_351 : memref<80x128xf32, #tpu.memory_space<vmem>>) target(%dma_start3A_357 : memref<10112x128xf32, #tpu.memory_space<vmem_shared>>) offsets(%dma_start3A_354 : memref<80xi32, #tpu.memory_space<vmem>>) semaphore(%dma_start3A_359 : memref<!tpu.dma_semaphore, #tpu.memory_space<semaphore_mem>>) {add = true}
        %add3A_360 = arith.constant 2 : i32
        %add3A_361 = arith.addi %add3A_207, %add3A_360 : i32
        %add3A_362 = arith.constant 0 : i32
        %add3A_363 = arith.addi %add3A_361, %add3A_362 : i32
        %gt3A = arith.constant 0 : i32
        %gt3A_364 = arith.cmpi sgt, %add3A_205, %gt3A : i32
        %convert_element_type3A_365 = arith.extui %gt3A_364 : i1 to i32
        %cond3A_366 = arith.constant 0 : i32
        %cond3A_367 = arith.cmpi ne, %convert_element_type3A_365, %cond3A_366 : i32
        scf.if %cond3A_367 {
          %dma_wait3A_594 = arith.constant 2 : i32
          %dma_wait3A_595 = arith.constant 2 : i32
          %dma_wait3A_596 = arith.constant 0 : i32
          %dma_wait3A_597 = arith.constant 0 : i32
          %dma_wait3A_598 = tpu.memref_slice %arg13[%dma_wait3A_594, %dma_wait3A_596, %dma_wait3A_597] : memref<4x80x128xf32, #tpu.memory_space<vmem>> -> memref<1x80x128xf32, #tpu.memory_space<vmem>>
          %dma_wait3A_599 = tpu.memref_squeeze %dma_wait3A_598 : memref<1x80x128xf32, #tpu.memory_space<vmem>> -> memref<80x128xf32, #tpu.memory_space<vmem>>
          %dma_wait3A_600 = arith.constant 0 : i32
          %dma_wait3A_601 = arith.constant 0 : i32
          %dma_wait3A_602 = tpu.memref_slice %arg7[%dma_wait3A_600, %dma_wait3A_601] : memref<10112x128xf32, #tpu.memory_space<hbm>> -> memref<80x128xf32, #tpu.memory_space<hbm>>
          %dma_wait3A_603 = tpu.memref_slice %arg17[%dma_wait3A_595] : memref<4x!tpu.dma_semaphore, #tpu.memory_space<semaphore_mem>> -> memref<1x!tpu.dma_semaphore, #tpu.memory_space<semaphore_mem>>
          %dma_wait3A_604 = tpu.memref_squeeze %dma_wait3A_603 : memref<1x!tpu.dma_semaphore, #tpu.memory_space<semaphore_mem>> -> memref<!tpu.dma_semaphore, #tpu.memory_space<semaphore_mem>>
          %dma_wait3A_605 = arith.constant 0 : i32
          %dma_wait3A_606 = arith.constant 0 : i32
          %dma_wait3A_607 = tpu.memref_slice %arg13[%dma_wait3A_594, %dma_wait3A_605, %dma_wait3A_606] : memref<4x80x128xf32, #tpu.memory_space<vmem>> -> memref<1x80x128xf32, #tpu.memory_space<vmem>>
          %dma_wait3A_608 = tpu.memref_squeeze %dma_wait3A_607 : memref<1x80x128xf32, #tpu.memory_space<vmem>> -> memref<80x128xf32, #tpu.memory_space<vmem>>
          %dma_wait3A_609 = arith.constant 0 : i32
          %dma_wait3A_610 = arith.constant 0 : i32
          %dma_wait3A_611 = tpu.memref_slice %arg7[%dma_wait3A_609, %dma_wait3A_610] : memref<10112x128xf32, #tpu.memory_space<hbm>> -> memref<80x128xf32, #tpu.memory_space<hbm>>
          tpu.wait_dma2 semaphore(%dma_wait3A_604 : memref<!tpu.dma_semaphore, #tpu.memory_space<semaphore_mem>>) src(%dma_wait3A_611 : memref<80x128xf32, #tpu.memory_space<hbm>>) dst(%dma_wait3A_608 : memref<80x128xf32, #tpu.memory_space<vmem>>)
        } else {
        }
        %lt3A = arith.constant 252 : i32
        %lt3A_368 = arith.cmpi slt, %add3A_363, %lt3A : i32
        %convert_element_type3A_369 = arith.extui %lt3A_368 : i1 to i32
        %cond3A_370 = arith.constant 0 : i32
        %cond3A_371 = arith.cmpi ne, %convert_element_type3A_369, %cond3A_370 : i32
        scf.if %cond3A_371 {
          %mul3A_594 = arith.constant 80 : i32
          %mul3A_595 = arith.muli %add3A_363, %mul3A_594 : i32
          %add3A_596 = arith.addi %add3A_10, %mul3A_595 : i32
          %dma_start3A_597 = arith.constant 2 : i32
          %dma_start3A_598 = arith.constant 2 : i32
          %dma_start3A_599 = arith.constant 0 : i32
          %dma_start3A_600 = tpu.memref_slice %arg11[%dma_start3A_597, %dma_start3A_599] : memref<4x80xi32, #tpu.memory_space<vmem>> -> memref<1x80xi32, #tpu.memory_space<vmem>>
          %dma_start3A_601 = tpu.memref_squeeze %dma_start3A_600 : memref<1x80xi32, #tpu.memory_space<vmem>> -> memref<80xi32, #tpu.memory_space<vmem>>
          %dma_start3A_602 = tpu.memref_slice %arg3[%add3A_596] : memref<322560xi32, #tpu.memory_space<hbm>> -> memref<80xi32, #tpu.memory_space<hbm>>
          %dma_start3A_603 = tpu.memref_slice %arg15[%dma_start3A_598] : memref<4x!tpu.dma_semaphore, #tpu.memory_space<semaphore_mem>> -> memref<1x!tpu.dma_semaphore, #tpu.memory_space<semaphore_mem>>
          %dma_start3A_604 = tpu.memref_squeeze %dma_start3A_603 : memref<1x!tpu.dma_semaphore, #tpu.memory_space<semaphore_mem>> -> memref<!tpu.dma_semaphore, #tpu.memory_space<semaphore_mem>>
          %dma_start3A_605 = arith.constant 0 : i32
          %dma_start3A_606 = tpu.memref_slice %arg11[%dma_start3A_597, %dma_start3A_605] : memref<4x80xi32, #tpu.memory_space<vmem>> -> memref<1x80xi32, #tpu.memory_space<vmem>>
          %dma_start3A_607 = tpu.memref_squeeze %dma_start3A_606 : memref<1x80xi32, #tpu.memory_space<vmem>> -> memref<80xi32, #tpu.memory_space<vmem>>
          %dma_start3A_608 = tpu.memref_slice %arg3[%add3A_596] : memref<322560xi32, #tpu.memory_space<hbm>> -> memref<80xi32, #tpu.memory_space<hbm>>
          tpu.enqueue_dma source(%dma_start3A_608 : memref<80xi32, #tpu.memory_space<hbm>>) target(%dma_start3A_607 : memref<80xi32, #tpu.memory_space<vmem>>) target_semaphore(%dma_start3A_604 : memref<!tpu.dma_semaphore, #tpu.memory_space<semaphore_mem>>)
          %dma_start3A_609 = arith.constant 2 : i32
          %dma_start3A_610 = arith.constant 2 : i32
          %dma_start3A_611 = arith.constant 0 : i32
          %dma_start3A_612 = tpu.memref_slice %arg12[%dma_start3A_609, %dma_start3A_611] : memref<4x80xi32, #tpu.memory_space<vmem>> -> memref<1x80xi32, #tpu.memory_space<vmem>>
          %dma_start3A_613 = tpu.memref_squeeze %dma_start3A_612 : memref<1x80xi32, #tpu.memory_space<vmem>> -> memref<80xi32, #tpu.memory_space<vmem>>
          %dma_start3A_614 = tpu.memref_slice %arg4[%add3A_596] : memref<322560xi32, #tpu.memory_space<hbm>> -> memref<80xi32, #tpu.memory_space<hbm>>
          %dma_start3A_615 = tpu.memref_slice %arg15[%dma_start3A_610] : memref<4x!tpu.dma_semaphore, #tpu.memory_space<semaphore_mem>> -> memref<1x!tpu.dma_semaphore, #tpu.memory_space<semaphore_mem>>
          %dma_start3A_616 = tpu.memref_squeeze %dma_start3A_615 : memref<1x!tpu.dma_semaphore, #tpu.memory_space<semaphore_mem>> -> memref<!tpu.dma_semaphore, #tpu.memory_space<semaphore_mem>>
          %dma_start3A_617 = arith.constant 0 : i32
          %dma_start3A_618 = tpu.memref_slice %arg12[%dma_start3A_609, %dma_start3A_617] : memref<4x80xi32, #tpu.memory_space<vmem>> -> memref<1x80xi32, #tpu.memory_space<vmem>>
          %dma_start3A_619 = tpu.memref_squeeze %dma_start3A_618 : memref<1x80xi32, #tpu.memory_space<vmem>> -> memref<80xi32, #tpu.memory_space<vmem>>
          %dma_start3A_620 = tpu.memref_slice %arg4[%add3A_596] : memref<322560xi32, #tpu.memory_space<hbm>> -> memref<80xi32, #tpu.memory_space<hbm>>
          tpu.enqueue_dma source(%dma_start3A_620 : memref<80xi32, #tpu.memory_space<hbm>>) target(%dma_start3A_619 : memref<80xi32, #tpu.memory_space<vmem>>) target_semaphore(%dma_start3A_616 : memref<!tpu.dma_semaphore, #tpu.memory_space<semaphore_mem>>)
        } else {
        }
        %add3A_372 = arith.constant 2 : i32
        %add3A_373 = arith.addi %add3A_207, %add3A_372 : i32
        %add3A_374 = arith.constant 1 : i32
        %add3A_375 = arith.addi %add3A_373, %add3A_374 : i32
        %gt3A_376 = arith.constant 0 : i32
        %gt3A_377 = arith.cmpi sgt, %add3A_205, %gt3A_376 : i32
        %convert_element_type3A_378 = arith.extui %gt3A_377 : i1 to i32
        %cond3A_379 = arith.constant 0 : i32
        %cond3A_380 = arith.cmpi ne, %convert_element_type3A_378, %cond3A_379 : i32
        scf.if %cond3A_380 {
          %dma_wait3A_594 = arith.constant 3 : i32
          %dma_wait3A_595 = arith.constant 3 : i32
          %dma_wait3A_596 = arith.constant 0 : i32
          %dma_wait3A_597 = arith.constant 0 : i32
          %dma_wait3A_598 = tpu.memref_slice %arg13[%dma_wait3A_594, %dma_wait3A_596, %dma_wait3A_597] : memref<4x80x128xf32, #tpu.memory_space<vmem>> -> memref<1x80x128xf32, #tpu.memory_space<vmem>>
          %dma_wait3A_599 = tpu.memref_squeeze %dma_wait3A_598 : memref<1x80x128xf32, #tpu.memory_space<vmem>> -> memref<80x128xf32, #tpu.memory_space<vmem>>
          %dma_wait3A_600 = arith.constant 0 : i32
          %dma_wait3A_601 = arith.constant 0 : i32
          %dma_wait3A_602 = tpu.memref_slice %arg7[%dma_wait3A_600, %dma_wait3A_601] : memref<10112x128xf32, #tpu.memory_space<hbm>> -> memref<80x128xf32, #tpu.memory_space<hbm>>
          %dma_wait3A_603 = tpu.memref_slice %arg17[%dma_wait3A_595] : memref<4x!tpu.dma_semaphore, #tpu.memory_space<semaphore_mem>> -> memref<1x!tpu.dma_semaphore, #tpu.memory_space<semaphore_mem>>
          %dma_wait3A_604 = tpu.memref_squeeze %dma_wait3A_603 : memref<1x!tpu.dma_semaphore, #tpu.memory_space<semaphore_mem>> -> memref<!tpu.dma_semaphore, #tpu.memory_space<semaphore_mem>>
          %dma_wait3A_605 = arith.constant 0 : i32
          %dma_wait3A_606 = arith.constant 0 : i32
          %dma_wait3A_607 = tpu.memref_slice %arg13[%dma_wait3A_594, %dma_wait3A_605, %dma_wait3A_606] : memref<4x80x128xf32, #tpu.memory_space<vmem>> -> memref<1x80x128xf32, #tpu.memory_space<vmem>>
          %dma_wait3A_608 = tpu.memref_squeeze %dma_wait3A_607 : memref<1x80x128xf32, #tpu.memory_space<vmem>> -> memref<80x128xf32, #tpu.memory_space<vmem>>
          %dma_wait3A_609 = arith.constant 0 : i32
          %dma_wait3A_610 = arith.constant 0 : i32
          %dma_wait3A_611 = tpu.memref_slice %arg7[%dma_wait3A_609, %dma_wait3A_610] : memref<10112x128xf32, #tpu.memory_space<hbm>> -> memref<80x128xf32, #tpu.memory_space<hbm>>
          tpu.wait_dma2 semaphore(%dma_wait3A_604 : memref<!tpu.dma_semaphore, #tpu.memory_space<semaphore_mem>>) src(%dma_wait3A_611 : memref<80x128xf32, #tpu.memory_space<hbm>>) dst(%dma_wait3A_608 : memref<80x128xf32, #tpu.memory_space<vmem>>)
        } else {
        }
        %lt3A_381 = arith.constant 252 : i32
        %lt3A_382 = arith.cmpi slt, %add3A_375, %lt3A_381 : i32
        %convert_element_type3A_383 = arith.extui %lt3A_382 : i1 to i32
        %cond3A_384 = arith.constant 0 : i32
        %cond3A_385 = arith.cmpi ne, %convert_element_type3A_383, %cond3A_384 : i32
        scf.if %cond3A_385 {
          %mul3A_594 = arith.constant 80 : i32
          %mul3A_595 = arith.muli %add3A_375, %mul3A_594 : i32
          %add3A_596 = arith.addi %add3A_10, %mul3A_595 : i32
          %dma_start3A_597 = arith.constant 3 : i32
          %dma_start3A_598 = arith.constant 3 : i32
          %dma_start3A_599 = arith.constant 0 : i32
          %dma_start3A_600 = tpu.memref_slice %arg11[%dma_start3A_597, %dma_start3A_599] : memref<4x80xi32, #tpu.memory_space<vmem>> -> memref<1x80xi32, #tpu.memory_space<vmem>>
          %dma_start3A_601 = tpu.memref_squeeze %dma_start3A_600 : memref<1x80xi32, #tpu.memory_space<vmem>> -> memref<80xi32, #tpu.memory_space<vmem>>
          %dma_start3A_602 = tpu.memref_slice %arg3[%add3A_596] : memref<322560xi32, #tpu.memory_space<hbm>> -> memref<80xi32, #tpu.memory_space<hbm>>
          %dma_start3A_603 = tpu.memref_slice %arg15[%dma_start3A_598] : memref<4x!tpu.dma_semaphore, #tpu.memory_space<semaphore_mem>> -> memref<1x!tpu.dma_semaphore, #tpu.memory_space<semaphore_mem>>
          %dma_start3A_604 = tpu.memref_squeeze %dma_start3A_603 : memref<1x!tpu.dma_semaphore, #tpu.memory_space<semaphore_mem>> -> memref<!tpu.dma_semaphore, #tpu.memory_space<semaphore_mem>>
          %dma_start3A_605 = arith.constant 0 : i32
          %dma_start3A_606 = tpu.memref_slice %arg11[%dma_start3A_597, %dma_start3A_605] : memref<4x80xi32, #tpu.memory_space<vmem>> -> memref<1x80xi32, #tpu.memory_space<vmem>>
          %dma_start3A_607 = tpu.memref_squeeze %dma_start3A_606 : memref<1x80xi32, #tpu.memory_space<vmem>> -> memref<80xi32, #tpu.memory_space<vmem>>
          %dma_start3A_608 = tpu.memref_slice %arg3[%add3A_596] : memref<322560xi32, #tpu.memory_space<hbm>> -> memref<80xi32, #tpu.memory_space<hbm>>
          tpu.enqueue_dma source(%dma_start3A_608 : memref<80xi32, #tpu.memory_space<hbm>>) target(%dma_start3A_607 : memref<80xi32, #tpu.memory_space<vmem>>) target_semaphore(%dma_start3A_604 : memref<!tpu.dma_semaphore, #tpu.memory_space<semaphore_mem>>)
          %dma_start3A_609 = arith.constant 3 : i32
          %dma_start3A_610 = arith.constant 3 : i32
          %dma_start3A_611 = arith.constant 0 : i32
          %dma_start3A_612 = tpu.memref_slice %arg12[%dma_start3A_609, %dma_start3A_611] : memref<4x80xi32, #tpu.memory_space<vmem>> -> memref<1x80xi32, #tpu.memory_space<vmem>>
          %dma_start3A_613 = tpu.memref_squeeze %dma_start3A_612 : memref<1x80xi32, #tpu.memory_space<vmem>> -> memref<80xi32, #tpu.memory_space<vmem>>
          %dma_start3A_614 = tpu.memref_slice %arg4[%add3A_596] : memref<322560xi32, #tpu.memory_space<hbm>> -> memref<80xi32, #tpu.memory_space<hbm>>
          %dma_start3A_615 = tpu.memref_slice %arg15[%dma_start3A_610] : memref<4x!tpu.dma_semaphore, #tpu.memory_space<semaphore_mem>> -> memref<1x!tpu.dma_semaphore, #tpu.memory_space<semaphore_mem>>
          %dma_start3A_616 = tpu.memref_squeeze %dma_start3A_615 : memref<1x!tpu.dma_semaphore, #tpu.memory_space<semaphore_mem>> -> memref<!tpu.dma_semaphore, #tpu.memory_space<semaphore_mem>>
          %dma_start3A_617 = arith.constant 0 : i32
          %dma_start3A_618 = tpu.memref_slice %arg12[%dma_start3A_609, %dma_start3A_617] : memref<4x80xi32, #tpu.memory_space<vmem>> -> memref<1x80xi32, #tpu.memory_space<vmem>>
          %dma_start3A_619 = tpu.memref_squeeze %dma_start3A_618 : memref<1x80xi32, #tpu.memory_space<vmem>> -> memref<80xi32, #tpu.memory_space<vmem>>
          %dma_start3A_620 = tpu.memref_slice %arg4[%add3A_596] : memref<322560xi32, #tpu.memory_space<hbm>> -> memref<80xi32, #tpu.memory_space<hbm>>
          tpu.enqueue_dma source(%dma_start3A_620 : memref<80xi32, #tpu.memory_space<hbm>>) target(%dma_start3A_619 : memref<80xi32, #tpu.memory_space<vmem>>) target_semaphore(%dma_start3A_616 : memref<!tpu.dma_semaphore, #tpu.memory_space<semaphore_mem>>)
        } else {
        }
        %add3A_386 = arith.constant 2 : i32
        %add3A_387 = arith.addi %add3A_205, %add3A_386 : i32
        %dma_wait3A_388 = arith.constant 2 : i32
        %dma_wait3A_389 = arith.constant 2 : i32
        %dma_wait3A_390 = arith.constant 0 : i32
        %dma_wait3A_391 = tpu.memref_slice %arg11[%dma_wait3A_388, %dma_wait3A_390] : memref<4x80xi32, #tpu.memory_space<vmem>> -> memref<1x80xi32, #tpu.memory_space<vmem>>
        %dma_wait3A_392 = tpu.memref_squeeze %dma_wait3A_391 : memref<1x80xi32, #tpu.memory_space<vmem>> -> memref<80xi32, #tpu.memory_space<vmem>>
        %dma_wait3A_393 = arith.constant 0 : i32
        %dma_wait3A_394 = tpu.memref_slice %arg3[%dma_wait3A_393] : memref<322560xi32, #tpu.memory_space<hbm>> -> memref<80xi32, #tpu.memory_space<hbm>>
        %dma_wait3A_395 = tpu.memref_slice %arg15[%dma_wait3A_389] : memref<4x!tpu.dma_semaphore, #tpu.memory_space<semaphore_mem>> -> memref<1x!tpu.dma_semaphore, #tpu.memory_space<semaphore_mem>>
        %dma_wait3A_396 = tpu.memref_squeeze %dma_wait3A_395 : memref<1x!tpu.dma_semaphore, #tpu.memory_space<semaphore_mem>> -> memref<!tpu.dma_semaphore, #tpu.memory_space<semaphore_mem>>
        %dma_wait3A_397 = arith.constant 0 : i32
        %dma_wait3A_398 = tpu.memref_slice %arg11[%dma_wait3A_388, %dma_wait3A_397] : memref<4x80xi32, #tpu.memory_space<vmem>> -> memref<1x80xi32, #tpu.memory_space<vmem>>
        %dma_wait3A_399 = tpu.memref_squeeze %dma_wait3A_398 : memref<1x80xi32, #tpu.memory_space<vmem>> -> memref<80xi32, #tpu.memory_space<vmem>>
        %dma_wait3A_400 = arith.constant 0 : i32
        %dma_wait3A_401 = tpu.memref_slice %arg3[%dma_wait3A_400] : memref<322560xi32, #tpu.memory_space<hbm>> -> memref<80xi32, #tpu.memory_space<hbm>>
        tpu.wait_dma2 semaphore(%dma_wait3A_396 : memref<!tpu.dma_semaphore, #tpu.memory_space<semaphore_mem>>) src(%dma_wait3A_401 : memref<80xi32, #tpu.memory_space<hbm>>) dst(%dma_wait3A_399 : memref<80xi32, #tpu.memory_space<vmem>>)
        %dma_wait3A_402 = arith.constant 2 : i32
        %dma_wait3A_403 = arith.constant 2 : i32
        %dma_wait3A_404 = arith.constant 0 : i32
        %dma_wait3A_405 = tpu.memref_slice %arg12[%dma_wait3A_402, %dma_wait3A_404] : memref<4x80xi32, #tpu.memory_space<vmem>> -> memref<1x80xi32, #tpu.memory_space<vmem>>
        %dma_wait3A_406 = tpu.memref_squeeze %dma_wait3A_405 : memref<1x80xi32, #tpu.memory_space<vmem>> -> memref<80xi32, #tpu.memory_space<vmem>>
        %dma_wait3A_407 = arith.constant 0 : i32
        %dma_wait3A_408 = tpu.memref_slice %arg4[%dma_wait3A_407] : memref<322560xi32, #tpu.memory_space<hbm>> -> memref<80xi32, #tpu.memory_space<hbm>>
        %dma_wait3A_409 = tpu.memref_slice %arg15[%dma_wait3A_403] : memref<4x!tpu.dma_semaphore, #tpu.memory_space<semaphore_mem>> -> memref<1x!tpu.dma_semaphore, #tpu.memory_space<semaphore_mem>>
        %dma_wait3A_410 = tpu.memref_squeeze %dma_wait3A_409 : memref<1x!tpu.dma_semaphore, #tpu.memory_space<semaphore_mem>> -> memref<!tpu.dma_semaphore, #tpu.memory_space<semaphore_mem>>
        %dma_wait3A_411 = arith.constant 0 : i32
        %dma_wait3A_412 = tpu.memref_slice %arg12[%dma_wait3A_402, %dma_wait3A_411] : memref<4x80xi32, #tpu.memory_space<vmem>> -> memref<1x80xi32, #tpu.memory_space<vmem>>
        %dma_wait3A_413 = tpu.memref_squeeze %dma_wait3A_412 : memref<1x80xi32, #tpu.memory_space<vmem>> -> memref<80xi32, #tpu.memory_space<vmem>>
        %dma_wait3A_414 = arith.constant 0 : i32
        %dma_wait3A_415 = tpu.memref_slice %arg4[%dma_wait3A_414] : memref<322560xi32, #tpu.memory_space<hbm>> -> memref<80xi32, #tpu.memory_space<hbm>>
        tpu.wait_dma2 semaphore(%dma_wait3A_410 : memref<!tpu.dma_semaphore, #tpu.memory_space<semaphore_mem>>) src(%dma_wait3A_415 : memref<80xi32, #tpu.memory_space<hbm>>) dst(%dma_wait3A_413 : memref<80xi32, #tpu.memory_space<vmem>>)
        %dma_start3A_416 = arith.constant 2 : i32
        %dma_start3A_417 = arith.constant 2 : i32
        %dma_start3A_418 = arith.constant 2 : i32
        %dma_start3A_419 = arith.constant 0 : i32
        %dma_start3A_420 = arith.constant 0 : i32
        %dma_start3A_421 = tpu.memref_slice %arg13[%dma_start3A_417, %dma_start3A_419, %dma_start3A_420] : memref<4x80x128xf32, #tpu.memory_space<vmem>> -> memref<1x80x128xf32, #tpu.memory_space<vmem>>
        %dma_start3A_422 = tpu.memref_squeeze %dma_start3A_421 : memref<1x80x128xf32, #tpu.memory_space<vmem>> -> memref<80x128xf32, #tpu.memory_space<vmem>>
        %dma_start3A_423 = arith.constant 0 : i32
        %dma_start3A_424 = tpu.memref_slice %arg11[%dma_start3A_416, %dma_start3A_423] : memref<4x80xi32, #tpu.memory_space<vmem>> -> memref<1x80xi32, #tpu.memory_space<vmem>>
        %dma_start3A_425 = tpu.memref_squeeze %dma_start3A_424 : memref<1x80xi32, #tpu.memory_space<vmem>> -> memref<80xi32, #tpu.memory_space<vmem>>
        %dma_start3A_426 = arith.constant 0 : i32
        %dma_start3A_427 = arith.constant 0 : i32
        %dma_start3A_428 = tpu.memref_slice %arg2[%dma_start3A_426, %dma_start3A_427] : memref<10000x128xf32, #tpu.memory_space<hbm>> -> memref<10000x128xf32, #tpu.memory_space<hbm>>
        %dma_start3A_429 = tpu.memref_slice %arg16[%dma_start3A_418] : memref<4x!tpu.dma_semaphore, #tpu.memory_space<semaphore_mem>> -> memref<1x!tpu.dma_semaphore, #tpu.memory_space<semaphore_mem>>
        %dma_start3A_430 = tpu.memref_squeeze %dma_start3A_429 : memref<1x!tpu.dma_semaphore, #tpu.memory_space<semaphore_mem>> -> memref<!tpu.dma_semaphore, #tpu.memory_space<semaphore_mem>>
        tpu.enqueue_indirect_dma source(%dma_start3A_428 : memref<10000x128xf32, #tpu.memory_space<hbm>>) target(%dma_start3A_422 : memref<80x128xf32, #tpu.memory_space<vmem>>) offsets(%dma_start3A_425 : memref<80xi32, #tpu.memory_space<vmem>>) semaphore(%dma_start3A_430 : memref<!tpu.dma_semaphore, #tpu.memory_space<semaphore_mem>>)
        %dma_wait3A_431 = arith.constant 3 : i32
        %dma_wait3A_432 = arith.constant 3 : i32
        %dma_wait3A_433 = arith.constant 0 : i32
        %dma_wait3A_434 = tpu.memref_slice %arg11[%dma_wait3A_431, %dma_wait3A_433] : memref<4x80xi32, #tpu.memory_space<vmem>> -> memref<1x80xi32, #tpu.memory_space<vmem>>
        %dma_wait3A_435 = tpu.memref_squeeze %dma_wait3A_434 : memref<1x80xi32, #tpu.memory_space<vmem>> -> memref<80xi32, #tpu.memory_space<vmem>>
        %dma_wait3A_436 = arith.constant 0 : i32
        %dma_wait3A_437 = tpu.memref_slice %arg3[%dma_wait3A_436] : memref<322560xi32, #tpu.memory_space<hbm>> -> memref<80xi32, #tpu.memory_space<hbm>>
        %dma_wait3A_438 = tpu.memref_slice %arg15[%dma_wait3A_432] : memref<4x!tpu.dma_semaphore, #tpu.memory_space<semaphore_mem>> -> memref<1x!tpu.dma_semaphore, #tpu.memory_space<semaphore_mem>>
        %dma_wait3A_439 = tpu.memref_squeeze %dma_wait3A_438 : memref<1x!tpu.dma_semaphore, #tpu.memory_space<semaphore_mem>> -> memref<!tpu.dma_semaphore, #tpu.memory_space<semaphore_mem>>
        %dma_wait3A_440 = arith.constant 0 : i32
        %dma_wait3A_441 = tpu.memref_slice %arg11[%dma_wait3A_431, %dma_wait3A_440] : memref<4x80xi32, #tpu.memory_space<vmem>> -> memref<1x80xi32, #tpu.memory_space<vmem>>
        %dma_wait3A_442 = tpu.memref_squeeze %dma_wait3A_441 : memref<1x80xi32, #tpu.memory_space<vmem>> -> memref<80xi32, #tpu.memory_space<vmem>>
        %dma_wait3A_443 = arith.constant 0 : i32
        %dma_wait3A_444 = tpu.memref_slice %arg3[%dma_wait3A_443] : memref<322560xi32, #tpu.memory_space<hbm>> -> memref<80xi32, #tpu.memory_space<hbm>>
        tpu.wait_dma2 semaphore(%dma_wait3A_439 : memref<!tpu.dma_semaphore, #tpu.memory_space<semaphore_mem>>) src(%dma_wait3A_444 : memref<80xi32, #tpu.memory_space<hbm>>) dst(%dma_wait3A_442 : memref<80xi32, #tpu.memory_space<vmem>>)
        %dma_wait3A_445 = arith.constant 3 : i32
        %dma_wait3A_446 = arith.constant 3 : i32
        %dma_wait3A_447 = arith.constant 0 : i32
        %dma_wait3A_448 = tpu.memref_slice %arg12[%dma_wait3A_445, %dma_wait3A_447] : memref<4x80xi32, #tpu.memory_space<vmem>> -> memref<1x80xi32, #tpu.memory_space<vmem>>
        %dma_wait3A_449 = tpu.memref_squeeze %dma_wait3A_448 : memref<1x80xi32, #tpu.memory_space<vmem>> -> memref<80xi32, #tpu.memory_space<vmem>>
        %dma_wait3A_450 = arith.constant 0 : i32
        %dma_wait3A_451 = tpu.memref_slice %arg4[%dma_wait3A_450] : memref<322560xi32, #tpu.memory_space<hbm>> -> memref<80xi32, #tpu.memory_space<hbm>>
        %dma_wait3A_452 = tpu.memref_slice %arg15[%dma_wait3A_446] : memref<4x!tpu.dma_semaphore, #tpu.memory_space<semaphore_mem>> -> memref<1x!tpu.dma_semaphore, #tpu.memory_space<semaphore_mem>>
        %dma_wait3A_453 = tpu.memref_squeeze %dma_wait3A_452 : memref<1x!tpu.dma_semaphore, #tpu.memory_space<semaphore_mem>> -> memref<!tpu.dma_semaphore, #tpu.memory_space<semaphore_mem>>
        %dma_wait3A_454 = arith.constant 0 : i32
        %dma_wait3A_455 = tpu.memref_slice %arg12[%dma_wait3A_445, %dma_wait3A_454] : memref<4x80xi32, #tpu.memory_space<vmem>> -> memref<1x80xi32, #tpu.memory_space<vmem>>
        %dma_wait3A_456 = tpu.memref_squeeze %dma_wait3A_455 : memref<1x80xi32, #tpu.memory_space<vmem>> -> memref<80xi32, #tpu.memory_space<vmem>>
        %dma_wait3A_457 = arith.constant 0 : i32
        %dma_wait3A_458 = tpu.memref_slice %arg4[%dma_wait3A_457] : memref<322560xi32, #tpu.memory_space<hbm>> -> memref<80xi32, #tpu.memory_space<hbm>>
        tpu.wait_dma2 semaphore(%dma_wait3A_453 : memref<!tpu.dma_semaphore, #tpu.memory_space<semaphore_mem>>) src(%dma_wait3A_458 : memref<80xi32, #tpu.memory_space<hbm>>) dst(%dma_wait3A_456 : memref<80xi32, #tpu.memory_space<vmem>>)
        %dma_start3A_459 = arith.constant 3 : i32
        %dma_start3A_460 = arith.constant 3 : i32
        %dma_start3A_461 = arith.constant 3 : i32
        %dma_start3A_462 = arith.constant 0 : i32
        %dma_start3A_463 = arith.constant 0 : i32
        %dma_start3A_464 = tpu.memref_slice %arg13[%dma_start3A_460, %dma_start3A_462, %dma_start3A_463] : memref<4x80x128xf32, #tpu.memory_space<vmem>> -> memref<1x80x128xf32, #tpu.memory_space<vmem>>
        %dma_start3A_465 = tpu.memref_squeeze %dma_start3A_464 : memref<1x80x128xf32, #tpu.memory_space<vmem>> -> memref<80x128xf32, #tpu.memory_space<vmem>>
        %dma_start3A_466 = arith.constant 0 : i32
        %dma_start3A_467 = tpu.memref_slice %arg11[%dma_start3A_459, %dma_start3A_466] : memref<4x80xi32, #tpu.memory_space<vmem>> -> memref<1x80xi32, #tpu.memory_space<vmem>>
        %dma_start3A_468 = tpu.memref_squeeze %dma_start3A_467 : memref<1x80xi32, #tpu.memory_space<vmem>> -> memref<80xi32, #tpu.memory_space<vmem>>
        %dma_start3A_469 = arith.constant 0 : i32
        %dma_start3A_470 = arith.constant 0 : i32
        %dma_start3A_471 = tpu.memref_slice %arg2[%dma_start3A_469, %dma_start3A_470] : memref<10000x128xf32, #tpu.memory_space<hbm>> -> memref<10000x128xf32, #tpu.memory_space<hbm>>
        %dma_start3A_472 = tpu.memref_slice %arg16[%dma_start3A_461] : memref<4x!tpu.dma_semaphore, #tpu.memory_space<semaphore_mem>> -> memref<1x!tpu.dma_semaphore, #tpu.memory_space<semaphore_mem>>
        %dma_start3A_473 = tpu.memref_squeeze %dma_start3A_472 : memref<1x!tpu.dma_semaphore, #tpu.memory_space<semaphore_mem>> -> memref<!tpu.dma_semaphore, #tpu.memory_space<semaphore_mem>>
        tpu.enqueue_indirect_dma source(%dma_start3A_471 : memref<10000x128xf32, #tpu.memory_space<hbm>>) target(%dma_start3A_465 : memref<80x128xf32, #tpu.memory_space<vmem>>) offsets(%dma_start3A_468 : memref<80xi32, #tpu.memory_space<vmem>>) semaphore(%dma_start3A_473 : memref<!tpu.dma_semaphore, #tpu.memory_space<semaphore_mem>>)
        %dma_wait3A_474 = arith.constant 2 : i32
        %dma_wait3A_475 = arith.constant 2 : i32
        %dma_wait3A_476 = arith.constant 0 : i32
        %dma_wait3A_477 = arith.constant 0 : i32
        %dma_wait3A_478 = tpu.memref_slice %arg13[%dma_wait3A_474, %dma_wait3A_476, %dma_wait3A_477] : memref<4x80x128xf32, #tpu.memory_space<vmem>> -> memref<1x80x128xf32, #tpu.memory_space<vmem>>
        %dma_wait3A_479 = tpu.memref_squeeze %dma_wait3A_478 : memref<1x80x128xf32, #tpu.memory_space<vmem>> -> memref<80x128xf32, #tpu.memory_space<vmem>>
        %dma_wait3A_480 = arith.constant 0 : i32
        %dma_wait3A_481 = arith.constant 0 : i32
        %dma_wait3A_482 = tpu.memref_slice %arg2[%dma_wait3A_480, %dma_wait3A_481] : memref<10000x128xf32, #tpu.memory_space<hbm>> -> memref<80x128xf32, #tpu.memory_space<hbm>>
        %dma_wait3A_483 = tpu.memref_slice %arg16[%dma_wait3A_475] : memref<4x!tpu.dma_semaphore, #tpu.memory_space<semaphore_mem>> -> memref<1x!tpu.dma_semaphore, #tpu.memory_space<semaphore_mem>>
        %dma_wait3A_484 = tpu.memref_squeeze %dma_wait3A_483 : memref<1x!tpu.dma_semaphore, #tpu.memory_space<semaphore_mem>> -> memref<!tpu.dma_semaphore, #tpu.memory_space<semaphore_mem>>
        %dma_wait3A_485 = arith.constant 0 : i32
        %dma_wait3A_486 = arith.constant 0 : i32
        %dma_wait3A_487 = tpu.memref_slice %arg13[%dma_wait3A_474, %dma_wait3A_485, %dma_wait3A_486] : memref<4x80x128xf32, #tpu.memory_space<vmem>> -> memref<1x80x128xf32, #tpu.memory_space<vmem>>
        %dma_wait3A_488 = tpu.memref_squeeze %dma_wait3A_487 : memref<1x80x128xf32, #tpu.memory_space<vmem>> -> memref<80x128xf32, #tpu.memory_space<vmem>>
        %dma_wait3A_489 = arith.constant 0 : i32
        %dma_wait3A_490 = arith.constant 0 : i32
        %dma_wait3A_491 = tpu.memref_slice %arg2[%dma_wait3A_489, %dma_wait3A_490] : memref<10000x128xf32, #tpu.memory_space<hbm>> -> memref<80x128xf32, #tpu.memory_space<hbm>>
        tpu.wait_dma2 semaphore(%dma_wait3A_484 : memref<!tpu.dma_semaphore, #tpu.memory_space<semaphore_mem>>) src(%dma_wait3A_491 : memref<80x128xf32, #tpu.memory_space<hbm>>) dst(%dma_wait3A_488 : memref<80x128xf32, #tpu.memory_space<vmem>>)
        %dma_start3A_492 = arith.constant 2 : i32
        %dma_start3A_493 = arith.constant 2 : i32
        %dma_start3A_494 = arith.constant 2 : i32
        %dma_start3A_495 = arith.constant 0 : i32
        %dma_start3A_496 = arith.constant 0 : i32
        %dma_start3A_497 = tpu.memref_slice %arg13[%dma_start3A_492, %dma_start3A_495, %dma_start3A_496] : memref<4x80x128xf32, #tpu.memory_space<vmem>> -> memref<1x80x128xf32, #tpu.memory_space<vmem>>
        %dma_start3A_498 = tpu.memref_squeeze %dma_start3A_497 : memref<1x80x128xf32, #tpu.memory_space<vmem>> -> memref<80x128xf32, #tpu.memory_space<vmem>>
        %dma_start3A_499 = arith.constant 0 : i32
        %dma_start3A_500 = tpu.memref_slice %arg12[%dma_start3A_493, %dma_start3A_499] : memref<4x80xi32, #tpu.memory_space<vmem>> -> memref<1x80xi32, #tpu.memory_space<vmem>>
        %dma_start3A_501 = tpu.memref_squeeze %dma_start3A_500 : memref<1x80xi32, #tpu.memory_space<vmem>> -> memref<80xi32, #tpu.memory_space<vmem>>
        %dma_start3A_502 = arith.constant 0 : i32
        %dma_start3A_503 = arith.constant 0 : i32
        %dma_start3A_504 = tpu.memref_slice %arg14[%dma_start3A_502, %dma_start3A_503] : memref<10112x128xf32, #tpu.memory_space<vmem_shared>> -> memref<10112x128xf32, #tpu.memory_space<vmem_shared>>
        %dma_start3A_505 = tpu.memref_slice %arg17[%dma_start3A_494] : memref<4x!tpu.dma_semaphore, #tpu.memory_space<semaphore_mem>> -> memref<1x!tpu.dma_semaphore, #tpu.memory_space<semaphore_mem>>
        %dma_start3A_506 = tpu.memref_squeeze %dma_start3A_505 : memref<1x!tpu.dma_semaphore, #tpu.memory_space<semaphore_mem>> -> memref<!tpu.dma_semaphore, #tpu.memory_space<semaphore_mem>>
        tpu.enqueue_indirect_dma source(%dma_start3A_498 : memref<80x128xf32, #tpu.memory_space<vmem>>) target(%dma_start3A_504 : memref<10112x128xf32, #tpu.memory_space<vmem_shared>>) offsets(%dma_start3A_501 : memref<80xi32, #tpu.memory_space<vmem>>) semaphore(%dma_start3A_506 : memref<!tpu.dma_semaphore, #tpu.memory_space<semaphore_mem>>) {add = true}
        %dma_wait3A_507 = arith.constant 3 : i32
        %dma_wait3A_508 = arith.constant 3 : i32
        %dma_wait3A_509 = arith.constant 0 : i32
        %dma_wait3A_510 = arith.constant 0 : i32
        %dma_wait3A_511 = tpu.memref_slice %arg13[%dma_wait3A_507, %dma_wait3A_509, %dma_wait3A_510] : memref<4x80x128xf32, #tpu.memory_space<vmem>> -> memref<1x80x128xf32, #tpu.memory_space<vmem>>
        %dma_wait3A_512 = tpu.memref_squeeze %dma_wait3A_511 : memref<1x80x128xf32, #tpu.memory_space<vmem>> -> memref<80x128xf32, #tpu.memory_space<vmem>>
        %dma_wait3A_513 = arith.constant 0 : i32
        %dma_wait3A_514 = arith.constant 0 : i32
        %dma_wait3A_515 = tpu.memref_slice %arg2[%dma_wait3A_513, %dma_wait3A_514] : memref<10000x128xf32, #tpu.memory_space<hbm>> -> memref<80x128xf32, #tpu.memory_space<hbm>>
        %dma_wait3A_516 = tpu.memref_slice %arg16[%dma_wait3A_508] : memref<4x!tpu.dma_semaphore, #tpu.memory_space<semaphore_mem>> -> memref<1x!tpu.dma_semaphore, #tpu.memory_space<semaphore_mem>>
        %dma_wait3A_517 = tpu.memref_squeeze %dma_wait3A_516 : memref<1x!tpu.dma_semaphore, #tpu.memory_space<semaphore_mem>> -> memref<!tpu.dma_semaphore, #tpu.memory_space<semaphore_mem>>
        %dma_wait3A_518 = arith.constant 0 : i32
        %dma_wait3A_519 = arith.constant 0 : i32
        %dma_wait3A_520 = tpu.memref_slice %arg13[%dma_wait3A_507, %dma_wait3A_518, %dma_wait3A_519] : memref<4x80x128xf32, #tpu.memory_space<vmem>> -> memref<1x80x128xf32, #tpu.memory_space<vmem>>
        %dma_wait3A_521 = tpu.memref_squeeze %dma_wait3A_520 : memref<1x80x128xf32, #tpu.memory_space<vmem>> -> memref<80x128xf32, #tpu.memory_space<vmem>>
        %dma_wait3A_522 = arith.constant 0 : i32
        %dma_wait3A_523 = arith.constant 0 : i32
        %dma_wait3A_524 = tpu.memref_slice %arg2[%dma_wait3A_522, %dma_wait3A_523] : memref<10000x128xf32, #tpu.memory_space<hbm>> -> memref<80x128xf32, #tpu.memory_space<hbm>>
        tpu.wait_dma2 semaphore(%dma_wait3A_517 : memref<!tpu.dma_semaphore, #tpu.memory_space<semaphore_mem>>) src(%dma_wait3A_524 : memref<80x128xf32, #tpu.memory_space<hbm>>) dst(%dma_wait3A_521 : memref<80x128xf32, #tpu.memory_space<vmem>>)
        %dma_start3A_525 = arith.constant 3 : i32
        %dma_start3A_526 = arith.constant 3 : i32
        %dma_start3A_527 = arith.constant 3 : i32
        %dma_start3A_528 = arith.constant 0 : i32
        %dma_start3A_529 = arith.constant 0 : i32
        %dma_start3A_530 = tpu.memref_slice %arg13[%dma_start3A_525, %dma_start3A_528, %dma_start3A_529] : memref<4x80x128xf32, #tpu.memory_space<vmem>> -> memref<1x80x128xf32, #tpu.memory_space<vmem>>
        %dma_start3A_531 = tpu.memref_squeeze %dma_start3A_530 : memref<1x80x128xf32, #tpu.memory_space<vmem>> -> memref<80x128xf32, #tpu.memory_space<vmem>>
        %dma_start3A_532 = arith.constant 0 : i32
        %dma_start3A_533 = tpu.memref_slice %arg12[%dma_start3A_526, %dma_start3A_532] : memref<4x80xi32, #tpu.memory_space<vmem>> -> memref<1x80xi32, #tpu.memory_space<vmem>>
        %dma_start3A_534 = tpu.memref_squeeze %dma_start3A_533 : memref<1x80xi32, #tpu.memory_space<vmem>> -> memref<80xi32, #tpu.memory_space<vmem>>
        %dma_start3A_535 = arith.constant 0 : i32
        %dma_start3A_536 = arith.constant 0 : i32
        %dma_start3A_537 = tpu.memref_slice %arg14[%dma_start3A_535, %dma_start3A_536] : memref<10112x128xf32, #tpu.memory_space<vmem_shared>> -> memref<10112x128xf32, #tpu.memory_space<vmem_shared>>
        %dma_start3A_538 = tpu.memref_slice %arg17[%dma_start3A_527] : memref<4x!tpu.dma_semaphore, #tpu.memory_space<semaphore_mem>> -> memref<1x!tpu.dma_semaphore, #tpu.memory_space<semaphore_mem>>
        %dma_start3A_539 = tpu.memref_squeeze %dma_start3A_538 : memref<1x!tpu.dma_semaphore, #tpu.memory_space<semaphore_mem>> -> memref<!tpu.dma_semaphore, #tpu.memory_space<semaphore_mem>>
        tpu.enqueue_indirect_dma source(%dma_start3A_531 : memref<80x128xf32, #tpu.memory_space<vmem>>) target(%dma_start3A_537 : memref<10112x128xf32, #tpu.memory_space<vmem_shared>>) offsets(%dma_start3A_534 : memref<80xi32, #tpu.memory_space<vmem>>) semaphore(%dma_start3A_539 : memref<!tpu.dma_semaphore, #tpu.memory_space<semaphore_mem>>) {add = true}
        %add3A_540 = arith.constant 2 : i32
        %add3A_541 = arith.addi %add3A_387, %add3A_540 : i32
        %add3A_542 = arith.constant 0 : i32
        %add3A_543 = arith.addi %add3A_541, %add3A_542 : i32
        %dma_wait3A_544 = arith.constant 0 : i32
        %dma_wait3A_545 = arith.constant 0 : i32
        %dma_wait3A_546 = arith.constant 0 : i32
        %dma_wait3A_547 = arith.constant 0 : i32
        %dma_wait3A_548 = tpu.memref_slice %arg13[%dma_wait3A_544, %dma_wait3A_546, %dma_wait3A_547] : memref<4x80x128xf32, #tpu.memory_space<vmem>> -> memref<1x80x128xf32, #tpu.memory_space<vmem>>
        %dma_wait3A_549 = tpu.memref_squeeze %dma_wait3A_548 : memref<1x80x128xf32, #tpu.memory_space<vmem>> -> memref<80x128xf32, #tpu.memory_space<vmem>>
        %dma_wait3A_550 = arith.constant 0 : i32
        %dma_wait3A_551 = arith.constant 0 : i32
        %dma_wait3A_552 = tpu.memref_slice %arg7[%dma_wait3A_550, %dma_wait3A_551] : memref<10112x128xf32, #tpu.memory_space<hbm>> -> memref<80x128xf32, #tpu.memory_space<hbm>>
        %dma_wait3A_553 = tpu.memref_slice %arg17[%dma_wait3A_545] : memref<4x!tpu.dma_semaphore, #tpu.memory_space<semaphore_mem>> -> memref<1x!tpu.dma_semaphore, #tpu.memory_space<semaphore_mem>>
        %dma_wait3A_554 = tpu.memref_squeeze %dma_wait3A_553 : memref<1x!tpu.dma_semaphore, #tpu.memory_space<semaphore_mem>> -> memref<!tpu.dma_semaphore, #tpu.memory_space<semaphore_mem>>
        %dma_wait3A_555 = arith.constant 0 : i32
        %dma_wait3A_556 = arith.constant 0 : i32
        %dma_wait3A_557 = tpu.memref_slice %arg13[%dma_wait3A_544, %dma_wait3A_555, %dma_wait3A_556] : memref<4x80x128xf32, #tpu.memory_space<vmem>> -> memref<1x80x128xf32, #tpu.memory_space<vmem>>
        %dma_wait3A_558 = tpu.memref_squeeze %dma_wait3A_557 : memref<1x80x128xf32, #tpu.memory_space<vmem>> -> memref<80x128xf32, #tpu.memory_space<vmem>>
        %dma_wait3A_559 = arith.constant 0 : i32
        %dma_wait3A_560 = arith.constant 0 : i32
        %dma_wait3A_561 = tpu.memref_slice %arg7[%dma_wait3A_559, %dma_wait3A_560] : memref<10112x128xf32, #tpu.memory_space<hbm>> -> memref<80x128xf32, #tpu.memory_space<hbm>>
        tpu.wait_dma2 semaphore(%dma_wait3A_554 : memref<!tpu.dma_semaphore, #tpu.memory_space<semaphore_mem>>) src(%dma_wait3A_561 : memref<80x128xf32, #tpu.memory_space<hbm>>) dst(%dma_wait3A_558 : memref<80x128xf32, #tpu.memory_space<vmem>>)
        %lt3A_562 = arith.constant 252 : i32
        %lt3A_563 = arith.cmpi slt, %add3A_543, %lt3A_562 : i32
        %convert_element_type3A_564 = arith.extui %lt3A_563 : i1 to i32
        %cond3A_565 = arith.constant 0 : i32
        %cond3A_566 = arith.cmpi ne, %convert_element_type3A_564, %cond3A_565 : i32
        scf.if %cond3A_566 {
          %mul3A_594 = arith.constant 80 : i32
          %mul3A_595 = arith.muli %add3A_543, %mul3A_594 : i32
          %add3A_596 = arith.addi %add3A_10, %mul3A_595 : i32
          %dma_start3A_597 = arith.constant 0 : i32
          %dma_start3A_598 = arith.constant 0 : i32
          %dma_start3A_599 = arith.constant 0 : i32
          %dma_start3A_600 = tpu.memref_slice %arg11[%dma_start3A_597, %dma_start3A_599] : memref<4x80xi32, #tpu.memory_space<vmem>> -> memref<1x80xi32, #tpu.memory_space<vmem>>
          %dma_start3A_601 = tpu.memref_squeeze %dma_start3A_600 : memref<1x80xi32, #tpu.memory_space<vmem>> -> memref<80xi32, #tpu.memory_space<vmem>>
          %dma_start3A_602 = tpu.memref_slice %arg3[%add3A_596] : memref<322560xi32, #tpu.memory_space<hbm>> -> memref<80xi32, #tpu.memory_space<hbm>>
          %dma_start3A_603 = tpu.memref_slice %arg15[%dma_start3A_598] : memref<4x!tpu.dma_semaphore, #tpu.memory_space<semaphore_mem>> -> memref<1x!tpu.dma_semaphore, #tpu.memory_space<semaphore_mem>>
          %dma_start3A_604 = tpu.memref_squeeze %dma_start3A_603 : memref<1x!tpu.dma_semaphore, #tpu.memory_space<semaphore_mem>> -> memref<!tpu.dma_semaphore, #tpu.memory_space<semaphore_mem>>
          %dma_start3A_605 = arith.constant 0 : i32
          %dma_start3A_606 = tpu.memref_slice %arg11[%dma_start3A_597, %dma_start3A_605] : memref<4x80xi32, #tpu.memory_space<vmem>> -> memref<1x80xi32, #tpu.memory_space<vmem>>
          %dma_start3A_607 = tpu.memref_squeeze %dma_start3A_606 : memref<1x80xi32, #tpu.memory_space<vmem>> -> memref<80xi32, #tpu.memory_space<vmem>>
          %dma_start3A_608 = tpu.memref_slice %arg3[%add3A_596] : memref<322560xi32, #tpu.memory_space<hbm>> -> memref<80xi32, #tpu.memory_space<hbm>>
          tpu.enqueue_dma source(%dma_start3A_608 : memref<80xi32, #tpu.memory_space<hbm>>) target(%dma_start3A_607 : memref<80xi32, #tpu.memory_space<vmem>>) target_semaphore(%dma_start3A_604 : memref<!tpu.dma_semaphore, #tpu.memory_space<semaphore_mem>>)
          %dma_start3A_609 = arith.constant 0 : i32
          %dma_start3A_610 = arith.constant 0 : i32
          %dma_start3A_611 = arith.constant 0 : i32
          %dma_start3A_612 = tpu.memref_slice %arg12[%dma_start3A_609, %dma_start3A_611] : memref<4x80xi32, #tpu.memory_space<vmem>> -> memref<1x80xi32, #tpu.memory_space<vmem>>
          %dma_start3A_613 = tpu.memref_squeeze %dma_start3A_612 : memref<1x80xi32, #tpu.memory_space<vmem>> -> memref<80xi32, #tpu.memory_space<vmem>>
          %dma_start3A_614 = tpu.memref_slice %arg4[%add3A_596] : memref<322560xi32, #tpu.memory_space<hbm>> -> memref<80xi32, #tpu.memory_space<hbm>>
          %dma_start3A_615 = tpu.memref_slice %arg15[%dma_start3A_610] : memref<4x!tpu.dma_semaphore, #tpu.memory_space<semaphore_mem>> -> memref<1x!tpu.dma_semaphore, #tpu.memory_space<semaphore_mem>>
          %dma_start3A_616 = tpu.memref_squeeze %dma_start3A_615 : memref<1x!tpu.dma_semaphore, #tpu.memory_space<semaphore_mem>> -> memref<!tpu.dma_semaphore, #tpu.memory_space<semaphore_mem>>
          %dma_start3A_617 = arith.constant 0 : i32
          %dma_start3A_618 = tpu.memref_slice %arg12[%dma_start3A_609, %dma_start3A_617] : memref<4x80xi32, #tpu.memory_space<vmem>> -> memref<1x80xi32, #tpu.memory_space<vmem>>
          %dma_start3A_619 = tpu.memref_squeeze %dma_start3A_618 : memref<1x80xi32, #tpu.memory_space<vmem>> -> memref<80xi32, #tpu.memory_space<vmem>>
          %dma_start3A_620 = tpu.memref_slice %arg4[%add3A_596] : memref<322560xi32, #tpu.memory_space<hbm>> -> memref<80xi32, #tpu.memory_space<hbm>>
          tpu.enqueue_dma source(%dma_start3A_620 : memref<80xi32, #tpu.memory_space<hbm>>) target(%dma_start3A_619 : memref<80xi32, #tpu.memory_space<vmem>>) target_semaphore(%dma_start3A_616 : memref<!tpu.dma_semaphore, #tpu.memory_space<semaphore_mem>>)
        } else {
        }
        %add3A_567 = arith.constant 2 : i32
        %add3A_568 = arith.addi %add3A_387, %add3A_567 : i32
        %add3A_569 = arith.constant 1 : i32
        %add3A_570 = arith.addi %add3A_568, %add3A_569 : i32
        %dma_wait3A_571 = arith.constant 1 : i32
        %dma_wait3A_572 = arith.constant 1 : i32
        %dma_wait3A_573 = arith.constant 0 : i32
        %dma_wait3A_574 = arith.constant 0 : i32
        %dma_wait3A_575 = tpu.memref_slice %arg13[%dma_wait3A_571, %dma_wait3A_573, %dma_wait3A_574] : memref<4x80x128xf32, #tpu.memory_space<vmem>> -> memref<1x80x128xf32, #tpu.memory_space<vmem>>
        %dma_wait3A_576 = tpu.memref_squeeze %dma_wait3A_575 : memref<1x80x128xf32, #tpu.memory_space<vmem>> -> memref<80x128xf32, #tpu.memory_space<vmem>>
        %dma_wait3A_577 = arith.constant 0 : i32
        %dma_wait3A_578 = arith.constant 0 : i32
        %dma_wait3A_579 = tpu.memref_slice %arg7[%dma_wait3A_577, %dma_wait3A_578] : memref<10112x128xf32, #tpu.memory_space<hbm>> -> memref<80x128xf32, #tpu.memory_space<hbm>>
        %dma_wait3A_580 = tpu.memref_slice %arg17[%dma_wait3A_572] : memref<4x!tpu.dma_semaphore, #tpu.memory_space<semaphore_mem>> -> memref<1x!tpu.dma_semaphore, #tpu.memory_space<semaphore_mem>>
        %dma_wait3A_581 = tpu.memref_squeeze %dma_wait3A_580 : memref<1x!tpu.dma_semaphore, #tpu.memory_space<semaphore_mem>> -> memref<!tpu.dma_semaphore, #tpu.memory_space<semaphore_mem>>
        %dma_wait3A_582 = arith.constant 0 : i32
        %dma_wait3A_583 = arith.constant 0 : i32
        %dma_wait3A_584 = tpu.memref_slice %arg13[%dma_wait3A_571, %dma_wait3A_582, %dma_wait3A_583] : memref<4x80x128xf32, #tpu.memory_space<vmem>> -> memref<1x80x128xf32, #tpu.memory_space<vmem>>
        %dma_wait3A_585 = tpu.memref_squeeze %dma_wait3A_584 : memref<1x80x128xf32, #tpu.memory_space<vmem>> -> memref<80x128xf32, #tpu.memory_space<vmem>>
        %dma_wait3A_586 = arith.constant 0 : i32
        %dma_wait3A_587 = arith.constant 0 : i32
        %dma_wait3A_588 = tpu.memref_slice %arg7[%dma_wait3A_586, %dma_wait3A_587] : memref<10112x128xf32, #tpu.memory_space<hbm>> -> memref<80x128xf32, #tpu.memory_space<hbm>>
        tpu.wait_dma2 semaphore(%dma_wait3A_581 : memref<!tpu.dma_semaphore, #tpu.memory_space<semaphore_mem>>) src(%dma_wait3A_588 : memref<80x128xf32, #tpu.memory_space<hbm>>) dst(%dma_wait3A_585 : memref<80x128xf32, #tpu.memory_space<vmem>>)
        %lt3A_589 = arith.constant 252 : i32
        %lt3A_590 = arith.cmpi slt, %add3A_570, %lt3A_589 : i32
        %convert_element_type3A_591 = arith.extui %lt3A_590 : i1 to i32
        %cond3A_592 = arith.constant 0 : i32
        %cond3A_593 = arith.cmpi ne, %convert_element_type3A_591, %cond3A_592 : i32
        scf.if %cond3A_593 {
          %mul3A_594 = arith.constant 80 : i32
          %mul3A_595 = arith.muli %add3A_570, %mul3A_594 : i32
          %add3A_596 = arith.addi %add3A_10, %mul3A_595 : i32
          %dma_start3A_597 = arith.constant 1 : i32
          %dma_start3A_598 = arith.constant 1 : i32
          %dma_start3A_599 = arith.constant 0 : i32
          %dma_start3A_600 = tpu.memref_slice %arg11[%dma_start3A_597, %dma_start3A_599] : memref<4x80xi32, #tpu.memory_space<vmem>> -> memref<1x80xi32, #tpu.memory_space<vmem>>
          %dma_start3A_601 = tpu.memref_squeeze %dma_start3A_600 : memref<1x80xi32, #tpu.memory_space<vmem>> -> memref<80xi32, #tpu.memory_space<vmem>>
          %dma_start3A_602 = tpu.memref_slice %arg3[%add3A_596] : memref<322560xi32, #tpu.memory_space<hbm>> -> memref<80xi32, #tpu.memory_space<hbm>>
          %dma_start3A_603 = tpu.memref_slice %arg15[%dma_start3A_598] : memref<4x!tpu.dma_semaphore, #tpu.memory_space<semaphore_mem>> -> memref<1x!tpu.dma_semaphore, #tpu.memory_space<semaphore_mem>>
          %dma_start3A_604 = tpu.memref_squeeze %dma_start3A_603 : memref<1x!tpu.dma_semaphore, #tpu.memory_space<semaphore_mem>> -> memref<!tpu.dma_semaphore, #tpu.memory_space<semaphore_mem>>
          %dma_start3A_605 = arith.constant 0 : i32
          %dma_start3A_606 = tpu.memref_slice %arg11[%dma_start3A_597, %dma_start3A_605] : memref<4x80xi32, #tpu.memory_space<vmem>> -> memref<1x80xi32, #tpu.memory_space<vmem>>
          %dma_start3A_607 = tpu.memref_squeeze %dma_start3A_606 : memref<1x80xi32, #tpu.memory_space<vmem>> -> memref<80xi32, #tpu.memory_space<vmem>>
          %dma_start3A_608 = tpu.memref_slice %arg3[%add3A_596] : memref<322560xi32, #tpu.memory_space<hbm>> -> memref<80xi32, #tpu.memory_space<hbm>>
          tpu.enqueue_dma source(%dma_start3A_608 : memref<80xi32, #tpu.memory_space<hbm>>) target(%dma_start3A_607 : memref<80xi32, #tpu.memory_space<vmem>>) target_semaphore(%dma_start3A_604 : memref<!tpu.dma_semaphore, #tpu.memory_space<semaphore_mem>>)
          %dma_start3A_609 = arith.constant 1 : i32
          %dma_start3A_610 = arith.constant 1 : i32
          %dma_start3A_611 = arith.constant 0 : i32
          %dma_start3A_612 = tpu.memref_slice %arg12[%dma_start3A_609, %dma_start3A_611] : memref<4x80xi32, #tpu.memory_space<vmem>> -> memref<1x80xi32, #tpu.memory_space<vmem>>
          %dma_start3A_613 = tpu.memref_squeeze %dma_start3A_612 : memref<1x80xi32, #tpu.memory_space<vmem>> -> memref<80xi32, #tpu.memory_space<vmem>>
          %dma_start3A_614 = tpu.memref_slice %arg4[%add3A_596] : memref<322560xi32, #tpu.memory_space<hbm>> -> memref<80xi32, #tpu.memory_space<hbm>>
          %dma_start3A_615 = tpu.memref_slice %arg15[%dma_start3A_610] : memref<4x!tpu.dma_semaphore, #tpu.memory_space<semaphore_mem>> -> memref<1x!tpu.dma_semaphore, #tpu.memory_space<semaphore_mem>>
          %dma_start3A_616 = tpu.memref_squeeze %dma_start3A_615 : memref<1x!tpu.dma_semaphore, #tpu.memory_space<semaphore_mem>> -> memref<!tpu.dma_semaphore, #tpu.memory_space<semaphore_mem>>
          %dma_start3A_617 = arith.constant 0 : i32
          %dma_start3A_618 = tpu.memref_slice %arg12[%dma_start3A_609, %dma_start3A_617] : memref<4x80xi32, #tpu.memory_space<vmem>> -> memref<1x80xi32, #tpu.memory_space<vmem>>
          %dma_start3A_619 = tpu.memref_squeeze %dma_start3A_618 : memref<1x80xi32, #tpu.memory_space<vmem>> -> memref<80xi32, #tpu.memory_space<vmem>>
          %dma_start3A_620 = tpu.memref_slice %arg4[%add3A_596] : memref<322560xi32, #tpu.memory_space<hbm>> -> memref<80xi32, #tpu.memory_space<hbm>>
          tpu.enqueue_dma source(%dma_start3A_620 : memref<80xi32, #tpu.memory_space<hbm>>) target(%dma_start3A_619 : memref<80xi32, #tpu.memory_space<vmem>>) target_semaphore(%dma_start3A_616 : memref<!tpu.dma_semaphore, #tpu.memory_space<semaphore_mem>>)
        } else {
        }
      }
      %scan3A_65 = arith.constant 63 : i32
      %dma_wait3A = arith.constant 2 : i32
      %dma_wait3A_66 = arith.constant 2 : i32
      %dma_wait3A_67 = arith.constant 0 : i32
      %dma_wait3A_68 = arith.constant 0 : i32
      %dma_wait3A_69 = tpu.memref_slice %arg13[%dma_wait3A, %dma_wait3A_67, %dma_wait3A_68] : memref<4x80x128xf32, #tpu.memory_space<vmem>> -> memref<1x80x128xf32, #tpu.memory_space<vmem>>
      %dma_wait3A_70 = tpu.memref_squeeze %dma_wait3A_69 : memref<1x80x128xf32, #tpu.memory_space<vmem>> -> memref<80x128xf32, #tpu.memory_space<vmem>>
      %dma_wait3A_71 = arith.constant 0 : i32
      %dma_wait3A_72 = arith.constant 0 : i32
      %dma_wait3A_73 = tpu.memref_slice %arg7[%dma_wait3A_71, %dma_wait3A_72] : memref<10112x128xf32, #tpu.memory_space<hbm>> -> memref<80x128xf32, #tpu.memory_space<hbm>>
      %dma_wait3A_74 = tpu.memref_slice %arg17[%dma_wait3A_66] : memref<4x!tpu.dma_semaphore, #tpu.memory_space<semaphore_mem>> -> memref<1x!tpu.dma_semaphore, #tpu.memory_space<semaphore_mem>>
      %dma_wait3A_75 = tpu.memref_squeeze %dma_wait3A_74 : memref<1x!tpu.dma_semaphore, #tpu.memory_space<semaphore_mem>> -> memref<!tpu.dma_semaphore, #tpu.memory_space<semaphore_mem>>
      %dma_wait3A_76 = arith.constant 0 : i32
      %dma_wait3A_77 = arith.constant 0 : i32
      %dma_wait3A_78 = tpu.memref_slice %arg13[%dma_wait3A, %dma_wait3A_76, %dma_wait3A_77] : memref<4x80x128xf32, #tpu.memory_space<vmem>> -> memref<1x80x128xf32, #tpu.memory_space<vmem>>
      %dma_wait3A_79 = tpu.memref_squeeze %dma_wait3A_78 : memref<1x80x128xf32, #tpu.memory_space<vmem>> -> memref<80x128xf32, #tpu.memory_space<vmem>>
      %dma_wait3A_80 = arith.constant 0 : i32
      %dma_wait3A_81 = arith.constant 0 : i32
      %dma_wait3A_82 = tpu.memref_slice %arg7[%dma_wait3A_80, %dma_wait3A_81] : memref<10112x128xf32, #tpu.memory_space<hbm>> -> memref<80x128xf32, #tpu.memory_space<hbm>>
      tpu.wait_dma2 semaphore(%dma_wait3A_75 : memref<!tpu.dma_semaphore, #tpu.memory_space<semaphore_mem>>) src(%dma_wait3A_82 : memref<80x128xf32, #tpu.memory_space<hbm>>) dst(%dma_wait3A_79 : memref<80x128xf32, #tpu.memory_space<vmem>>)
      %dma_wait3A_83 = arith.constant 3 : i32
      %dma_wait3A_84 = arith.constant 3 : i32
      %dma_wait3A_85 = arith.constant 0 : i32
      %dma_wait3A_86 = arith.constant 0 : i32
      %dma_wait3A_87 = tpu.memref_slice %arg13[%dma_wait3A_83, %dma_wait3A_85, %dma_wait3A_86] : memref<4x80x128xf32, #tpu.memory_space<vmem>> -> memref<1x80x128xf32, #tpu.memory_space<vmem>>
      %dma_wait3A_88 = tpu.memref_squeeze %dma_wait3A_87 : memref<1x80x128xf32, #tpu.memory_space<vmem>> -> memref<80x128xf32, #tpu.memory_space<vmem>>
      %dma_wait3A_89 = arith.constant 0 : i32
      %dma_wait3A_90 = arith.constant 0 : i32
      %dma_wait3A_91 = tpu.memref_slice %arg7[%dma_wait3A_89, %dma_wait3A_90] : memref<10112x128xf32, #tpu.memory_space<hbm>> -> memref<80x128xf32, #tpu.memory_space<hbm>>
      %dma_wait3A_92 = tpu.memref_slice %arg17[%dma_wait3A_84] : memref<4x!tpu.dma_semaphore, #tpu.memory_space<semaphore_mem>> -> memref<1x!tpu.dma_semaphore, #tpu.memory_space<semaphore_mem>>
      %dma_wait3A_93 = tpu.memref_squeeze %dma_wait3A_92 : memref<1x!tpu.dma_semaphore, #tpu.memory_space<semaphore_mem>> -> memref<!tpu.dma_semaphore, #tpu.memory_space<semaphore_mem>>
      %dma_wait3A_94 = arith.constant 0 : i32
      %dma_wait3A_95 = arith.constant 0 : i32
      %dma_wait3A_96 = tpu.memref_slice %arg13[%dma_wait3A_83, %dma_wait3A_94, %dma_wait3A_95] : memref<4x80x128xf32, #tpu.memory_space<vmem>> -> memref<1x80x128xf32, #tpu.memory_space<vmem>>
      %dma_wait3A_97 = tpu.memref_squeeze %dma_wait3A_96 : memref<1x80x128xf32, #tpu.memory_space<vmem>> -> memref<80x128xf32, #tpu.memory_space<vmem>>
      %dma_wait3A_98 = arith.constant 0 : i32
      %dma_wait3A_99 = arith.constant 0 : i32
      %dma_wait3A_100 = tpu.memref_slice %arg7[%dma_wait3A_98, %dma_wait3A_99] : memref<10112x128xf32, #tpu.memory_space<hbm>> -> memref<80x128xf32, #tpu.memory_space<hbm>>
      tpu.wait_dma2 semaphore(%dma_wait3A_93 : memref<!tpu.dma_semaphore, #tpu.memory_space<semaphore_mem>>) src(%dma_wait3A_100 : memref<80x128xf32, #tpu.memory_space<hbm>>) dst(%dma_wait3A_97 : memref<80x128xf32, #tpu.memory_space<vmem>>)
      %barrier3A_101 = arith.constant 0 : index
      tpu.barrier barrier_id(%barrier3A_101)
      "tpu.region"() ({
        %run_scoped3A = tpu.sem_alloc : memref<!tpu.dma_semaphore, #tpu.memory_space<semaphore_mem>>
        %dma_start3A_201 = arith.constant 0 : i32
        %dma_start3A_202 = tpu.memref_slice %arg8[%multiple_of3A, %dma_start3A_201] : memref<10112x128xf32, #tpu.memory_space<hbm>> -> memref<632x128xf32, #tpu.memory_space<hbm>>
        %dma_start3A_203 = arith.constant 0 : i32
        %dma_start3A_204 = tpu.memref_slice %arg14[%multiple_of3A, %dma_start3A_203] : memref<10112x128xf32, #tpu.memory_space<vmem_shared>> -> memref<632x128xf32, #tpu.memory_space<vmem_shared>>
        tpu.enqueue_dma source(%dma_start3A_204 : memref<632x128xf32, #tpu.memory_space<vmem_shared>>) target(%dma_start3A_202 : memref<632x128xf32, #tpu.memory_space<hbm>>) target_semaphore(%run_scoped3A : memref<!tpu.dma_semaphore, #tpu.memory_space<semaphore_mem>>)
        %dma_wait3A_205 = arith.constant 0 : i32
        %dma_wait3A_206 = tpu.memref_slice %arg8[%multiple_of3A, %dma_wait3A_205] : memref<10112x128xf32, #tpu.memory_space<hbm>> -> memref<632x128xf32, #tpu.memory_space<hbm>>
        %dma_wait3A_207 = arith.constant 0 : i32
        %dma_wait3A_208 = tpu.memref_slice %arg14[%multiple_of3A, %dma_wait3A_207] : memref<10112x128xf32, #tpu.memory_space<vmem_shared>> -> memref<632x128xf32, #tpu.memory_space<vmem_shared>>
        tpu.wait_dma2 semaphore(%run_scoped3A : memref<!tpu.dma_semaphore, #tpu.memory_space<semaphore_mem>>) src(%dma_wait3A_208 : memref<632x128xf32, #tpu.memory_space<vmem_shared>>) dst(%dma_wait3A_206 : memref<632x128xf32, #tpu.memory_space<hbm>>)
        tpu.yield
      }) : () -> ()
      "tpu.region"() ({
        %run_scoped3A = tpu.sem_alloc : memref<!tpu.dma_semaphore, #tpu.memory_space<semaphore_mem>>
        %dma_start3A_201 = arith.constant 0 : i32
        %dma_start3A_202 = tpu.memref_slice %arg14[%multiple_of3A, %dma_start3A_201] : memref<10112x128xf32, #tpu.memory_space<vmem_shared>> -> memref<632x128xf32, #tpu.memory_space<vmem_shared>>
        %dma_start3A_203 = arith.constant 0 : i32
        %dma_start3A_204 = tpu.memref_slice %arg7[%multiple_of3A, %dma_start3A_203] : memref<10112x128xf32, #tpu.memory_space<hbm>> -> memref<632x128xf32, #tpu.memory_space<hbm>>
        tpu.enqueue_dma source(%dma_start3A_204 : memref<632x128xf32, #tpu.memory_space<hbm>>) target(%dma_start3A_202 : memref<632x128xf32, #tpu.memory_space<vmem_shared>>) target_semaphore(%run_scoped3A : memref<!tpu.dma_semaphore, #tpu.memory_space<semaphore_mem>>)
        %dma_wait3A_205 = arith.constant 0 : i32
        %dma_wait3A_206 = tpu.memref_slice %arg14[%multiple_of3A, %dma_wait3A_205] : memref<10112x128xf32, #tpu.memory_space<vmem_shared>> -> memref<632x128xf32, #tpu.memory_space<vmem_shared>>
        %dma_wait3A_207 = arith.constant 0 : i32
        %dma_wait3A_208 = tpu.memref_slice %arg7[%multiple_of3A, %dma_wait3A_207] : memref<10112x128xf32, #tpu.memory_space<hbm>> -> memref<632x128xf32, #tpu.memory_space<hbm>>
        tpu.wait_dma2 semaphore(%run_scoped3A : memref<!tpu.dma_semaphore, #tpu.memory_space<semaphore_mem>>) src(%dma_wait3A_208 : memref<632x128xf32, #tpu.memory_space<hbm>>) dst(%dma_wait3A_206 : memref<632x128xf32, #tpu.memory_space<vmem_shared>>)
        tpu.yield
      }) : () -> ()
      %barrier3A_102 = arith.constant 0 : index
      tpu.barrier barrier_id(%barrier3A_102)
      %mul3A_103 = arith.constant 9920 : i32
      %mul3A_104 = arith.muli %arg1, %mul3A_103 : i32
      %add3A_105 = arith.constant 0 : i32
      %add3A_106 = arith.addi %add3A_105, %mul3A_104 : i32
      %add3A_107 = arith.constant 0 : i32
      %add3A_108 = arith.addi %add3A_106, %add3A_107 : i32
      %dma_start3A_109 = arith.constant 0 : i32
      %dma_start3A_110 = arith.constant 0 : i32
      %dma_start3A_111 = arith.constant 0 : i32
      %dma_start3A_112 = tpu.memref_slice %arg11[%dma_start3A_109, %dma_start3A_111] : memref<4x80xi32, #tpu.memory_space<vmem>> -> memref<1x80xi32, #tpu.memory_space<vmem>>
      %dma_start3A_113 = tpu.memref_squeeze %dma_start3A_112 : memref<1x80xi32, #tpu.memory_space<vmem>> -> memref<80xi32, #tpu.memory_space<vmem>>
      %dma_start3A_114 = tpu.memref_slice %arg5[%add3A_108] : memref<640000xi32, #tpu.memory_space<hbm>> -> memref<80xi32, #tpu.memory_space<hbm>>
      %dma_start3A_115 = tpu.memref_slice %arg15[%dma_start3A_110] : memref<4x!tpu.dma_semaphore, #tpu.memory_space<semaphore_mem>> -> memref<1x!tpu.dma_semaphore, #tpu.memory_space<semaphore_mem>>
      %dma_start3A_116 = tpu.memref_squeeze %dma_start3A_115 : memref<1x!tpu.dma_semaphore, #tpu.memory_space<semaphore_mem>> -> memref<!tpu.dma_semaphore, #tpu.memory_space<semaphore_mem>>
      %dma_start3A_117 = arith.constant 0 : i32
      %dma_start3A_118 = tpu.memref_slice %arg11[%dma_start3A_109, %dma_start3A_117] : memref<4x80xi32, #tpu.memory_space<vmem>> -> memref<1x80xi32, #tpu.memory_space<vmem>>
      %dma_start3A_119 = tpu.memref_squeeze %dma_start3A_118 : memref<1x80xi32, #tpu.memory_space<vmem>> -> memref<80xi32, #tpu.memory_space<vmem>>
      %dma_start3A_120 = tpu.memref_slice %arg5[%add3A_108] : memref<640000xi32, #tpu.memory_space<hbm>> -> memref<80xi32, #tpu.memory_space<hbm>>
      tpu.enqueue_dma source(%dma_start3A_120 : memref<80xi32, #tpu.memory_space<hbm>>) target(%dma_start3A_119 : memref<80xi32, #tpu.memory_space<vmem>>) target_semaphore(%dma_start3A_116 : memref<!tpu.dma_semaphore, #tpu.memory_space<semaphore_mem>>)
      %dma_start3A_121 = arith.constant 0 : i32
      %dma_start3A_122 = arith.constant 0 : i32
      %dma_start3A_123 = arith.constant 0 : i32
      %dma_start3A_124 = tpu.memref_slice %arg12[%dma_start3A_121, %dma_start3A_123] : memref<4x80xi32, #tpu.memory_space<vmem>> -> memref<1x80xi32, #tpu.memory_space<vmem>>
      %dma_start3A_125 = tpu.memref_squeeze %dma_start3A_124 : memref<1x80xi32, #tpu.memory_space<vmem>> -> memref<80xi32, #tpu.memory_space<vmem>>
      %dma_start3A_126 = tpu.memref_slice %arg6[%add3A_108] : memref<640000xi32, #tpu.memory_space<hbm>> -> memref<80xi32, #tpu.memory_space<hbm>>
      %dma_start3A_127 = tpu.memref_slice %arg15[%dma_start3A_122] : memref<4x!tpu.dma_semaphore, #tpu.memory_space<semaphore_mem>> -> memref<1x!tpu.dma_semaphore, #tpu.memory_space<semaphore_mem>>
      %dma_start3A_128 = tpu.memref_squeeze %dma_start3A_127 : memref<1x!tpu.dma_semaphore, #tpu.memory_space<semaphore_mem>> -> memref<!tpu.dma_semaphore, #tpu.memory_space<semaphore_mem>>
      %dma_start3A_129 = arith.constant 0 : i32
      %dma_start3A_130 = tpu.memref_slice %arg12[%dma_start3A_121, %dma_start3A_129] : memref<4x80xi32, #tpu.memory_space<vmem>> -> memref<1x80xi32, #tpu.memory_space<vmem>>
      %dma_start3A_131 = tpu.memref_squeeze %dma_start3A_130 : memref<1x80xi32, #tpu.memory_space<vmem>> -> memref<80xi32, #tpu.memory_space<vmem>>
      %dma_start3A_132 = tpu.memref_slice %arg6[%add3A_108] : memref<640000xi32, #tpu.memory_space<hbm>> -> memref<80xi32, #tpu.memory_space<hbm>>
      tpu.enqueue_dma source(%dma_start3A_132 : memref<80xi32, #tpu.memory_space<hbm>>) target(%dma_start3A_131 : memref<80xi32, #tpu.memory_space<vmem>>) target_semaphore(%dma_start3A_128 : memref<!tpu.dma_semaphore, #tpu.memory_space<semaphore_mem>>)
      %add3A_133 = arith.constant 80 : i32
      %add3A_134 = arith.addi %add3A_106, %add3A_133 : i32
      %dma_start3A_135 = arith.constant 1 : i32
      %dma_start3A_136 = arith.constant 1 : i32
      %dma_start3A_137 = arith.constant 0 : i32
      %dma_start3A_138 = tpu.memref_slice %arg11[%dma_start3A_135, %dma_start3A_137] : memref<4x80xi32, #tpu.memory_space<vmem>> -> memref<1x80xi32, #tpu.memory_space<vmem>>
      %dma_start3A_139 = tpu.memref_squeeze %dma_start3A_138 : memref<1x80xi32, #tpu.memory_space<vmem>> -> memref<80xi32, #tpu.memory_space<vmem>>
      %dma_start3A_140 = tpu.memref_slice %arg5[%add3A_134] : memref<640000xi32, #tpu.memory_space<hbm>> -> memref<80xi32, #tpu.memory_space<hbm>>
      %dma_start3A_141 = tpu.memref_slice %arg15[%dma_start3A_136] : memref<4x!tpu.dma_semaphore, #tpu.memory_space<semaphore_mem>> -> memref<1x!tpu.dma_semaphore, #tpu.memory_space<semaphore_mem>>
      %dma_start3A_142 = tpu.memref_squeeze %dma_start3A_141 : memref<1x!tpu.dma_semaphore, #tpu.memory_space<semaphore_mem>> -> memref<!tpu.dma_semaphore, #tpu.memory_space<semaphore_mem>>
      %dma_start3A_143 = arith.constant 0 : i32
      %dma_start3A_144 = tpu.memref_slice %arg11[%dma_start3A_135, %dma_start3A_143] : memref<4x80xi32, #tpu.memory_space<vmem>> -> memref<1x80xi32, #tpu.memory_space<vmem>>
      %dma_start3A_145 = tpu.memref_squeeze %dma_start3A_144 : memref<1x80xi32, #tpu.memory_space<vmem>> -> memref<80xi32, #tpu.memory_space<vmem>>
      %dma_start3A_146 = tpu.memref_slice %arg5[%add3A_134] : memref<640000xi32, #tpu.memory_space<hbm>> -> memref<80xi32, #tpu.memory_space<hbm>>
      tpu.enqueue_dma source(%dma_start3A_146 : memref<80xi32, #tpu.memory_space<hbm>>) target(%dma_start3A_145 : memref<80xi32, #tpu.memory_space<vmem>>) target_semaphore(%dma_start3A_142 : memref<!tpu.dma_semaphore, #tpu.memory_space<semaphore_mem>>)
      %dma_start3A_147 = arith.constant 1 : i32
      %dma_start3A_148 = arith.constant 1 : i32
      %dma_start3A_149 = arith.constant 0 : i32
      %dma_start3A_150 = tpu.memref_slice %arg12[%dma_start3A_147, %dma_start3A_149] : memref<4x80xi32, #tpu.memory_space<vmem>> -> memref<1x80xi32, #tpu.memory_space<vmem>>
      %dma_start3A_151 = tpu.memref_squeeze %dma_start3A_150 : memref<1x80xi32, #tpu.memory_space<vmem>> -> memref<80xi32, #tpu.memory_space<vmem>>
      %dma_start3A_152 = tpu.memref_slice %arg6[%add3A_134] : memref<640000xi32, #tpu.memory_space<hbm>> -> memref<80xi32, #tpu.memory_space<hbm>>
      %dma_start3A_153 = tpu.memref_slice %arg15[%dma_start3A_148] : memref<4x!tpu.dma_semaphore, #tpu.memory_space<semaphore_mem>> -> memref<1x!tpu.dma_semaphore, #tpu.memory_space<semaphore_mem>>
      %dma_start3A_154 = tpu.memref_squeeze %dma_start3A_153 : memref<1x!tpu.dma_semaphore, #tpu.memory_space<semaphore_mem>> -> memref<!tpu.dma_semaphore, #tpu.memory_space<semaphore_mem>>
      %dma_start3A_155 = arith.constant 0 : i32
      %dma_start3A_156 = tpu.memref_slice %arg12[%dma_start3A_147, %dma_start3A_155] : memref<4x80xi32, #tpu.memory_space<vmem>> -> memref<1x80xi32, #tpu.memory_space<vmem>>
      %dma_start3A_157 = tpu.memref_squeeze %dma_start3A_156 : memref<1x80xi32, #tpu.memory_space<vmem>> -> memref<80xi32, #tpu.memory_space<vmem>>
      %dma_start3A_158 = tpu.memref_slice %arg6[%add3A_134] : memref<640000xi32, #tpu.memory_space<hbm>> -> memref<80xi32, #tpu.memory_space<hbm>>
      tpu.enqueue_dma source(%dma_start3A_158 : memref<80xi32, #tpu.memory_space<hbm>>) target(%dma_start3A_157 : memref<80xi32, #tpu.memory_space<vmem>>) target_semaphore(%dma_start3A_154 : memref<!tpu.dma_semaphore, #tpu.memory_space<semaphore_mem>>)
      %scan3A_159 = arith.constant 0 : i32
      %scan3A_160 = arith.constant 31 : i32
      %scan3A_161 = arith.addi %scan3A_159, %scan3A_160 : i32
      %scan3A_162 = arith.constant 1 : i32
      scf.for %scan3A_201 = %scan3A_159 to %scan3A_161 step %scan3A_162  : i32 {
        %mul3A_202 = arith.constant 4 : i32
        %mul3A_203 = arith.muli %scan3A_201, %mul3A_202 : i32
        %add3A_204 = arith.constant 0 : i32
        %add3A_205 = arith.addi %add3A_204, %mul3A_203 : i32
        %add3A_206 = arith.constant 0 : i32
        %add3A_207 = arith.addi %add3A_205, %add3A_206 : i32
        %dma_wait3A_208 = arith.constant 0 : i32
        %dma_wait3A_209 = arith.constant 0 : i32
        %dma_wait3A_210 = arith.constant 0 : i32
        %dma_wait3A_211 = tpu.memref_slice %arg11[%dma_wait3A_208, %dma_wait3A_210] : memref<4x80xi32, #tpu.memory_space<vmem>> -> memref<1x80xi32, #tpu.memory_space<vmem>>
        %dma_wait3A_212 = tpu.memref_squeeze %dma_wait3A_211 : memref<1x80xi32, #tpu.memory_space<vmem>> -> memref<80xi32, #tpu.memory_space<vmem>>
        %dma_wait3A_213 = arith.constant 0 : i32
        %dma_wait3A_214 = tpu.memref_slice %arg5[%dma_wait3A_213] : memref<640000xi32, #tpu.memory_space<hbm>> -> memref<80xi32, #tpu.memory_space<hbm>>
        %dma_wait3A_215 = tpu.memref_slice %arg15[%dma_wait3A_209] : memref<4x!tpu.dma_semaphore, #tpu.memory_space<semaphore_mem>> -> memref<1x!tpu.dma_semaphore, #tpu.memory_space<semaphore_mem>>
        %dma_wait3A_216 = tpu.memref_squeeze %dma_wait3A_215 : memref<1x!tpu.dma_semaphore, #tpu.memory_space<semaphore_mem>> -> memref<!tpu.dma_semaphore, #tpu.memory_space<semaphore_mem>>
        %dma_wait3A_217 = arith.constant 0 : i32
        %dma_wait3A_218 = tpu.memref_slice %arg11[%dma_wait3A_208, %dma_wait3A_217] : memref<4x80xi32, #tpu.memory_space<vmem>> -> memref<1x80xi32, #tpu.memory_space<vmem>>
        %dma_wait3A_219 = tpu.memref_squeeze %dma_wait3A_218 : memref<1x80xi32, #tpu.memory_space<vmem>> -> memref<80xi32, #tpu.memory_space<vmem>>
        %dma_wait3A_220 = arith.constant 0 : i32
        %dma_wait3A_221 = tpu.memref_slice %arg5[%dma_wait3A_220] : memref<640000xi32, #tpu.memory_space<hbm>> -> memref<80xi32, #tpu.memory_space<hbm>>
        tpu.wait_dma2 semaphore(%dma_wait3A_216 : memref<!tpu.dma_semaphore, #tpu.memory_space<semaphore_mem>>) src(%dma_wait3A_221 : memref<80xi32, #tpu.memory_space<hbm>>) dst(%dma_wait3A_219 : memref<80xi32, #tpu.memory_space<vmem>>)
        %dma_wait3A_222 = arith.constant 0 : i32
        %dma_wait3A_223 = arith.constant 0 : i32
        %dma_wait3A_224 = arith.constant 0 : i32
        %dma_wait3A_225 = tpu.memref_slice %arg12[%dma_wait3A_222, %dma_wait3A_224] : memref<4x80xi32, #tpu.memory_space<vmem>> -> memref<1x80xi32, #tpu.memory_space<vmem>>
        %dma_wait3A_226 = tpu.memref_squeeze %dma_wait3A_225 : memref<1x80xi32, #tpu.memory_space<vmem>> -> memref<80xi32, #tpu.memory_space<vmem>>
        %dma_wait3A_227 = arith.constant 0 : i32
        %dma_wait3A_228 = tpu.memref_slice %arg6[%dma_wait3A_227] : memref<640000xi32, #tpu.memory_space<hbm>> -> memref<80xi32, #tpu.memory_space<hbm>>
        %dma_wait3A_229 = tpu.memref_slice %arg15[%dma_wait3A_223] : memref<4x!tpu.dma_semaphore, #tpu.memory_space<semaphore_mem>> -> memref<1x!tpu.dma_semaphore, #tpu.memory_space<semaphore_mem>>
        %dma_wait3A_230 = tpu.memref_squeeze %dma_wait3A_229 : memref<1x!tpu.dma_semaphore, #tpu.memory_space<semaphore_mem>> -> memref<!tpu.dma_semaphore, #tpu.memory_space<semaphore_mem>>
        %dma_wait3A_231 = arith.constant 0 : i32
        %dma_wait3A_232 = tpu.memref_slice %arg12[%dma_wait3A_222, %dma_wait3A_231] : memref<4x80xi32, #tpu.memory_space<vmem>> -> memref<1x80xi32, #tpu.memory_space<vmem>>
        %dma_wait3A_233 = tpu.memref_squeeze %dma_wait3A_232 : memref<1x80xi32, #tpu.memory_space<vmem>> -> memref<80xi32, #tpu.memory_space<vmem>>
        %dma_wait3A_234 = arith.constant 0 : i32
        %dma_wait3A_235 = tpu.memref_slice %arg6[%dma_wait3A_234] : memref<640000xi32, #tpu.memory_space<hbm>> -> memref<80xi32, #tpu.memory_space<hbm>>
        tpu.wait_dma2 semaphore(%dma_wait3A_230 : memref<!tpu.dma_semaphore, #tpu.memory_space<semaphore_mem>>) src(%dma_wait3A_235 : memref<80xi32, #tpu.memory_space<hbm>>) dst(%dma_wait3A_233 : memref<80xi32, #tpu.memory_space<vmem>>)
        %dma_start3A_236 = arith.constant 0 : i32
        %dma_start3A_237 = arith.constant 0 : i32
        %dma_start3A_238 = arith.constant 0 : i32
        %dma_start3A_239 = arith.constant 0 : i32
        %dma_start3A_240 = arith.constant 0 : i32
        %dma_start3A_241 = tpu.memref_slice %arg13[%dma_start3A_237, %dma_start3A_239, %dma_start3A_240] : memref<4x80x128xf32, #tpu.memory_space<vmem>> -> memref<1x80x128xf32, #tpu.memory_space<vmem>>
        %dma_start3A_242 = tpu.memref_squeeze %dma_start3A_241 : memref<1x80x128xf32, #tpu.memory_space<vmem>> -> memref<80x128xf32, #tpu.memory_space<vmem>>
        %dma_start3A_243 = arith.constant 0 : i32
        %dma_start3A_244 = tpu.memref_slice %arg11[%dma_start3A_236, %dma_start3A_243] : memref<4x80xi32, #tpu.memory_space<vmem>> -> memref<1x80xi32, #tpu.memory_space<vmem>>
        %dma_start3A_245 = tpu.memref_squeeze %dma_start3A_244 : memref<1x80xi32, #tpu.memory_space<vmem>> -> memref<80xi32, #tpu.memory_space<vmem>>
        %dma_start3A_246 = arith.constant 0 : i32
        %dma_start3A_247 = arith.constant 0 : i32
        %dma_start3A_248 = tpu.memref_slice %arg2[%dma_start3A_246, %dma_start3A_247] : memref<10000x128xf32, #tpu.memory_space<hbm>> -> memref<10000x128xf32, #tpu.memory_space<hbm>>
        %dma_start3A_249 = tpu.memref_slice %arg16[%dma_start3A_238] : memref<4x!tpu.dma_semaphore, #tpu.memory_space<semaphore_mem>> -> memref<1x!tpu.dma_semaphore, #tpu.memory_space<semaphore_mem>>
        %dma_start3A_250 = tpu.memref_squeeze %dma_start3A_249 : memref<1x!tpu.dma_semaphore, #tpu.memory_space<semaphore_mem>> -> memref<!tpu.dma_semaphore, #tpu.memory_space<semaphore_mem>>
        tpu.enqueue_indirect_dma source(%dma_start3A_248 : memref<10000x128xf32, #tpu.memory_space<hbm>>) target(%dma_start3A_242 : memref<80x128xf32, #tpu.memory_space<vmem>>) offsets(%dma_start3A_245 : memref<80xi32, #tpu.memory_space<vmem>>) semaphore(%dma_start3A_250 : memref<!tpu.dma_semaphore, #tpu.memory_space<semaphore_mem>>)
        %dma_wait3A_251 = arith.constant 1 : i32
        %dma_wait3A_252 = arith.constant 1 : i32
        %dma_wait3A_253 = arith.constant 0 : i32
        %dma_wait3A_254 = tpu.memref_slice %arg11[%dma_wait3A_251, %dma_wait3A_253] : memref<4x80xi32, #tpu.memory_space<vmem>> -> memref<1x80xi32, #tpu.memory_space<vmem>>
        %dma_wait3A_255 = tpu.memref_squeeze %dma_wait3A_254 : memref<1x80xi32, #tpu.memory_space<vmem>> -> memref<80xi32, #tpu.memory_space<vmem>>
        %dma_wait3A_256 = arith.constant 0 : i32
        %dma_wait3A_257 = tpu.memref_slice %arg5[%dma_wait3A_256] : memref<640000xi32, #tpu.memory_space<hbm>> -> memref<80xi32, #tpu.memory_space<hbm>>
        %dma_wait3A_258 = tpu.memref_slice %arg15[%dma_wait3A_252] : memref<4x!tpu.dma_semaphore, #tpu.memory_space<semaphore_mem>> -> memref<1x!tpu.dma_semaphore, #tpu.memory_space<semaphore_mem>>
        %dma_wait3A_259 = tpu.memref_squeeze %dma_wait3A_258 : memref<1x!tpu.dma_semaphore, #tpu.memory_space<semaphore_mem>> -> memref<!tpu.dma_semaphore, #tpu.memory_space<semaphore_mem>>
        %dma_wait3A_260 = arith.constant 0 : i32
        %dma_wait3A_261 = tpu.memref_slice %arg11[%dma_wait3A_251, %dma_wait3A_260] : memref<4x80xi32, #tpu.memory_space<vmem>> -> memref<1x80xi32, #tpu.memory_space<vmem>>
        %dma_wait3A_262 = tpu.memref_squeeze %dma_wait3A_261 : memref<1x80xi32, #tpu.memory_space<vmem>> -> memref<80xi32, #tpu.memory_space<vmem>>
        %dma_wait3A_263 = arith.constant 0 : i32
        %dma_wait3A_264 = tpu.memref_slice %arg5[%dma_wait3A_263] : memref<640000xi32, #tpu.memory_space<hbm>> -> memref<80xi32, #tpu.memory_space<hbm>>
        tpu.wait_dma2 semaphore(%dma_wait3A_259 : memref<!tpu.dma_semaphore, #tpu.memory_space<semaphore_mem>>) src(%dma_wait3A_264 : memref<80xi32, #tpu.memory_space<hbm>>) dst(%dma_wait3A_262 : memref<80xi32, #tpu.memory_space<vmem>>)
        %dma_wait3A_265 = arith.constant 1 : i32
        %dma_wait3A_266 = arith.constant 1 : i32
        %dma_wait3A_267 = arith.constant 0 : i32
        %dma_wait3A_268 = tpu.memref_slice %arg12[%dma_wait3A_265, %dma_wait3A_267] : memref<4x80xi32, #tpu.memory_space<vmem>> -> memref<1x80xi32, #tpu.memory_space<vmem>>
        %dma_wait3A_269 = tpu.memref_squeeze %dma_wait3A_268 : memref<1x80xi32, #tpu.memory_space<vmem>> -> memref<80xi32, #tpu.memory_space<vmem>>
        %dma_wait3A_270 = arith.constant 0 : i32
        %dma_wait3A_271 = tpu.memref_slice %arg6[%dma_wait3A_270] : memref<640000xi32, #tpu.memory_space<hbm>> -> memref<80xi32, #tpu.memory_space<hbm>>
        %dma_wait3A_272 = tpu.memref_slice %arg15[%dma_wait3A_266] : memref<4x!tpu.dma_semaphore, #tpu.memory_space<semaphore_mem>> -> memref<1x!tpu.dma_semaphore, #tpu.memory_space<semaphore_mem>>
        %dma_wait3A_273 = tpu.memref_squeeze %dma_wait3A_272 : memref<1x!tpu.dma_semaphore, #tpu.memory_space<semaphore_mem>> -> memref<!tpu.dma_semaphore, #tpu.memory_space<semaphore_mem>>
        %dma_wait3A_274 = arith.constant 0 : i32
        %dma_wait3A_275 = tpu.memref_slice %arg12[%dma_wait3A_265, %dma_wait3A_274] : memref<4x80xi32, #tpu.memory_space<vmem>> -> memref<1x80xi32, #tpu.memory_space<vmem>>
        %dma_wait3A_276 = tpu.memref_squeeze %dma_wait3A_275 : memref<1x80xi32, #tpu.memory_space<vmem>> -> memref<80xi32, #tpu.memory_space<vmem>>
        %dma_wait3A_277 = arith.constant 0 : i32
        %dma_wait3A_278 = tpu.memref_slice %arg6[%dma_wait3A_277] : memref<640000xi32, #tpu.memory_space<hbm>> -> memref<80xi32, #tpu.memory_space<hbm>>
        tpu.wait_dma2 semaphore(%dma_wait3A_273 : memref<!tpu.dma_semaphore, #tpu.memory_space<semaphore_mem>>) src(%dma_wait3A_278 : memref<80xi32, #tpu.memory_space<hbm>>) dst(%dma_wait3A_276 : memref<80xi32, #tpu.memory_space<vmem>>)
        %dma_start3A_279 = arith.constant 1 : i32
        %dma_start3A_280 = arith.constant 1 : i32
        %dma_start3A_281 = arith.constant 1 : i32
        %dma_start3A_282 = arith.constant 0 : i32
        %dma_start3A_283 = arith.constant 0 : i32
        %dma_start3A_284 = tpu.memref_slice %arg13[%dma_start3A_280, %dma_start3A_282, %dma_start3A_283] : memref<4x80x128xf32, #tpu.memory_space<vmem>> -> memref<1x80x128xf32, #tpu.memory_space<vmem>>
        %dma_start3A_285 = tpu.memref_squeeze %dma_start3A_284 : memref<1x80x128xf32, #tpu.memory_space<vmem>> -> memref<80x128xf32, #tpu.memory_space<vmem>>
        %dma_start3A_286 = arith.constant 0 : i32
        %dma_start3A_287 = tpu.memref_slice %arg11[%dma_start3A_279, %dma_start3A_286] : memref<4x80xi32, #tpu.memory_space<vmem>> -> memref<1x80xi32, #tpu.memory_space<vmem>>
        %dma_start3A_288 = tpu.memref_squeeze %dma_start3A_287 : memref<1x80xi32, #tpu.memory_space<vmem>> -> memref<80xi32, #tpu.memory_space<vmem>>
        %dma_start3A_289 = arith.constant 0 : i32
        %dma_start3A_290 = arith.constant 0 : i32
        %dma_start3A_291 = tpu.memref_slice %arg2[%dma_start3A_289, %dma_start3A_290] : memref<10000x128xf32, #tpu.memory_space<hbm>> -> memref<10000x128xf32, #tpu.memory_space<hbm>>
        %dma_start3A_292 = tpu.memref_slice %arg16[%dma_start3A_281] : memref<4x!tpu.dma_semaphore, #tpu.memory_space<semaphore_mem>> -> memref<1x!tpu.dma_semaphore, #tpu.memory_space<semaphore_mem>>
        %dma_start3A_293 = tpu.memref_squeeze %dma_start3A_292 : memref<1x!tpu.dma_semaphore, #tpu.memory_space<semaphore_mem>> -> memref<!tpu.dma_semaphore, #tpu.memory_space<semaphore_mem>>
        tpu.enqueue_indirect_dma source(%dma_start3A_291 : memref<10000x128xf32, #tpu.memory_space<hbm>>) target(%dma_start3A_285 : memref<80x128xf32, #tpu.memory_space<vmem>>) offsets(%dma_start3A_288 : memref<80xi32, #tpu.memory_space<vmem>>) semaphore(%dma_start3A_293 : memref<!tpu.dma_semaphore, #tpu.memory_space<semaphore_mem>>)
        %dma_wait3A_294 = arith.constant 0 : i32
        %dma_wait3A_295 = arith.constant 0 : i32
        %dma_wait3A_296 = arith.constant 0 : i32
        %dma_wait3A_297 = arith.constant 0 : i32
        %dma_wait3A_298 = tpu.memref_slice %arg13[%dma_wait3A_294, %dma_wait3A_296, %dma_wait3A_297] : memref<4x80x128xf32, #tpu.memory_space<vmem>> -> memref<1x80x128xf32, #tpu.memory_space<vmem>>
        %dma_wait3A_299 = tpu.memref_squeeze %dma_wait3A_298 : memref<1x80x128xf32, #tpu.memory_space<vmem>> -> memref<80x128xf32, #tpu.memory_space<vmem>>
        %dma_wait3A_300 = arith.constant 0 : i32
        %dma_wait3A_301 = arith.constant 0 : i32
        %dma_wait3A_302 = tpu.memref_slice %arg2[%dma_wait3A_300, %dma_wait3A_301] : memref<10000x128xf32, #tpu.memory_space<hbm>> -> memref<80x128xf32, #tpu.memory_space<hbm>>
        %dma_wait3A_303 = tpu.memref_slice %arg16[%dma_wait3A_295] : memref<4x!tpu.dma_semaphore, #tpu.memory_space<semaphore_mem>> -> memref<1x!tpu.dma_semaphore, #tpu.memory_space<semaphore_mem>>
        %dma_wait3A_304 = tpu.memref_squeeze %dma_wait3A_303 : memref<1x!tpu.dma_semaphore, #tpu.memory_space<semaphore_mem>> -> memref<!tpu.dma_semaphore, #tpu.memory_space<semaphore_mem>>
        %dma_wait3A_305 = arith.constant 0 : i32
        %dma_wait3A_306 = arith.constant 0 : i32
        %dma_wait3A_307 = tpu.memref_slice %arg13[%dma_wait3A_294, %dma_wait3A_305, %dma_wait3A_306] : memref<4x80x128xf32, #tpu.memory_space<vmem>> -> memref<1x80x128xf32, #tpu.memory_space<vmem>>
        %dma_wait3A_308 = tpu.memref_squeeze %dma_wait3A_307 : memref<1x80x128xf32, #tpu.memory_space<vmem>> -> memref<80x128xf32, #tpu.memory_space<vmem>>
        %dma_wait3A_309 = arith.constant 0 : i32
        %dma_wait3A_310 = arith.constant 0 : i32
        %dma_wait3A_311 = tpu.memref_slice %arg2[%dma_wait3A_309, %dma_wait3A_310] : memref<10000x128xf32, #tpu.memory_space<hbm>> -> memref<80x128xf32, #tpu.memory_space<hbm>>
        tpu.wait_dma2 semaphore(%dma_wait3A_304 : memref<!tpu.dma_semaphore, #tpu.memory_space<semaphore_mem>>) src(%dma_wait3A_311 : memref<80x128xf32, #tpu.memory_space<hbm>>) dst(%dma_wait3A_308 : memref<80x128xf32, #tpu.memory_space<vmem>>)
        %dma_start3A_312 = arith.constant 0 : i32
        %dma_start3A_313 = arith.constant 0 : i32
        %dma_start3A_314 = arith.constant 0 : i32
        %dma_start3A_315 = arith.constant 0 : i32
        %dma_start3A_316 = arith.constant 0 : i32
        %dma_start3A_317 = tpu.memref_slice %arg13[%dma_start3A_312, %dma_start3A_315, %dma_start3A_316] : memref<4x80x128xf32, #tpu.memory_space<vmem>> -> memref<1x80x128xf32, #tpu.memory_space<vmem>>
        %dma_start3A_318 = tpu.memref_squeeze %dma_start3A_317 : memref<1x80x128xf32, #tpu.memory_space<vmem>> -> memref<80x128xf32, #tpu.memory_space<vmem>>
        %dma_start3A_319 = arith.constant 0 : i32
        %dma_start3A_320 = tpu.memref_slice %arg12[%dma_start3A_313, %dma_start3A_319] : memref<4x80xi32, #tpu.memory_space<vmem>> -> memref<1x80xi32, #tpu.memory_space<vmem>>
        %dma_start3A_321 = tpu.memref_squeeze %dma_start3A_320 : memref<1x80xi32, #tpu.memory_space<vmem>> -> memref<80xi32, #tpu.memory_space<vmem>>
        %dma_start3A_322 = arith.constant 0 : i32
        %dma_start3A_323 = arith.constant 0 : i32
        %dma_start3A_324 = tpu.memref_slice %arg14[%dma_start3A_322, %dma_start3A_323] : memref<10112x128xf32, #tpu.memory_space<vmem_shared>> -> memref<10112x128xf32, #tpu.memory_space<vmem_shared>>
        %dma_start3A_325 = tpu.memref_slice %arg17[%dma_start3A_314] : memref<4x!tpu.dma_semaphore, #tpu.memory_space<semaphore_mem>> -> memref<1x!tpu.dma_semaphore, #tpu.memory_space<semaphore_mem>>
        %dma_start3A_326 = tpu.memref_squeeze %dma_start3A_325 : memref<1x!tpu.dma_semaphore, #tpu.memory_space<semaphore_mem>> -> memref<!tpu.dma_semaphore, #tpu.memory_space<semaphore_mem>>
        tpu.enqueue_indirect_dma source(%dma_start3A_318 : memref<80x128xf32, #tpu.memory_space<vmem>>) target(%dma_start3A_324 : memref<10112x128xf32, #tpu.memory_space<vmem_shared>>) offsets(%dma_start3A_321 : memref<80xi32, #tpu.memory_space<vmem>>) semaphore(%dma_start3A_326 : memref<!tpu.dma_semaphore, #tpu.memory_space<semaphore_mem>>) {add = true}
        %dma_wait3A_327 = arith.constant 1 : i32
        %dma_wait3A_328 = arith.constant 1 : i32
        %dma_wait3A_329 = arith.constant 0 : i32
        %dma_wait3A_330 = arith.constant 0 : i32
        %dma_wait3A_331 = tpu.memref_slice %arg13[%dma_wait3A_327, %dma_wait3A_329, %dma_wait3A_330] : memref<4x80x128xf32, #tpu.memory_space<vmem>> -> memref<1x80x128xf32, #tpu.memory_space<vmem>>
        %dma_wait3A_332 = tpu.memref_squeeze %dma_wait3A_331 : memref<1x80x128xf32, #tpu.memory_space<vmem>> -> memref<80x128xf32, #tpu.memory_space<vmem>>
        %dma_wait3A_333 = arith.constant 0 : i32
        %dma_wait3A_334 = arith.constant 0 : i32
        %dma_wait3A_335 = tpu.memref_slice %arg2[%dma_wait3A_333, %dma_wait3A_334] : memref<10000x128xf32, #tpu.memory_space<hbm>> -> memref<80x128xf32, #tpu.memory_space<hbm>>
        %dma_wait3A_336 = tpu.memref_slice %arg16[%dma_wait3A_328] : memref<4x!tpu.dma_semaphore, #tpu.memory_space<semaphore_mem>> -> memref<1x!tpu.dma_semaphore, #tpu.memory_space<semaphore_mem>>
        %dma_wait3A_337 = tpu.memref_squeeze %dma_wait3A_336 : memref<1x!tpu.dma_semaphore, #tpu.memory_space<semaphore_mem>> -> memref<!tpu.dma_semaphore, #tpu.memory_space<semaphore_mem>>
        %dma_wait3A_338 = arith.constant 0 : i32
        %dma_wait3A_339 = arith.constant 0 : i32
        %dma_wait3A_340 = tpu.memref_slice %arg13[%dma_wait3A_327, %dma_wait3A_338, %dma_wait3A_339] : memref<4x80x128xf32, #tpu.memory_space<vmem>> -> memref<1x80x128xf32, #tpu.memory_space<vmem>>
        %dma_wait3A_341 = tpu.memref_squeeze %dma_wait3A_340 : memref<1x80x128xf32, #tpu.memory_space<vmem>> -> memref<80x128xf32, #tpu.memory_space<vmem>>
        %dma_wait3A_342 = arith.constant 0 : i32
        %dma_wait3A_343 = arith.constant 0 : i32
        %dma_wait3A_344 = tpu.memref_slice %arg2[%dma_wait3A_342, %dma_wait3A_343] : memref<10000x128xf32, #tpu.memory_space<hbm>> -> memref<80x128xf32, #tpu.memory_space<hbm>>
        tpu.wait_dma2 semaphore(%dma_wait3A_337 : memref<!tpu.dma_semaphore, #tpu.memory_space<semaphore_mem>>) src(%dma_wait3A_344 : memref<80x128xf32, #tpu.memory_space<hbm>>) dst(%dma_wait3A_341 : memref<80x128xf32, #tpu.memory_space<vmem>>)
        %dma_start3A_345 = arith.constant 1 : i32
        %dma_start3A_346 = arith.constant 1 : i32
        %dma_start3A_347 = arith.constant 1 : i32
        %dma_start3A_348 = arith.constant 0 : i32
        %dma_start3A_349 = arith.constant 0 : i32
        %dma_start3A_350 = tpu.memref_slice %arg13[%dma_start3A_345, %dma_start3A_348, %dma_start3A_349] : memref<4x80x128xf32, #tpu.memory_space<vmem>> -> memref<1x80x128xf32, #tpu.memory_space<vmem>>
        %dma_start3A_351 = tpu.memref_squeeze %dma_start3A_350 : memref<1x80x128xf32, #tpu.memory_space<vmem>> -> memref<80x128xf32, #tpu.memory_space<vmem>>
        %dma_start3A_352 = arith.constant 0 : i32
        %dma_start3A_353 = tpu.memref_slice %arg12[%dma_start3A_346, %dma_start3A_352] : memref<4x80xi32, #tpu.memory_space<vmem>> -> memref<1x80xi32, #tpu.memory_space<vmem>>
        %dma_start3A_354 = tpu.memref_squeeze %dma_start3A_353 : memref<1x80xi32, #tpu.memory_space<vmem>> -> memref<80xi32, #tpu.memory_space<vmem>>
        %dma_start3A_355 = arith.constant 0 : i32
        %dma_start3A_356 = arith.constant 0 : i32
        %dma_start3A_357 = tpu.memref_slice %arg14[%dma_start3A_355, %dma_start3A_356] : memref<10112x128xf32, #tpu.memory_space<vmem_shared>> -> memref<10112x128xf32, #tpu.memory_space<vmem_shared>>
        %dma_start3A_358 = tpu.memref_slice %arg17[%dma_start3A_347] : memref<4x!tpu.dma_semaphore, #tpu.memory_space<semaphore_mem>> -> memref<1x!tpu.dma_semaphore, #tpu.memory_space<semaphore_mem>>
        %dma_start3A_359 = tpu.memref_squeeze %dma_start3A_358 : memref<1x!tpu.dma_semaphore, #tpu.memory_space<semaphore_mem>> -> memref<!tpu.dma_semaphore, #tpu.memory_space<semaphore_mem>>
        tpu.enqueue_indirect_dma source(%dma_start3A_351 : memref<80x128xf32, #tpu.memory_space<vmem>>) target(%dma_start3A_357 : memref<10112x128xf32, #tpu.memory_space<vmem_shared>>) offsets(%dma_start3A_354 : memref<80xi32, #tpu.memory_space<vmem>>) semaphore(%dma_start3A_359 : memref<!tpu.dma_semaphore, #tpu.memory_space<semaphore_mem>>) {add = true}
        %add3A_360 = arith.constant 2 : i32
        %add3A_361 = arith.addi %add3A_207, %add3A_360 : i32
        %add3A_362 = arith.constant 0 : i32
        %add3A_363 = arith.addi %add3A_361, %add3A_362 : i32
        %gt3A = arith.constant 0 : i32
        %gt3A_364 = arith.cmpi sgt, %add3A_205, %gt3A : i32
        %convert_element_type3A_365 = arith.extui %gt3A_364 : i1 to i32
        %cond3A_366 = arith.constant 0 : i32
        %cond3A_367 = arith.cmpi ne, %convert_element_type3A_365, %cond3A_366 : i32
        scf.if %cond3A_367 {
          %dma_wait3A_594 = arith.constant 2 : i32
          %dma_wait3A_595 = arith.constant 2 : i32
          %dma_wait3A_596 = arith.constant 0 : i32
          %dma_wait3A_597 = arith.constant 0 : i32
          %dma_wait3A_598 = tpu.memref_slice %arg13[%dma_wait3A_594, %dma_wait3A_596, %dma_wait3A_597] : memref<4x80x128xf32, #tpu.memory_space<vmem>> -> memref<1x80x128xf32, #tpu.memory_space<vmem>>
          %dma_wait3A_599 = tpu.memref_squeeze %dma_wait3A_598 : memref<1x80x128xf32, #tpu.memory_space<vmem>> -> memref<80x128xf32, #tpu.memory_space<vmem>>
          %dma_wait3A_600 = arith.constant 0 : i32
          %dma_wait3A_601 = arith.constant 0 : i32
          %dma_wait3A_602 = tpu.memref_slice %arg7[%dma_wait3A_600, %dma_wait3A_601] : memref<10112x128xf32, #tpu.memory_space<hbm>> -> memref<80x128xf32, #tpu.memory_space<hbm>>
          %dma_wait3A_603 = tpu.memref_slice %arg17[%dma_wait3A_595] : memref<4x!tpu.dma_semaphore, #tpu.memory_space<semaphore_mem>> -> memref<1x!tpu.dma_semaphore, #tpu.memory_space<semaphore_mem>>
          %dma_wait3A_604 = tpu.memref_squeeze %dma_wait3A_603 : memref<1x!tpu.dma_semaphore, #tpu.memory_space<semaphore_mem>> -> memref<!tpu.dma_semaphore, #tpu.memory_space<semaphore_mem>>
          %dma_wait3A_605 = arith.constant 0 : i32
          %dma_wait3A_606 = arith.constant 0 : i32
          %dma_wait3A_607 = tpu.memref_slice %arg13[%dma_wait3A_594, %dma_wait3A_605, %dma_wait3A_606] : memref<4x80x128xf32, #tpu.memory_space<vmem>> -> memref<1x80x128xf32, #tpu.memory_space<vmem>>
          %dma_wait3A_608 = tpu.memref_squeeze %dma_wait3A_607 : memref<1x80x128xf32, #tpu.memory_space<vmem>> -> memref<80x128xf32, #tpu.memory_space<vmem>>
          %dma_wait3A_609 = arith.constant 0 : i32
          %dma_wait3A_610 = arith.constant 0 : i32
          %dma_wait3A_611 = tpu.memref_slice %arg7[%dma_wait3A_609, %dma_wait3A_610] : memref<10112x128xf32, #tpu.memory_space<hbm>> -> memref<80x128xf32, #tpu.memory_space<hbm>>
          tpu.wait_dma2 semaphore(%dma_wait3A_604 : memref<!tpu.dma_semaphore, #tpu.memory_space<semaphore_mem>>) src(%dma_wait3A_611 : memref<80x128xf32, #tpu.memory_space<hbm>>) dst(%dma_wait3A_608 : memref<80x128xf32, #tpu.memory_space<vmem>>)
        } else {
        }
        %lt3A = arith.constant 124 : i32
        %lt3A_368 = arith.cmpi slt, %add3A_363, %lt3A : i32
        %convert_element_type3A_369 = arith.extui %lt3A_368 : i1 to i32
        %cond3A_370 = arith.constant 0 : i32
        %cond3A_371 = arith.cmpi ne, %convert_element_type3A_369, %cond3A_370 : i32
        scf.if %cond3A_371 {
          %mul3A_594 = arith.constant 80 : i32
          %mul3A_595 = arith.muli %add3A_363, %mul3A_594 : i32
          %add3A_596 = arith.addi %add3A_106, %mul3A_595 : i32
          %dma_start3A_597 = arith.constant 2 : i32
          %dma_start3A_598 = arith.constant 2 : i32
          %dma_start3A_599 = arith.constant 0 : i32
          %dma_start3A_600 = tpu.memref_slice %arg11[%dma_start3A_597, %dma_start3A_599] : memref<4x80xi32, #tpu.memory_space<vmem>> -> memref<1x80xi32, #tpu.memory_space<vmem>>
          %dma_start3A_601 = tpu.memref_squeeze %dma_start3A_600 : memref<1x80xi32, #tpu.memory_space<vmem>> -> memref<80xi32, #tpu.memory_space<vmem>>
          %dma_start3A_602 = tpu.memref_slice %arg5[%add3A_596] : memref<640000xi32, #tpu.memory_space<hbm>> -> memref<80xi32, #tpu.memory_space<hbm>>
          %dma_start3A_603 = tpu.memref_slice %arg15[%dma_start3A_598] : memref<4x!tpu.dma_semaphore, #tpu.memory_space<semaphore_mem>> -> memref<1x!tpu.dma_semaphore, #tpu.memory_space<semaphore_mem>>
          %dma_start3A_604 = tpu.memref_squeeze %dma_start3A_603 : memref<1x!tpu.dma_semaphore, #tpu.memory_space<semaphore_mem>> -> memref<!tpu.dma_semaphore, #tpu.memory_space<semaphore_mem>>
          %dma_start3A_605 = arith.constant 0 : i32
          %dma_start3A_606 = tpu.memref_slice %arg11[%dma_start3A_597, %dma_start3A_605] : memref<4x80xi32, #tpu.memory_space<vmem>> -> memref<1x80xi32, #tpu.memory_space<vmem>>
          %dma_start3A_607 = tpu.memref_squeeze %dma_start3A_606 : memref<1x80xi32, #tpu.memory_space<vmem>> -> memref<80xi32, #tpu.memory_space<vmem>>
          %dma_start3A_608 = tpu.memref_slice %arg5[%add3A_596] : memref<640000xi32, #tpu.memory_space<hbm>> -> memref<80xi32, #tpu.memory_space<hbm>>
          tpu.enqueue_dma source(%dma_start3A_608 : memref<80xi32, #tpu.memory_space<hbm>>) target(%dma_start3A_607 : memref<80xi32, #tpu.memory_space<vmem>>) target_semaphore(%dma_start3A_604 : memref<!tpu.dma_semaphore, #tpu.memory_space<semaphore_mem>>)
          %dma_start3A_609 = arith.constant 2 : i32
          %dma_start3A_610 = arith.constant 2 : i32
          %dma_start3A_611 = arith.constant 0 : i32
          %dma_start3A_612 = tpu.memref_slice %arg12[%dma_start3A_609, %dma_start3A_611] : memref<4x80xi32, #tpu.memory_space<vmem>> -> memref<1x80xi32, #tpu.memory_space<vmem>>
          %dma_start3A_613 = tpu.memref_squeeze %dma_start3A_612 : memref<1x80xi32, #tpu.memory_space<vmem>> -> memref<80xi32, #tpu.memory_space<vmem>>
          %dma_start3A_614 = tpu.memref_slice %arg6[%add3A_596] : memref<640000xi32, #tpu.memory_space<hbm>> -> memref<80xi32, #tpu.memory_space<hbm>>
          %dma_start3A_615 = tpu.memref_slice %arg15[%dma_start3A_610] : memref<4x!tpu.dma_semaphore, #tpu.memory_space<semaphore_mem>> -> memref<1x!tpu.dma_semaphore, #tpu.memory_space<semaphore_mem>>
          %dma_start3A_616 = tpu.memref_squeeze %dma_start3A_615 : memref<1x!tpu.dma_semaphore, #tpu.memory_space<semaphore_mem>> -> memref<!tpu.dma_semaphore, #tpu.memory_space<semaphore_mem>>
          %dma_start3A_617 = arith.constant 0 : i32
          %dma_start3A_618 = tpu.memref_slice %arg12[%dma_start3A_609, %dma_start3A_617] : memref<4x80xi32, #tpu.memory_space<vmem>> -> memref<1x80xi32, #tpu.memory_space<vmem>>
          %dma_start3A_619 = tpu.memref_squeeze %dma_start3A_618 : memref<1x80xi32, #tpu.memory_space<vmem>> -> memref<80xi32, #tpu.memory_space<vmem>>
          %dma_start3A_620 = tpu.memref_slice %arg6[%add3A_596] : memref<640000xi32, #tpu.memory_space<hbm>> -> memref<80xi32, #tpu.memory_space<hbm>>
          tpu.enqueue_dma source(%dma_start3A_620 : memref<80xi32, #tpu.memory_space<hbm>>) target(%dma_start3A_619 : memref<80xi32, #tpu.memory_space<vmem>>) target_semaphore(%dma_start3A_616 : memref<!tpu.dma_semaphore, #tpu.memory_space<semaphore_mem>>)
        } else {
        }
        %add3A_372 = arith.constant 2 : i32
        %add3A_373 = arith.addi %add3A_207, %add3A_372 : i32
        %add3A_374 = arith.constant 1 : i32
        %add3A_375 = arith.addi %add3A_373, %add3A_374 : i32
        %gt3A_376 = arith.constant 0 : i32
        %gt3A_377 = arith.cmpi sgt, %add3A_205, %gt3A_376 : i32
        %convert_element_type3A_378 = arith.extui %gt3A_377 : i1 to i32
        %cond3A_379 = arith.constant 0 : i32
        %cond3A_380 = arith.cmpi ne, %convert_element_type3A_378, %cond3A_379 : i32
        scf.if %cond3A_380 {
          %dma_wait3A_594 = arith.constant 3 : i32
          %dma_wait3A_595 = arith.constant 3 : i32
          %dma_wait3A_596 = arith.constant 0 : i32
          %dma_wait3A_597 = arith.constant 0 : i32
          %dma_wait3A_598 = tpu.memref_slice %arg13[%dma_wait3A_594, %dma_wait3A_596, %dma_wait3A_597] : memref<4x80x128xf32, #tpu.memory_space<vmem>> -> memref<1x80x128xf32, #tpu.memory_space<vmem>>
          %dma_wait3A_599 = tpu.memref_squeeze %dma_wait3A_598 : memref<1x80x128xf32, #tpu.memory_space<vmem>> -> memref<80x128xf32, #tpu.memory_space<vmem>>
          %dma_wait3A_600 = arith.constant 0 : i32
          %dma_wait3A_601 = arith.constant 0 : i32
          %dma_wait3A_602 = tpu.memref_slice %arg7[%dma_wait3A_600, %dma_wait3A_601] : memref<10112x128xf32, #tpu.memory_space<hbm>> -> memref<80x128xf32, #tpu.memory_space<hbm>>
          %dma_wait3A_603 = tpu.memref_slice %arg17[%dma_wait3A_595] : memref<4x!tpu.dma_semaphore, #tpu.memory_space<semaphore_mem>> -> memref<1x!tpu.dma_semaphore, #tpu.memory_space<semaphore_mem>>
          %dma_wait3A_604 = tpu.memref_squeeze %dma_wait3A_603 : memref<1x!tpu.dma_semaphore, #tpu.memory_space<semaphore_mem>> -> memref<!tpu.dma_semaphore, #tpu.memory_space<semaphore_mem>>
          %dma_wait3A_605 = arith.constant 0 : i32
          %dma_wait3A_606 = arith.constant 0 : i32
          %dma_wait3A_607 = tpu.memref_slice %arg13[%dma_wait3A_594, %dma_wait3A_605, %dma_wait3A_606] : memref<4x80x128xf32, #tpu.memory_space<vmem>> -> memref<1x80x128xf32, #tpu.memory_space<vmem>>
          %dma_wait3A_608 = tpu.memref_squeeze %dma_wait3A_607 : memref<1x80x128xf32, #tpu.memory_space<vmem>> -> memref<80x128xf32, #tpu.memory_space<vmem>>
          %dma_wait3A_609 = arith.constant 0 : i32
          %dma_wait3A_610 = arith.constant 0 : i32
          %dma_wait3A_611 = tpu.memref_slice %arg7[%dma_wait3A_609, %dma_wait3A_610] : memref<10112x128xf32, #tpu.memory_space<hbm>> -> memref<80x128xf32, #tpu.memory_space<hbm>>
          tpu.wait_dma2 semaphore(%dma_wait3A_604 : memref<!tpu.dma_semaphore, #tpu.memory_space<semaphore_mem>>) src(%dma_wait3A_611 : memref<80x128xf32, #tpu.memory_space<hbm>>) dst(%dma_wait3A_608 : memref<80x128xf32, #tpu.memory_space<vmem>>)
        } else {
        }
        %lt3A_381 = arith.constant 124 : i32
        %lt3A_382 = arith.cmpi slt, %add3A_375, %lt3A_381 : i32
        %convert_element_type3A_383 = arith.extui %lt3A_382 : i1 to i32
        %cond3A_384 = arith.constant 0 : i32
        %cond3A_385 = arith.cmpi ne, %convert_element_type3A_383, %cond3A_384 : i32
        scf.if %cond3A_385 {
          %mul3A_594 = arith.constant 80 : i32
          %mul3A_595 = arith.muli %add3A_375, %mul3A_594 : i32
          %add3A_596 = arith.addi %add3A_106, %mul3A_595 : i32
          %dma_start3A_597 = arith.constant 3 : i32
          %dma_start3A_598 = arith.constant 3 : i32
          %dma_start3A_599 = arith.constant 0 : i32
          %dma_start3A_600 = tpu.memref_slice %arg11[%dma_start3A_597, %dma_start3A_599] : memref<4x80xi32, #tpu.memory_space<vmem>> -> memref<1x80xi32, #tpu.memory_space<vmem>>
          %dma_start3A_601 = tpu.memref_squeeze %dma_start3A_600 : memref<1x80xi32, #tpu.memory_space<vmem>> -> memref<80xi32, #tpu.memory_space<vmem>>
          %dma_start3A_602 = tpu.memref_slice %arg5[%add3A_596] : memref<640000xi32, #tpu.memory_space<hbm>> -> memref<80xi32, #tpu.memory_space<hbm>>
          %dma_start3A_603 = tpu.memref_slice %arg15[%dma_start3A_598] : memref<4x!tpu.dma_semaphore, #tpu.memory_space<semaphore_mem>> -> memref<1x!tpu.dma_semaphore, #tpu.memory_space<semaphore_mem>>
          %dma_start3A_604 = tpu.memref_squeeze %dma_start3A_603 : memref<1x!tpu.dma_semaphore, #tpu.memory_space<semaphore_mem>> -> memref<!tpu.dma_semaphore, #tpu.memory_space<semaphore_mem>>
          %dma_start3A_605 = arith.constant 0 : i32
          %dma_start3A_606 = tpu.memref_slice %arg11[%dma_start3A_597, %dma_start3A_605] : memref<4x80xi32, #tpu.memory_space<vmem>> -> memref<1x80xi32, #tpu.memory_space<vmem>>
          %dma_start3A_607 = tpu.memref_squeeze %dma_start3A_606 : memref<1x80xi32, #tpu.memory_space<vmem>> -> memref<80xi32, #tpu.memory_space<vmem>>
          %dma_start3A_608 = tpu.memref_slice %arg5[%add3A_596] : memref<640000xi32, #tpu.memory_space<hbm>> -> memref<80xi32, #tpu.memory_space<hbm>>
          tpu.enqueue_dma source(%dma_start3A_608 : memref<80xi32, #tpu.memory_space<hbm>>) target(%dma_start3A_607 : memref<80xi32, #tpu.memory_space<vmem>>) target_semaphore(%dma_start3A_604 : memref<!tpu.dma_semaphore, #tpu.memory_space<semaphore_mem>>)
          %dma_start3A_609 = arith.constant 3 : i32
          %dma_start3A_610 = arith.constant 3 : i32
          %dma_start3A_611 = arith.constant 0 : i32
          %dma_start3A_612 = tpu.memref_slice %arg12[%dma_start3A_609, %dma_start3A_611] : memref<4x80xi32, #tpu.memory_space<vmem>> -> memref<1x80xi32, #tpu.memory_space<vmem>>
          %dma_start3A_613 = tpu.memref_squeeze %dma_start3A_612 : memref<1x80xi32, #tpu.memory_space<vmem>> -> memref<80xi32, #tpu.memory_space<vmem>>
          %dma_start3A_614 = tpu.memref_slice %arg6[%add3A_596] : memref<640000xi32, #tpu.memory_space<hbm>> -> memref<80xi32, #tpu.memory_space<hbm>>
          %dma_start3A_615 = tpu.memref_slice %arg15[%dma_start3A_610] : memref<4x!tpu.dma_semaphore, #tpu.memory_space<semaphore_mem>> -> memref<1x!tpu.dma_semaphore, #tpu.memory_space<semaphore_mem>>
          %dma_start3A_616 = tpu.memref_squeeze %dma_start3A_615 : memref<1x!tpu.dma_semaphore, #tpu.memory_space<semaphore_mem>> -> memref<!tpu.dma_semaphore, #tpu.memory_space<semaphore_mem>>
          %dma_start3A_617 = arith.constant 0 : i32
          %dma_start3A_618 = tpu.memref_slice %arg12[%dma_start3A_609, %dma_start3A_617] : memref<4x80xi32, #tpu.memory_space<vmem>> -> memref<1x80xi32, #tpu.memory_space<vmem>>
          %dma_start3A_619 = tpu.memref_squeeze %dma_start3A_618 : memref<1x80xi32, #tpu.memory_space<vmem>> -> memref<80xi32, #tpu.memory_space<vmem>>
          %dma_start3A_620 = tpu.memref_slice %arg6[%add3A_596] : memref<640000xi32, #tpu.memory_space<hbm>> -> memref<80xi32, #tpu.memory_space<hbm>>
          tpu.enqueue_dma source(%dma_start3A_620 : memref<80xi32, #tpu.memory_space<hbm>>) target(%dma_start3A_619 : memref<80xi32, #tpu.memory_space<vmem>>) target_semaphore(%dma_start3A_616 : memref<!tpu.dma_semaphore, #tpu.memory_space<semaphore_mem>>)
        } else {
        }
        %add3A_386 = arith.constant 2 : i32
        %add3A_387 = arith.addi %add3A_205, %add3A_386 : i32
        %dma_wait3A_388 = arith.constant 2 : i32
        %dma_wait3A_389 = arith.constant 2 : i32
        %dma_wait3A_390 = arith.constant 0 : i32
        %dma_wait3A_391 = tpu.memref_slice %arg11[%dma_wait3A_388, %dma_wait3A_390] : memref<4x80xi32, #tpu.memory_space<vmem>> -> memref<1x80xi32, #tpu.memory_space<vmem>>
        %dma_wait3A_392 = tpu.memref_squeeze %dma_wait3A_391 : memref<1x80xi32, #tpu.memory_space<vmem>> -> memref<80xi32, #tpu.memory_space<vmem>>
        %dma_wait3A_393 = arith.constant 0 : i32
        %dma_wait3A_394 = tpu.memref_slice %arg5[%dma_wait3A_393] : memref<640000xi32, #tpu.memory_space<hbm>> -> memref<80xi32, #tpu.memory_space<hbm>>
        %dma_wait3A_395 = tpu.memref_slice %arg15[%dma_wait3A_389] : memref<4x!tpu.dma_semaphore, #tpu.memory_space<semaphore_mem>> -> memref<1x!tpu.dma_semaphore, #tpu.memory_space<semaphore_mem>>
        %dma_wait3A_396 = tpu.memref_squeeze %dma_wait3A_395 : memref<1x!tpu.dma_semaphore, #tpu.memory_space<semaphore_mem>> -> memref<!tpu.dma_semaphore, #tpu.memory_space<semaphore_mem>>
        %dma_wait3A_397 = arith.constant 0 : i32
        %dma_wait3A_398 = tpu.memref_slice %arg11[%dma_wait3A_388, %dma_wait3A_397] : memref<4x80xi32, #tpu.memory_space<vmem>> -> memref<1x80xi32, #tpu.memory_space<vmem>>
        %dma_wait3A_399 = tpu.memref_squeeze %dma_wait3A_398 : memref<1x80xi32, #tpu.memory_space<vmem>> -> memref<80xi32, #tpu.memory_space<vmem>>
        %dma_wait3A_400 = arith.constant 0 : i32
        %dma_wait3A_401 = tpu.memref_slice %arg5[%dma_wait3A_400] : memref<640000xi32, #tpu.memory_space<hbm>> -> memref<80xi32, #tpu.memory_space<hbm>>
        tpu.wait_dma2 semaphore(%dma_wait3A_396 : memref<!tpu.dma_semaphore, #tpu.memory_space<semaphore_mem>>) src(%dma_wait3A_401 : memref<80xi32, #tpu.memory_space<hbm>>) dst(%dma_wait3A_399 : memref<80xi32, #tpu.memory_space<vmem>>)
        %dma_wait3A_402 = arith.constant 2 : i32
        %dma_wait3A_403 = arith.constant 2 : i32
        %dma_wait3A_404 = arith.constant 0 : i32
        %dma_wait3A_405 = tpu.memref_slice %arg12[%dma_wait3A_402, %dma_wait3A_404] : memref<4x80xi32, #tpu.memory_space<vmem>> -> memref<1x80xi32, #tpu.memory_space<vmem>>
        %dma_wait3A_406 = tpu.memref_squeeze %dma_wait3A_405 : memref<1x80xi32, #tpu.memory_space<vmem>> -> memref<80xi32, #tpu.memory_space<vmem>>
        %dma_wait3A_407 = arith.constant 0 : i32
        %dma_wait3A_408 = tpu.memref_slice %arg6[%dma_wait3A_407] : memref<640000xi32, #tpu.memory_space<hbm>> -> memref<80xi32, #tpu.memory_space<hbm>>
        %dma_wait3A_409 = tpu.memref_slice %arg15[%dma_wait3A_403] : memref<4x!tpu.dma_semaphore, #tpu.memory_space<semaphore_mem>> -> memref<1x!tpu.dma_semaphore, #tpu.memory_space<semaphore_mem>>
        %dma_wait3A_410 = tpu.memref_squeeze %dma_wait3A_409 : memref<1x!tpu.dma_semaphore, #tpu.memory_space<semaphore_mem>> -> memref<!tpu.dma_semaphore, #tpu.memory_space<semaphore_mem>>
        %dma_wait3A_411 = arith.constant 0 : i32
        %dma_wait3A_412 = tpu.memref_slice %arg12[%dma_wait3A_402, %dma_wait3A_411] : memref<4x80xi32, #tpu.memory_space<vmem>> -> memref<1x80xi32, #tpu.memory_space<vmem>>
        %dma_wait3A_413 = tpu.memref_squeeze %dma_wait3A_412 : memref<1x80xi32, #tpu.memory_space<vmem>> -> memref<80xi32, #tpu.memory_space<vmem>>
        %dma_wait3A_414 = arith.constant 0 : i32
        %dma_wait3A_415 = tpu.memref_slice %arg6[%dma_wait3A_414] : memref<640000xi32, #tpu.memory_space<hbm>> -> memref<80xi32, #tpu.memory_space<hbm>>
        tpu.wait_dma2 semaphore(%dma_wait3A_410 : memref<!tpu.dma_semaphore, #tpu.memory_space<semaphore_mem>>) src(%dma_wait3A_415 : memref<80xi32, #tpu.memory_space<hbm>>) dst(%dma_wait3A_413 : memref<80xi32, #tpu.memory_space<vmem>>)
        %dma_start3A_416 = arith.constant 2 : i32
        %dma_start3A_417 = arith.constant 2 : i32
        %dma_start3A_418 = arith.constant 2 : i32
        %dma_start3A_419 = arith.constant 0 : i32
        %dma_start3A_420 = arith.constant 0 : i32
        %dma_start3A_421 = tpu.memref_slice %arg13[%dma_start3A_417, %dma_start3A_419, %dma_start3A_420] : memref<4x80x128xf32, #tpu.memory_space<vmem>> -> memref<1x80x128xf32, #tpu.memory_space<vmem>>
        %dma_start3A_422 = tpu.memref_squeeze %dma_start3A_421 : memref<1x80x128xf32, #tpu.memory_space<vmem>> -> memref<80x128xf32, #tpu.memory_space<vmem>>
        %dma_start3A_423 = arith.constant 0 : i32
        %dma_start3A_424 = tpu.memref_slice %arg11[%dma_start3A_416, %dma_start3A_423] : memref<4x80xi32, #tpu.memory_space<vmem>> -> memref<1x80xi32, #tpu.memory_space<vmem>>
        %dma_start3A_425 = tpu.memref_squeeze %dma_start3A_424 : memref<1x80xi32, #tpu.memory_space<vmem>> -> memref<80xi32, #tpu.memory_space<vmem>>
        %dma_start3A_426 = arith.constant 0 : i32
        %dma_start3A_427 = arith.constant 0 : i32
        %dma_start3A_428 = tpu.memref_slice %arg2[%dma_start3A_426, %dma_start3A_427] : memref<10000x128xf32, #tpu.memory_space<hbm>> -> memref<10000x128xf32, #tpu.memory_space<hbm>>
        %dma_start3A_429 = tpu.memref_slice %arg16[%dma_start3A_418] : memref<4x!tpu.dma_semaphore, #tpu.memory_space<semaphore_mem>> -> memref<1x!tpu.dma_semaphore, #tpu.memory_space<semaphore_mem>>
        %dma_start3A_430 = tpu.memref_squeeze %dma_start3A_429 : memref<1x!tpu.dma_semaphore, #tpu.memory_space<semaphore_mem>> -> memref<!tpu.dma_semaphore, #tpu.memory_space<semaphore_mem>>
        tpu.enqueue_indirect_dma source(%dma_start3A_428 : memref<10000x128xf32, #tpu.memory_space<hbm>>) target(%dma_start3A_422 : memref<80x128xf32, #tpu.memory_space<vmem>>) offsets(%dma_start3A_425 : memref<80xi32, #tpu.memory_space<vmem>>) semaphore(%dma_start3A_430 : memref<!tpu.dma_semaphore, #tpu.memory_space<semaphore_mem>>)
        %dma_wait3A_431 = arith.constant 3 : i32
        %dma_wait3A_432 = arith.constant 3 : i32
        %dma_wait3A_433 = arith.constant 0 : i32
        %dma_wait3A_434 = tpu.memref_slice %arg11[%dma_wait3A_431, %dma_wait3A_433] : memref<4x80xi32, #tpu.memory_space<vmem>> -> memref<1x80xi32, #tpu.memory_space<vmem>>
        %dma_wait3A_435 = tpu.memref_squeeze %dma_wait3A_434 : memref<1x80xi32, #tpu.memory_space<vmem>> -> memref<80xi32, #tpu.memory_space<vmem>>
        %dma_wait3A_436 = arith.constant 0 : i32
        %dma_wait3A_437 = tpu.memref_slice %arg5[%dma_wait3A_436] : memref<640000xi32, #tpu.memory_space<hbm>> -> memref<80xi32, #tpu.memory_space<hbm>>
        %dma_wait3A_438 = tpu.memref_slice %arg15[%dma_wait3A_432] : memref<4x!tpu.dma_semaphore, #tpu.memory_space<semaphore_mem>> -> memref<1x!tpu.dma_semaphore, #tpu.memory_space<semaphore_mem>>
        %dma_wait3A_439 = tpu.memref_squeeze %dma_wait3A_438 : memref<1x!tpu.dma_semaphore, #tpu.memory_space<semaphore_mem>> -> memref<!tpu.dma_semaphore, #tpu.memory_space<semaphore_mem>>
        %dma_wait3A_440 = arith.constant 0 : i32
        %dma_wait3A_441 = tpu.memref_slice %arg11[%dma_wait3A_431, %dma_wait3A_440] : memref<4x80xi32, #tpu.memory_space<vmem>> -> memref<1x80xi32, #tpu.memory_space<vmem>>
        %dma_wait3A_442 = tpu.memref_squeeze %dma_wait3A_441 : memref<1x80xi32, #tpu.memory_space<vmem>> -> memref<80xi32, #tpu.memory_space<vmem>>
        %dma_wait3A_443 = arith.constant 0 : i32
        %dma_wait3A_444 = tpu.memref_slice %arg5[%dma_wait3A_443] : memref<640000xi32, #tpu.memory_space<hbm>> -> memref<80xi32, #tpu.memory_space<hbm>>
        tpu.wait_dma2 semaphore(%dma_wait3A_439 : memref<!tpu.dma_semaphore, #tpu.memory_space<semaphore_mem>>) src(%dma_wait3A_444 : memref<80xi32, #tpu.memory_space<hbm>>) dst(%dma_wait3A_442 : memref<80xi32, #tpu.memory_space<vmem>>)
        %dma_wait3A_445 = arith.constant 3 : i32
        %dma_wait3A_446 = arith.constant 3 : i32
        %dma_wait3A_447 = arith.constant 0 : i32
        %dma_wait3A_448 = tpu.memref_slice %arg12[%dma_wait3A_445, %dma_wait3A_447] : memref<4x80xi32, #tpu.memory_space<vmem>> -> memref<1x80xi32, #tpu.memory_space<vmem>>
        %dma_wait3A_449 = tpu.memref_squeeze %dma_wait3A_448 : memref<1x80xi32, #tpu.memory_space<vmem>> -> memref<80xi32, #tpu.memory_space<vmem>>
        %dma_wait3A_450 = arith.constant 0 : i32
        %dma_wait3A_451 = tpu.memref_slice %arg6[%dma_wait3A_450] : memref<640000xi32, #tpu.memory_space<hbm>> -> memref<80xi32, #tpu.memory_space<hbm>>
        %dma_wait3A_452 = tpu.memref_slice %arg15[%dma_wait3A_446] : memref<4x!tpu.dma_semaphore, #tpu.memory_space<semaphore_mem>> -> memref<1x!tpu.dma_semaphore, #tpu.memory_space<semaphore_mem>>
        %dma_wait3A_453 = tpu.memref_squeeze %dma_wait3A_452 : memref<1x!tpu.dma_semaphore, #tpu.memory_space<semaphore_mem>> -> memref<!tpu.dma_semaphore, #tpu.memory_space<semaphore_mem>>
        %dma_wait3A_454 = arith.constant 0 : i32
        %dma_wait3A_455 = tpu.memref_slice %arg12[%dma_wait3A_445, %dma_wait3A_454] : memref<4x80xi32, #tpu.memory_space<vmem>> -> memref<1x80xi32, #tpu.memory_space<vmem>>
        %dma_wait3A_456 = tpu.memref_squeeze %dma_wait3A_455 : memref<1x80xi32, #tpu.memory_space<vmem>> -> memref<80xi32, #tpu.memory_space<vmem>>
        %dma_wait3A_457 = arith.constant 0 : i32
        %dma_wait3A_458 = tpu.memref_slice %arg6[%dma_wait3A_457] : memref<640000xi32, #tpu.memory_space<hbm>> -> memref<80xi32, #tpu.memory_space<hbm>>
        tpu.wait_dma2 semaphore(%dma_wait3A_453 : memref<!tpu.dma_semaphore, #tpu.memory_space<semaphore_mem>>) src(%dma_wait3A_458 : memref<80xi32, #tpu.memory_space<hbm>>) dst(%dma_wait3A_456 : memref<80xi32, #tpu.memory_space<vmem>>)
        %dma_start3A_459 = arith.constant 3 : i32
        %dma_start3A_460 = arith.constant 3 : i32
        %dma_start3A_461 = arith.constant 3 : i32
        %dma_start3A_462 = arith.constant 0 : i32
        %dma_start3A_463 = arith.constant 0 : i32
        %dma_start3A_464 = tpu.memref_slice %arg13[%dma_start3A_460, %dma_start3A_462, %dma_start3A_463] : memref<4x80x128xf32, #tpu.memory_space<vmem>> -> memref<1x80x128xf32, #tpu.memory_space<vmem>>
        %dma_start3A_465 = tpu.memref_squeeze %dma_start3A_464 : memref<1x80x128xf32, #tpu.memory_space<vmem>> -> memref<80x128xf32, #tpu.memory_space<vmem>>
        %dma_start3A_466 = arith.constant 0 : i32
        %dma_start3A_467 = tpu.memref_slice %arg11[%dma_start3A_459, %dma_start3A_466] : memref<4x80xi32, #tpu.memory_space<vmem>> -> memref<1x80xi32, #tpu.memory_space<vmem>>
        %dma_start3A_468 = tpu.memref_squeeze %dma_start3A_467 : memref<1x80xi32, #tpu.memory_space<vmem>> -> memref<80xi32, #tpu.memory_space<vmem>>
        %dma_start3A_469 = arith.constant 0 : i32
        %dma_start3A_470 = arith.constant 0 : i32
        %dma_start3A_471 = tpu.memref_slice %arg2[%dma_start3A_469, %dma_start3A_470] : memref<10000x128xf32, #tpu.memory_space<hbm>> -> memref<10000x128xf32, #tpu.memory_space<hbm>>
        %dma_start3A_472 = tpu.memref_slice %arg16[%dma_start3A_461] : memref<4x!tpu.dma_semaphore, #tpu.memory_space<semaphore_mem>> -> memref<1x!tpu.dma_semaphore, #tpu.memory_space<semaphore_mem>>
        %dma_start3A_473 = tpu.memref_squeeze %dma_start3A_472 : memref<1x!tpu.dma_semaphore, #tpu.memory_space<semaphore_mem>> -> memref<!tpu.dma_semaphore, #tpu.memory_space<semaphore_mem>>
        tpu.enqueue_indirect_dma source(%dma_start3A_471 : memref<10000x128xf32, #tpu.memory_space<hbm>>) target(%dma_start3A_465 : memref<80x128xf32, #tpu.memory_space<vmem>>) offsets(%dma_start3A_468 : memref<80xi32, #tpu.memory_space<vmem>>) semaphore(%dma_start3A_473 : memref<!tpu.dma_semaphore, #tpu.memory_space<semaphore_mem>>)
        %dma_wait3A_474 = arith.constant 2 : i32
        %dma_wait3A_475 = arith.constant 2 : i32
        %dma_wait3A_476 = arith.constant 0 : i32
        %dma_wait3A_477 = arith.constant 0 : i32
        %dma_wait3A_478 = tpu.memref_slice %arg13[%dma_wait3A_474, %dma_wait3A_476, %dma_wait3A_477] : memref<4x80x128xf32, #tpu.memory_space<vmem>> -> memref<1x80x128xf32, #tpu.memory_space<vmem>>
        %dma_wait3A_479 = tpu.memref_squeeze %dma_wait3A_478 : memref<1x80x128xf32, #tpu.memory_space<vmem>> -> memref<80x128xf32, #tpu.memory_space<vmem>>
        %dma_wait3A_480 = arith.constant 0 : i32
        %dma_wait3A_481 = arith.constant 0 : i32
        %dma_wait3A_482 = tpu.memref_slice %arg2[%dma_wait3A_480, %dma_wait3A_481] : memref<10000x128xf32, #tpu.memory_space<hbm>> -> memref<80x128xf32, #tpu.memory_space<hbm>>
        %dma_wait3A_483 = tpu.memref_slice %arg16[%dma_wait3A_475] : memref<4x!tpu.dma_semaphore, #tpu.memory_space<semaphore_mem>> -> memref<1x!tpu.dma_semaphore, #tpu.memory_space<semaphore_mem>>
        %dma_wait3A_484 = tpu.memref_squeeze %dma_wait3A_483 : memref<1x!tpu.dma_semaphore, #tpu.memory_space<semaphore_mem>> -> memref<!tpu.dma_semaphore, #tpu.memory_space<semaphore_mem>>
        %dma_wait3A_485 = arith.constant 0 : i32
        %dma_wait3A_486 = arith.constant 0 : i32
        %dma_wait3A_487 = tpu.memref_slice %arg13[%dma_wait3A_474, %dma_wait3A_485, %dma_wait3A_486] : memref<4x80x128xf32, #tpu.memory_space<vmem>> -> memref<1x80x128xf32, #tpu.memory_space<vmem>>
        %dma_wait3A_488 = tpu.memref_squeeze %dma_wait3A_487 : memref<1x80x128xf32, #tpu.memory_space<vmem>> -> memref<80x128xf32, #tpu.memory_space<vmem>>
        %dma_wait3A_489 = arith.constant 0 : i32
        %dma_wait3A_490 = arith.constant 0 : i32
        %dma_wait3A_491 = tpu.memref_slice %arg2[%dma_wait3A_489, %dma_wait3A_490] : memref<10000x128xf32, #tpu.memory_space<hbm>> -> memref<80x128xf32, #tpu.memory_space<hbm>>
        tpu.wait_dma2 semaphore(%dma_wait3A_484 : memref<!tpu.dma_semaphore, #tpu.memory_space<semaphore_mem>>) src(%dma_wait3A_491 : memref<80x128xf32, #tpu.memory_space<hbm>>) dst(%dma_wait3A_488 : memref<80x128xf32, #tpu.memory_space<vmem>>)
        %dma_start3A_492 = arith.constant 2 : i32
        %dma_start3A_493 = arith.constant 2 : i32
        %dma_start3A_494 = arith.constant 2 : i32
        %dma_start3A_495 = arith.constant 0 : i32
        %dma_start3A_496 = arith.constant 0 : i32
        %dma_start3A_497 = tpu.memref_slice %arg13[%dma_start3A_492, %dma_start3A_495, %dma_start3A_496] : memref<4x80x128xf32, #tpu.memory_space<vmem>> -> memref<1x80x128xf32, #tpu.memory_space<vmem>>
        %dma_start3A_498 = tpu.memref_squeeze %dma_start3A_497 : memref<1x80x128xf32, #tpu.memory_space<vmem>> -> memref<80x128xf32, #tpu.memory_space<vmem>>
        %dma_start3A_499 = arith.constant 0 : i32
        %dma_start3A_500 = tpu.memref_slice %arg12[%dma_start3A_493, %dma_start3A_499] : memref<4x80xi32, #tpu.memory_space<vmem>> -> memref<1x80xi32, #tpu.memory_space<vmem>>
        %dma_start3A_501 = tpu.memref_squeeze %dma_start3A_500 : memref<1x80xi32, #tpu.memory_space<vmem>> -> memref<80xi32, #tpu.memory_space<vmem>>
        %dma_start3A_502 = arith.constant 0 : i32
        %dma_start3A_503 = arith.constant 0 : i32
        %dma_start3A_504 = tpu.memref_slice %arg14[%dma_start3A_502, %dma_start3A_503] : memref<10112x128xf32, #tpu.memory_space<vmem_shared>> -> memref<10112x128xf32, #tpu.memory_space<vmem_shared>>
        %dma_start3A_505 = tpu.memref_slice %arg17[%dma_start3A_494] : memref<4x!tpu.dma_semaphore, #tpu.memory_space<semaphore_mem>> -> memref<1x!tpu.dma_semaphore, #tpu.memory_space<semaphore_mem>>
        %dma_start3A_506 = tpu.memref_squeeze %dma_start3A_505 : memref<1x!tpu.dma_semaphore, #tpu.memory_space<semaphore_mem>> -> memref<!tpu.dma_semaphore, #tpu.memory_space<semaphore_mem>>
        tpu.enqueue_indirect_dma source(%dma_start3A_498 : memref<80x128xf32, #tpu.memory_space<vmem>>) target(%dma_start3A_504 : memref<10112x128xf32, #tpu.memory_space<vmem_shared>>) offsets(%dma_start3A_501 : memref<80xi32, #tpu.memory_space<vmem>>) semaphore(%dma_start3A_506 : memref<!tpu.dma_semaphore, #tpu.memory_space<semaphore_mem>>) {add = true}
        %dma_wait3A_507 = arith.constant 3 : i32
        %dma_wait3A_508 = arith.constant 3 : i32
        %dma_wait3A_509 = arith.constant 0 : i32
        %dma_wait3A_510 = arith.constant 0 : i32
        %dma_wait3A_511 = tpu.memref_slice %arg13[%dma_wait3A_507, %dma_wait3A_509, %dma_wait3A_510] : memref<4x80x128xf32, #tpu.memory_space<vmem>> -> memref<1x80x128xf32, #tpu.memory_space<vmem>>
        %dma_wait3A_512 = tpu.memref_squeeze %dma_wait3A_511 : memref<1x80x128xf32, #tpu.memory_space<vmem>> -> memref<80x128xf32, #tpu.memory_space<vmem>>
        %dma_wait3A_513 = arith.constant 0 : i32
        %dma_wait3A_514 = arith.constant 0 : i32
        %dma_wait3A_515 = tpu.memref_slice %arg2[%dma_wait3A_513, %dma_wait3A_514] : memref<10000x128xf32, #tpu.memory_space<hbm>> -> memref<80x128xf32, #tpu.memory_space<hbm>>
        %dma_wait3A_516 = tpu.memref_slice %arg16[%dma_wait3A_508] : memref<4x!tpu.dma_semaphore, #tpu.memory_space<semaphore_mem>> -> memref<1x!tpu.dma_semaphore, #tpu.memory_space<semaphore_mem>>
        %dma_wait3A_517 = tpu.memref_squeeze %dma_wait3A_516 : memref<1x!tpu.dma_semaphore, #tpu.memory_space<semaphore_mem>> -> memref<!tpu.dma_semaphore, #tpu.memory_space<semaphore_mem>>
        %dma_wait3A_518 = arith.constant 0 : i32
        %dma_wait3A_519 = arith.constant 0 : i32
        %dma_wait3A_520 = tpu.memref_slice %arg13[%dma_wait3A_507, %dma_wait3A_518, %dma_wait3A_519] : memref<4x80x128xf32, #tpu.memory_space<vmem>> -> memref<1x80x128xf32, #tpu.memory_space<vmem>>
        %dma_wait3A_521 = tpu.memref_squeeze %dma_wait3A_520 : memref<1x80x128xf32, #tpu.memory_space<vmem>> -> memref<80x128xf32, #tpu.memory_space<vmem>>
        %dma_wait3A_522 = arith.constant 0 : i32
        %dma_wait3A_523 = arith.constant 0 : i32
        %dma_wait3A_524 = tpu.memref_slice %arg2[%dma_wait3A_522, %dma_wait3A_523] : memref<10000x128xf32, #tpu.memory_space<hbm>> -> memref<80x128xf32, #tpu.memory_space<hbm>>
        tpu.wait_dma2 semaphore(%dma_wait3A_517 : memref<!tpu.dma_semaphore, #tpu.memory_space<semaphore_mem>>) src(%dma_wait3A_524 : memref<80x128xf32, #tpu.memory_space<hbm>>) dst(%dma_wait3A_521 : memref<80x128xf32, #tpu.memory_space<vmem>>)
        %dma_start3A_525 = arith.constant 3 : i32
        %dma_start3A_526 = arith.constant 3 : i32
        %dma_start3A_527 = arith.constant 3 : i32
        %dma_start3A_528 = arith.constant 0 : i32
        %dma_start3A_529 = arith.constant 0 : i32
        %dma_start3A_530 = tpu.memref_slice %arg13[%dma_start3A_525, %dma_start3A_528, %dma_start3A_529] : memref<4x80x128xf32, #tpu.memory_space<vmem>> -> memref<1x80x128xf32, #tpu.memory_space<vmem>>
        %dma_start3A_531 = tpu.memref_squeeze %dma_start3A_530 : memref<1x80x128xf32, #tpu.memory_space<vmem>> -> memref<80x128xf32, #tpu.memory_space<vmem>>
        %dma_start3A_532 = arith.constant 0 : i32
        %dma_start3A_533 = tpu.memref_slice %arg12[%dma_start3A_526, %dma_start3A_532] : memref<4x80xi32, #tpu.memory_space<vmem>> -> memref<1x80xi32, #tpu.memory_space<vmem>>
        %dma_start3A_534 = tpu.memref_squeeze %dma_start3A_533 : memref<1x80xi32, #tpu.memory_space<vmem>> -> memref<80xi32, #tpu.memory_space<vmem>>
        %dma_start3A_535 = arith.constant 0 : i32
        %dma_start3A_536 = arith.constant 0 : i32
        %dma_start3A_537 = tpu.memref_slice %arg14[%dma_start3A_535, %dma_start3A_536] : memref<10112x128xf32, #tpu.memory_space<vmem_shared>> -> memref<10112x128xf32, #tpu.memory_space<vmem_shared>>
        %dma_start3A_538 = tpu.memref_slice %arg17[%dma_start3A_527] : memref<4x!tpu.dma_semaphore, #tpu.memory_space<semaphore_mem>> -> memref<1x!tpu.dma_semaphore, #tpu.memory_space<semaphore_mem>>
        %dma_start3A_539 = tpu.memref_squeeze %dma_start3A_538 : memref<1x!tpu.dma_semaphore, #tpu.memory_space<semaphore_mem>> -> memref<!tpu.dma_semaphore, #tpu.memory_space<semaphore_mem>>
        tpu.enqueue_indirect_dma source(%dma_start3A_531 : memref<80x128xf32, #tpu.memory_space<vmem>>) target(%dma_start3A_537 : memref<10112x128xf32, #tpu.memory_space<vmem_shared>>) offsets(%dma_start3A_534 : memref<80xi32, #tpu.memory_space<vmem>>) semaphore(%dma_start3A_539 : memref<!tpu.dma_semaphore, #tpu.memory_space<semaphore_mem>>) {add = true}
        %add3A_540 = arith.constant 2 : i32
        %add3A_541 = arith.addi %add3A_387, %add3A_540 : i32
        %add3A_542 = arith.constant 0 : i32
        %add3A_543 = arith.addi %add3A_541, %add3A_542 : i32
        %dma_wait3A_544 = arith.constant 0 : i32
        %dma_wait3A_545 = arith.constant 0 : i32
        %dma_wait3A_546 = arith.constant 0 : i32
        %dma_wait3A_547 = arith.constant 0 : i32
        %dma_wait3A_548 = tpu.memref_slice %arg13[%dma_wait3A_544, %dma_wait3A_546, %dma_wait3A_547] : memref<4x80x128xf32, #tpu.memory_space<vmem>> -> memref<1x80x128xf32, #tpu.memory_space<vmem>>
        %dma_wait3A_549 = tpu.memref_squeeze %dma_wait3A_548 : memref<1x80x128xf32, #tpu.memory_space<vmem>> -> memref<80x128xf32, #tpu.memory_space<vmem>>
        %dma_wait3A_550 = arith.constant 0 : i32
        %dma_wait3A_551 = arith.constant 0 : i32
        %dma_wait3A_552 = tpu.memref_slice %arg7[%dma_wait3A_550, %dma_wait3A_551] : memref<10112x128xf32, #tpu.memory_space<hbm>> -> memref<80x128xf32, #tpu.memory_space<hbm>>
        %dma_wait3A_553 = tpu.memref_slice %arg17[%dma_wait3A_545] : memref<4x!tpu.dma_semaphore, #tpu.memory_space<semaphore_mem>> -> memref<1x!tpu.dma_semaphore, #tpu.memory_space<semaphore_mem>>
        %dma_wait3A_554 = tpu.memref_squeeze %dma_wait3A_553 : memref<1x!tpu.dma_semaphore, #tpu.memory_space<semaphore_mem>> -> memref<!tpu.dma_semaphore, #tpu.memory_space<semaphore_mem>>
        %dma_wait3A_555 = arith.constant 0 : i32
        %dma_wait3A_556 = arith.constant 0 : i32
        %dma_wait3A_557 = tpu.memref_slice %arg13[%dma_wait3A_544, %dma_wait3A_555, %dma_wait3A_556] : memref<4x80x128xf32, #tpu.memory_space<vmem>> -> memref<1x80x128xf32, #tpu.memory_space<vmem>>
        %dma_wait3A_558 = tpu.memref_squeeze %dma_wait3A_557 : memref<1x80x128xf32, #tpu.memory_space<vmem>> -> memref<80x128xf32, #tpu.memory_space<vmem>>
        %dma_wait3A_559 = arith.constant 0 : i32
        %dma_wait3A_560 = arith.constant 0 : i32
        %dma_wait3A_561 = tpu.memref_slice %arg7[%dma_wait3A_559, %dma_wait3A_560] : memref<10112x128xf32, #tpu.memory_space<hbm>> -> memref<80x128xf32, #tpu.memory_space<hbm>>
        tpu.wait_dma2 semaphore(%dma_wait3A_554 : memref<!tpu.dma_semaphore, #tpu.memory_space<semaphore_mem>>) src(%dma_wait3A_561 : memref<80x128xf32, #tpu.memory_space<hbm>>) dst(%dma_wait3A_558 : memref<80x128xf32, #tpu.memory_space<vmem>>)
        %lt3A_562 = arith.constant 124 : i32
        %lt3A_563 = arith.cmpi slt, %add3A_543, %lt3A_562 : i32
        %convert_element_type3A_564 = arith.extui %lt3A_563 : i1 to i32
        %cond3A_565 = arith.constant 0 : i32
        %cond3A_566 = arith.cmpi ne, %convert_element_type3A_564, %cond3A_565 : i32
        scf.if %cond3A_566 {
          %mul3A_594 = arith.constant 80 : i32
          %mul3A_595 = arith.muli %add3A_543, %mul3A_594 : i32
          %add3A_596 = arith.addi %add3A_106, %mul3A_595 : i32
          %dma_start3A_597 = arith.constant 0 : i32
          %dma_start3A_598 = arith.constant 0 : i32
          %dma_start3A_599 = arith.constant 0 : i32
          %dma_start3A_600 = tpu.memref_slice %arg11[%dma_start3A_597, %dma_start3A_599] : memref<4x80xi32, #tpu.memory_space<vmem>> -> memref<1x80xi32, #tpu.memory_space<vmem>>
          %dma_start3A_601 = tpu.memref_squeeze %dma_start3A_600 : memref<1x80xi32, #tpu.memory_space<vmem>> -> memref<80xi32, #tpu.memory_space<vmem>>
          %dma_start3A_602 = tpu.memref_slice %arg5[%add3A_596] : memref<640000xi32, #tpu.memory_space<hbm>> -> memref<80xi32, #tpu.memory_space<hbm>>
          %dma_start3A_603 = tpu.memref_slice %arg15[%dma_start3A_598] : memref<4x!tpu.dma_semaphore, #tpu.memory_space<semaphore_mem>> -> memref<1x!tpu.dma_semaphore, #tpu.memory_space<semaphore_mem>>
          %dma_start3A_604 = tpu.memref_squeeze %dma_start3A_603 : memref<1x!tpu.dma_semaphore, #tpu.memory_space<semaphore_mem>> -> memref<!tpu.dma_semaphore, #tpu.memory_space<semaphore_mem>>
          %dma_start3A_605 = arith.constant 0 : i32
          %dma_start3A_606 = tpu.memref_slice %arg11[%dma_start3A_597, %dma_start3A_605] : memref<4x80xi32, #tpu.memory_space<vmem>> -> memref<1x80xi32, #tpu.memory_space<vmem>>
          %dma_start3A_607 = tpu.memref_squeeze %dma_start3A_606 : memref<1x80xi32, #tpu.memory_space<vmem>> -> memref<80xi32, #tpu.memory_space<vmem>>
          %dma_start3A_608 = tpu.memref_slice %arg5[%add3A_596] : memref<640000xi32, #tpu.memory_space<hbm>> -> memref<80xi32, #tpu.memory_space<hbm>>
          tpu.enqueue_dma source(%dma_start3A_608 : memref<80xi32, #tpu.memory_space<hbm>>) target(%dma_start3A_607 : memref<80xi32, #tpu.memory_space<vmem>>) target_semaphore(%dma_start3A_604 : memref<!tpu.dma_semaphore, #tpu.memory_space<semaphore_mem>>)
          %dma_start3A_609 = arith.constant 0 : i32
          %dma_start3A_610 = arith.constant 0 : i32
          %dma_start3A_611 = arith.constant 0 : i32
          %dma_start3A_612 = tpu.memref_slice %arg12[%dma_start3A_609, %dma_start3A_611] : memref<4x80xi32, #tpu.memory_space<vmem>> -> memref<1x80xi32, #tpu.memory_space<vmem>>
          %dma_start3A_613 = tpu.memref_squeeze %dma_start3A_612 : memref<1x80xi32, #tpu.memory_space<vmem>> -> memref<80xi32, #tpu.memory_space<vmem>>
          %dma_start3A_614 = tpu.memref_slice %arg6[%add3A_596] : memref<640000xi32, #tpu.memory_space<hbm>> -> memref<80xi32, #tpu.memory_space<hbm>>
          %dma_start3A_615 = tpu.memref_slice %arg15[%dma_start3A_610] : memref<4x!tpu.dma_semaphore, #tpu.memory_space<semaphore_mem>> -> memref<1x!tpu.dma_semaphore, #tpu.memory_space<semaphore_mem>>
          %dma_start3A_616 = tpu.memref_squeeze %dma_start3A_615 : memref<1x!tpu.dma_semaphore, #tpu.memory_space<semaphore_mem>> -> memref<!tpu.dma_semaphore, #tpu.memory_space<semaphore_mem>>
          %dma_start3A_617 = arith.constant 0 : i32
          %dma_start3A_618 = tpu.memref_slice %arg12[%dma_start3A_609, %dma_start3A_617] : memref<4x80xi32, #tpu.memory_space<vmem>> -> memref<1x80xi32, #tpu.memory_space<vmem>>
          %dma_start3A_619 = tpu.memref_squeeze %dma_start3A_618 : memref<1x80xi32, #tpu.memory_space<vmem>> -> memref<80xi32, #tpu.memory_space<vmem>>
          %dma_start3A_620 = tpu.memref_slice %arg6[%add3A_596] : memref<640000xi32, #tpu.memory_space<hbm>> -> memref<80xi32, #tpu.memory_space<hbm>>
          tpu.enqueue_dma source(%dma_start3A_620 : memref<80xi32, #tpu.memory_space<hbm>>) target(%dma_start3A_619 : memref<80xi32, #tpu.memory_space<vmem>>) target_semaphore(%dma_start3A_616 : memref<!tpu.dma_semaphore, #tpu.memory_space<semaphore_mem>>)
        } else {
        }
        %add3A_567 = arith.constant 2 : i32
        %add3A_568 = arith.addi %add3A_387, %add3A_567 : i32
        %add3A_569 = arith.constant 1 : i32
        %add3A_570 = arith.addi %add3A_568, %add3A_569 : i32
        %dma_wait3A_571 = arith.constant 1 : i32
        %dma_wait3A_572 = arith.constant 1 : i32
        %dma_wait3A_573 = arith.constant 0 : i32
        %dma_wait3A_574 = arith.constant 0 : i32
        %dma_wait3A_575 = tpu.memref_slice %arg13[%dma_wait3A_571, %dma_wait3A_573, %dma_wait3A_574] : memref<4x80x128xf32, #tpu.memory_space<vmem>> -> memref<1x80x128xf32, #tpu.memory_space<vmem>>
        %dma_wait3A_576 = tpu.memref_squeeze %dma_wait3A_575 : memref<1x80x128xf32, #tpu.memory_space<vmem>> -> memref<80x128xf32, #tpu.memory_space<vmem>>
        %dma_wait3A_577 = arith.constant 0 : i32
        %dma_wait3A_578 = arith.constant 0 : i32
        %dma_wait3A_579 = tpu.memref_slice %arg7[%dma_wait3A_577, %dma_wait3A_578] : memref<10112x128xf32, #tpu.memory_space<hbm>> -> memref<80x128xf32, #tpu.memory_space<hbm>>
        %dma_wait3A_580 = tpu.memref_slice %arg17[%dma_wait3A_572] : memref<4x!tpu.dma_semaphore, #tpu.memory_space<semaphore_mem>> -> memref<1x!tpu.dma_semaphore, #tpu.memory_space<semaphore_mem>>
        %dma_wait3A_581 = tpu.memref_squeeze %dma_wait3A_580 : memref<1x!tpu.dma_semaphore, #tpu.memory_space<semaphore_mem>> -> memref<!tpu.dma_semaphore, #tpu.memory_space<semaphore_mem>>
        %dma_wait3A_582 = arith.constant 0 : i32
        %dma_wait3A_583 = arith.constant 0 : i32
        %dma_wait3A_584 = tpu.memref_slice %arg13[%dma_wait3A_571, %dma_wait3A_582, %dma_wait3A_583] : memref<4x80x128xf32, #tpu.memory_space<vmem>> -> memref<1x80x128xf32, #tpu.memory_space<vmem>>
        %dma_wait3A_585 = tpu.memref_squeeze %dma_wait3A_584 : memref<1x80x128xf32, #tpu.memory_space<vmem>> -> memref<80x128xf32, #tpu.memory_space<vmem>>
        %dma_wait3A_586 = arith.constant 0 : i32
        %dma_wait3A_587 = arith.constant 0 : i32
        %dma_wait3A_588 = tpu.memref_slice %arg7[%dma_wait3A_586, %dma_wait3A_587] : memref<10112x128xf32, #tpu.memory_space<hbm>> -> memref<80x128xf32, #tpu.memory_space<hbm>>
        tpu.wait_dma2 semaphore(%dma_wait3A_581 : memref<!tpu.dma_semaphore, #tpu.memory_space<semaphore_mem>>) src(%dma_wait3A_588 : memref<80x128xf32, #tpu.memory_space<hbm>>) dst(%dma_wait3A_585 : memref<80x128xf32, #tpu.memory_space<vmem>>)
        %lt3A_589 = arith.constant 124 : i32
        %lt3A_590 = arith.cmpi slt, %add3A_570, %lt3A_589 : i32
        %convert_element_type3A_591 = arith.extui %lt3A_590 : i1 to i32
        %cond3A_592 = arith.constant 0 : i32
        %cond3A_593 = arith.cmpi ne, %convert_element_type3A_591, %cond3A_592 : i32
        scf.if %cond3A_593 {
          %mul3A_594 = arith.constant 80 : i32
          %mul3A_595 = arith.muli %add3A_570, %mul3A_594 : i32
          %add3A_596 = arith.addi %add3A_106, %mul3A_595 : i32
          %dma_start3A_597 = arith.constant 1 : i32
          %dma_start3A_598 = arith.constant 1 : i32
          %dma_start3A_599 = arith.constant 0 : i32
          %dma_start3A_600 = tpu.memref_slice %arg11[%dma_start3A_597, %dma_start3A_599] : memref<4x80xi32, #tpu.memory_space<vmem>> -> memref<1x80xi32, #tpu.memory_space<vmem>>
          %dma_start3A_601 = tpu.memref_squeeze %dma_start3A_600 : memref<1x80xi32, #tpu.memory_space<vmem>> -> memref<80xi32, #tpu.memory_space<vmem>>
          %dma_start3A_602 = tpu.memref_slice %arg5[%add3A_596] : memref<640000xi32, #tpu.memory_space<hbm>> -> memref<80xi32, #tpu.memory_space<hbm>>
          %dma_start3A_603 = tpu.memref_slice %arg15[%dma_start3A_598] : memref<4x!tpu.dma_semaphore, #tpu.memory_space<semaphore_mem>> -> memref<1x!tpu.dma_semaphore, #tpu.memory_space<semaphore_mem>>
          %dma_start3A_604 = tpu.memref_squeeze %dma_start3A_603 : memref<1x!tpu.dma_semaphore, #tpu.memory_space<semaphore_mem>> -> memref<!tpu.dma_semaphore, #tpu.memory_space<semaphore_mem>>
          %dma_start3A_605 = arith.constant 0 : i32
          %dma_start3A_606 = tpu.memref_slice %arg11[%dma_start3A_597, %dma_start3A_605] : memref<4x80xi32, #tpu.memory_space<vmem>> -> memref<1x80xi32, #tpu.memory_space<vmem>>
          %dma_start3A_607 = tpu.memref_squeeze %dma_start3A_606 : memref<1x80xi32, #tpu.memory_space<vmem>> -> memref<80xi32, #tpu.memory_space<vmem>>
          %dma_start3A_608 = tpu.memref_slice %arg5[%add3A_596] : memref<640000xi32, #tpu.memory_space<hbm>> -> memref<80xi32, #tpu.memory_space<hbm>>
          tpu.enqueue_dma source(%dma_start3A_608 : memref<80xi32, #tpu.memory_space<hbm>>) target(%dma_start3A_607 : memref<80xi32, #tpu.memory_space<vmem>>) target_semaphore(%dma_start3A_604 : memref<!tpu.dma_semaphore, #tpu.memory_space<semaphore_mem>>)
          %dma_start3A_609 = arith.constant 1 : i32
          %dma_start3A_610 = arith.constant 1 : i32
          %dma_start3A_611 = arith.constant 0 : i32
          %dma_start3A_612 = tpu.memref_slice %arg12[%dma_start3A_609, %dma_start3A_611] : memref<4x80xi32, #tpu.memory_space<vmem>> -> memref<1x80xi32, #tpu.memory_space<vmem>>
          %dma_start3A_613 = tpu.memref_squeeze %dma_start3A_612 : memref<1x80xi32, #tpu.memory_space<vmem>> -> memref<80xi32, #tpu.memory_space<vmem>>
          %dma_start3A_614 = tpu.memref_slice %arg6[%add3A_596] : memref<640000xi32, #tpu.memory_space<hbm>> -> memref<80xi32, #tpu.memory_space<hbm>>
          %dma_start3A_615 = tpu.memref_slice %arg15[%dma_start3A_610] : memref<4x!tpu.dma_semaphore, #tpu.memory_space<semaphore_mem>> -> memref<1x!tpu.dma_semaphore, #tpu.memory_space<semaphore_mem>>
          %dma_start3A_616 = tpu.memref_squeeze %dma_start3A_615 : memref<1x!tpu.dma_semaphore, #tpu.memory_space<semaphore_mem>> -> memref<!tpu.dma_semaphore, #tpu.memory_space<semaphore_mem>>
          %dma_start3A_617 = arith.constant 0 : i32
          %dma_start3A_618 = tpu.memref_slice %arg12[%dma_start3A_609, %dma_start3A_617] : memref<4x80xi32, #tpu.memory_space<vmem>> -> memref<1x80xi32, #tpu.memory_space<vmem>>
          %dma_start3A_619 = tpu.memref_squeeze %dma_start3A_618 : memref<1x80xi32, #tpu.memory_space<vmem>> -> memref<80xi32, #tpu.memory_space<vmem>>
          %dma_start3A_620 = tpu.memref_slice %arg6[%add3A_596] : memref<640000xi32, #tpu.memory_space<hbm>> -> memref<80xi32, #tpu.memory_space<hbm>>
          tpu.enqueue_dma source(%dma_start3A_620 : memref<80xi32, #tpu.memory_space<hbm>>) target(%dma_start3A_619 : memref<80xi32, #tpu.memory_space<vmem>>) target_semaphore(%dma_start3A_616 : memref<!tpu.dma_semaphore, #tpu.memory_space<semaphore_mem>>)
        } else {
        }
      }
      %scan3A_163 = arith.constant 31 : i32
      %dma_wait3A_164 = arith.constant 2 : i32
      %dma_wait3A_165 = arith.constant 2 : i32
      %dma_wait3A_166 = arith.constant 0 : i32
      %dma_wait3A_167 = arith.constant 0 : i32
      %dma_wait3A_168 = tpu.memref_slice %arg13[%dma_wait3A_164, %dma_wait3A_166, %dma_wait3A_167] : memref<4x80x128xf32, #tpu.memory_space<vmem>> -> memref<1x80x128xf32, #tpu.memory_space<vmem>>
      %dma_wait3A_169 = tpu.memref_squeeze %dma_wait3A_168 : memref<1x80x128xf32, #tpu.memory_space<vmem>> -> memref<80x128xf32, #tpu.memory_space<vmem>>
      %dma_wait3A_170 = arith.constant 0 : i32
      %dma_wait3A_171 = arith.constant 0 : i32
      %dma_wait3A_172 = tpu.memref_slice %arg7[%dma_wait3A_170, %dma_wait3A_171] : memref<10112x128xf32, #tpu.memory_space<hbm>> -> memref<80x128xf32, #tpu.memory_space<hbm>>
      %dma_wait3A_173 = tpu.memref_slice %arg17[%dma_wait3A_165] : memref<4x!tpu.dma_semaphore, #tpu.memory_space<semaphore_mem>> -> memref<1x!tpu.dma_semaphore, #tpu.memory_space<semaphore_mem>>
      %dma_wait3A_174 = tpu.memref_squeeze %dma_wait3A_173 : memref<1x!tpu.dma_semaphore, #tpu.memory_space<semaphore_mem>> -> memref<!tpu.dma_semaphore, #tpu.memory_space<semaphore_mem>>
      %dma_wait3A_175 = arith.constant 0 : i32
      %dma_wait3A_176 = arith.constant 0 : i32
      %dma_wait3A_177 = tpu.memref_slice %arg13[%dma_wait3A_164, %dma_wait3A_175, %dma_wait3A_176] : memref<4x80x128xf32, #tpu.memory_space<vmem>> -> memref<1x80x128xf32, #tpu.memory_space<vmem>>
      %dma_wait3A_178 = tpu.memref_squeeze %dma_wait3A_177 : memref<1x80x128xf32, #tpu.memory_space<vmem>> -> memref<80x128xf32, #tpu.memory_space<vmem>>
      %dma_wait3A_179 = arith.constant 0 : i32
      %dma_wait3A_180 = arith.constant 0 : i32
      %dma_wait3A_181 = tpu.memref_slice %arg7[%dma_wait3A_179, %dma_wait3A_180] : memref<10112x128xf32, #tpu.memory_space<hbm>> -> memref<80x128xf32, #tpu.memory_space<hbm>>
      tpu.wait_dma2 semaphore(%dma_wait3A_174 : memref<!tpu.dma_semaphore, #tpu.memory_space<semaphore_mem>>) src(%dma_wait3A_181 : memref<80x128xf32, #tpu.memory_space<hbm>>) dst(%dma_wait3A_178 : memref<80x128xf32, #tpu.memory_space<vmem>>)
      %dma_wait3A_182 = arith.constant 3 : i32
      %dma_wait3A_183 = arith.constant 3 : i32
      %dma_wait3A_184 = arith.constant 0 : i32
      %dma_wait3A_185 = arith.constant 0 : i32
      %dma_wait3A_186 = tpu.memref_slice %arg13[%dma_wait3A_182, %dma_wait3A_184, %dma_wait3A_185] : memref<4x80x128xf32, #tpu.memory_space<vmem>> -> memref<1x80x128xf32, #tpu.memory_space<vmem>>
      %dma_wait3A_187 = tpu.memref_squeeze %dma_wait3A_186 : memref<1x80x128xf32, #tpu.memory_space<vmem>> -> memref<80x128xf32, #tpu.memory_space<vmem>>
      %dma_wait3A_188 = arith.constant 0 : i32
      %dma_wait3A_189 = arith.constant 0 : i32
      %dma_wait3A_190 = tpu.memref_slice %arg7[%dma_wait3A_188, %dma_wait3A_189] : memref<10112x128xf32, #tpu.memory_space<hbm>> -> memref<80x128xf32, #tpu.memory_space<hbm>>
      %dma_wait3A_191 = tpu.memref_slice %arg17[%dma_wait3A_183] : memref<4x!tpu.dma_semaphore, #tpu.memory_space<semaphore_mem>> -> memref<1x!tpu.dma_semaphore, #tpu.memory_space<semaphore_mem>>
      %dma_wait3A_192 = tpu.memref_squeeze %dma_wait3A_191 : memref<1x!tpu.dma_semaphore, #tpu.memory_space<semaphore_mem>> -> memref<!tpu.dma_semaphore, #tpu.memory_space<semaphore_mem>>
      %dma_wait3A_193 = arith.constant 0 : i32
      %dma_wait3A_194 = arith.constant 0 : i32
      %dma_wait3A_195 = tpu.memref_slice %arg13[%dma_wait3A_182, %dma_wait3A_193, %dma_wait3A_194] : memref<4x80x128xf32, #tpu.memory_space<vmem>> -> memref<1x80x128xf32, #tpu.memory_space<vmem>>
      %dma_wait3A_196 = tpu.memref_squeeze %dma_wait3A_195 : memref<1x80x128xf32, #tpu.memory_space<vmem>> -> memref<80x128xf32, #tpu.memory_space<vmem>>
      %dma_wait3A_197 = arith.constant 0 : i32
      %dma_wait3A_198 = arith.constant 0 : i32
      %dma_wait3A_199 = tpu.memref_slice %arg7[%dma_wait3A_197, %dma_wait3A_198] : memref<10112x128xf32, #tpu.memory_space<hbm>> -> memref<80x128xf32, #tpu.memory_space<hbm>>
      tpu.wait_dma2 semaphore(%dma_wait3A_192 : memref<!tpu.dma_semaphore, #tpu.memory_space<semaphore_mem>>) src(%dma_wait3A_199 : memref<80x128xf32, #tpu.memory_space<hbm>>) dst(%dma_wait3A_196 : memref<80x128xf32, #tpu.memory_space<vmem>>)
      %barrier3A_200 = arith.constant 0 : index
      tpu.barrier barrier_id(%barrier3A_200)
      "tpu.region"() ({
        %run_scoped3A = tpu.sem_alloc : memref<!tpu.dma_semaphore, #tpu.memory_space<semaphore_mem>>
        %dma_start3A_201 = arith.constant 0 : i32
        %dma_start3A_202 = tpu.memref_slice %arg10[%multiple_of3A, %dma_start3A_201] : memref<10112x128xf32, #tpu.memory_space<hbm>> -> memref<632x128xf32, #tpu.memory_space<hbm>>
        %dma_start3A_203 = arith.constant 0 : i32
        %dma_start3A_204 = tpu.memref_slice %arg14[%multiple_of3A, %dma_start3A_203] : memref<10112x128xf32, #tpu.memory_space<vmem_shared>> -> memref<632x128xf32, #tpu.memory_space<vmem_shared>>
        tpu.enqueue_dma source(%dma_start3A_204 : memref<632x128xf32, #tpu.memory_space<vmem_shared>>) target(%dma_start3A_202 : memref<632x128xf32, #tpu.memory_space<hbm>>) target_semaphore(%run_scoped3A : memref<!tpu.dma_semaphore, #tpu.memory_space<semaphore_mem>>)
        %dma_wait3A_205 = arith.constant 0 : i32
        %dma_wait3A_206 = tpu.memref_slice %arg10[%multiple_of3A, %dma_wait3A_205] : memref<10112x128xf32, #tpu.memory_space<hbm>> -> memref<632x128xf32, #tpu.memory_space<hbm>>
        %dma_wait3A_207 = arith.constant 0 : i32
        %dma_wait3A_208 = tpu.memref_slice %arg14[%multiple_of3A, %dma_wait3A_207] : memref<10112x128xf32, #tpu.memory_space<vmem_shared>> -> memref<632x128xf32, #tpu.memory_space<vmem_shared>>
        tpu.wait_dma2 semaphore(%run_scoped3A : memref<!tpu.dma_semaphore, #tpu.memory_space<semaphore_mem>>) src(%dma_wait3A_208 : memref<632x128xf32, #tpu.memory_space<vmem_shared>>) dst(%dma_wait3A_206 : memref<632x128xf32, #tpu.memory_space<hbm>>)
        tpu.yield
      }) : () -> ()
    } else {
    }
    %eq3A_3 = arith.constant 1 : i32
    %eq3A_4 = arith.cmpi eq, %arg0, %eq3A_3 : i32
    %convert_element_type3A_5 = arith.extui %eq3A_4 : i1 to i32
    %cond3A_6 = arith.constant 0 : i32
    %cond3A_7 = arith.cmpi ne, %convert_element_type3A_5, %cond3A_6 : i32
    scf.if %cond3A_7 {
      %mul3A_8 = arith.constant 30080 : i32
      %mul3A_9 = arith.muli %arg1, %mul3A_8 : i32
      %add3A = arith.constant 158720 : i32
      %add3A_10 = arith.addi %add3A, %mul3A_9 : i32
      %add3A_11 = arith.constant 0 : i32
      %add3A_12 = arith.addi %add3A_10, %add3A_11 : i32
      %dma_start3A = arith.constant 0 : i32
      %dma_start3A_13 = arith.constant 0 : i32
      %dma_start3A_14 = arith.constant 0 : i32
      %dma_start3A_15 = tpu.memref_slice %arg11[%dma_start3A, %dma_start3A_14] : memref<4x80xi32, #tpu.memory_space<vmem>> -> memref<1x80xi32, #tpu.memory_space<vmem>>
      %dma_start3A_16 = tpu.memref_squeeze %dma_start3A_15 : memref<1x80xi32, #tpu.memory_space<vmem>> -> memref<80xi32, #tpu.memory_space<vmem>>
      %dma_start3A_17 = tpu.memref_slice %arg5[%add3A_12] : memref<640000xi32, #tpu.memory_space<hbm>> -> memref<80xi32, #tpu.memory_space<hbm>>
      %dma_start3A_18 = tpu.memref_slice %arg15[%dma_start3A_13] : memref<4x!tpu.dma_semaphore, #tpu.memory_space<semaphore_mem>> -> memref<1x!tpu.dma_semaphore, #tpu.memory_space<semaphore_mem>>
      %dma_start3A_19 = tpu.memref_squeeze %dma_start3A_18 : memref<1x!tpu.dma_semaphore, #tpu.memory_space<semaphore_mem>> -> memref<!tpu.dma_semaphore, #tpu.memory_space<semaphore_mem>>
      %dma_start3A_20 = arith.constant 0 : i32
      %dma_start3A_21 = tpu.memref_slice %arg11[%dma_start3A, %dma_start3A_20] : memref<4x80xi32, #tpu.memory_space<vmem>> -> memref<1x80xi32, #tpu.memory_space<vmem>>
      %dma_start3A_22 = tpu.memref_squeeze %dma_start3A_21 : memref<1x80xi32, #tpu.memory_space<vmem>> -> memref<80xi32, #tpu.memory_space<vmem>>
      %dma_start3A_23 = tpu.memref_slice %arg5[%add3A_12] : memref<640000xi32, #tpu.memory_space<hbm>> -> memref<80xi32, #tpu.memory_space<hbm>>
      tpu.enqueue_dma source(%dma_start3A_23 : memref<80xi32, #tpu.memory_space<hbm>>) target(%dma_start3A_22 : memref<80xi32, #tpu.memory_space<vmem>>) target_semaphore(%dma_start3A_19 : memref<!tpu.dma_semaphore, #tpu.memory_space<semaphore_mem>>)
      %dma_start3A_24 = arith.constant 0 : i32
      %dma_start3A_25 = arith.constant 0 : i32
      %dma_start3A_26 = arith.constant 0 : i32
      %dma_start3A_27 = tpu.memref_slice %arg12[%dma_start3A_24, %dma_start3A_26] : memref<4x80xi32, #tpu.memory_space<vmem>> -> memref<1x80xi32, #tpu.memory_space<vmem>>
      %dma_start3A_28 = tpu.memref_squeeze %dma_start3A_27 : memref<1x80xi32, #tpu.memory_space<vmem>> -> memref<80xi32, #tpu.memory_space<vmem>>
      %dma_start3A_29 = tpu.memref_slice %arg6[%add3A_12] : memref<640000xi32, #tpu.memory_space<hbm>> -> memref<80xi32, #tpu.memory_space<hbm>>
      %dma_start3A_30 = tpu.memref_slice %arg15[%dma_start3A_25] : memref<4x!tpu.dma_semaphore, #tpu.memory_space<semaphore_mem>> -> memref<1x!tpu.dma_semaphore, #tpu.memory_space<semaphore_mem>>
      %dma_start3A_31 = tpu.memref_squeeze %dma_start3A_30 : memref<1x!tpu.dma_semaphore, #tpu.memory_space<semaphore_mem>> -> memref<!tpu.dma_semaphore, #tpu.memory_space<semaphore_mem>>
      %dma_start3A_32 = arith.constant 0 : i32
      %dma_start3A_33 = tpu.memref_slice %arg12[%dma_start3A_24, %dma_start3A_32] : memref<4x80xi32, #tpu.memory_space<vmem>> -> memref<1x80xi32, #tpu.memory_space<vmem>>
      %dma_start3A_34 = tpu.memref_squeeze %dma_start3A_33 : memref<1x80xi32, #tpu.memory_space<vmem>> -> memref<80xi32, #tpu.memory_space<vmem>>
      %dma_start3A_35 = tpu.memref_slice %arg6[%add3A_12] : memref<640000xi32, #tpu.memory_space<hbm>> -> memref<80xi32, #tpu.memory_space<hbm>>
      tpu.enqueue_dma source(%dma_start3A_35 : memref<80xi32, #tpu.memory_space<hbm>>) target(%dma_start3A_34 : memref<80xi32, #tpu.memory_space<vmem>>) target_semaphore(%dma_start3A_31 : memref<!tpu.dma_semaphore, #tpu.memory_space<semaphore_mem>>)
      %add3A_36 = arith.constant 80 : i32
      %add3A_37 = arith.addi %add3A_10, %add3A_36 : i32
      %dma_start3A_38 = arith.constant 1 : i32
      %dma_start3A_39 = arith.constant 1 : i32
      %dma_start3A_40 = arith.constant 0 : i32
      %dma_start3A_41 = tpu.memref_slice %arg11[%dma_start3A_38, %dma_start3A_40] : memref<4x80xi32, #tpu.memory_space<vmem>> -> memref<1x80xi32, #tpu.memory_space<vmem>>
      %dma_start3A_42 = tpu.memref_squeeze %dma_start3A_41 : memref<1x80xi32, #tpu.memory_space<vmem>> -> memref<80xi32, #tpu.memory_space<vmem>>
      %dma_start3A_43 = tpu.memref_slice %arg5[%add3A_37] : memref<640000xi32, #tpu.memory_space<hbm>> -> memref<80xi32, #tpu.memory_space<hbm>>
      %dma_start3A_44 = tpu.memref_slice %arg15[%dma_start3A_39] : memref<4x!tpu.dma_semaphore, #tpu.memory_space<semaphore_mem>> -> memref<1x!tpu.dma_semaphore, #tpu.memory_space<semaphore_mem>>
      %dma_start3A_45 = tpu.memref_squeeze %dma_start3A_44 : memref<1x!tpu.dma_semaphore, #tpu.memory_space<semaphore_mem>> -> memref<!tpu.dma_semaphore, #tpu.memory_space<semaphore_mem>>
      %dma_start3A_46 = arith.constant 0 : i32
      %dma_start3A_47 = tpu.memref_slice %arg11[%dma_start3A_38, %dma_start3A_46] : memref<4x80xi32, #tpu.memory_space<vmem>> -> memref<1x80xi32, #tpu.memory_space<vmem>>
      %dma_start3A_48 = tpu.memref_squeeze %dma_start3A_47 : memref<1x80xi32, #tpu.memory_space<vmem>> -> memref<80xi32, #tpu.memory_space<vmem>>
      %dma_start3A_49 = tpu.memref_slice %arg5[%add3A_37] : memref<640000xi32, #tpu.memory_space<hbm>> -> memref<80xi32, #tpu.memory_space<hbm>>
      tpu.enqueue_dma source(%dma_start3A_49 : memref<80xi32, #tpu.memory_space<hbm>>) target(%dma_start3A_48 : memref<80xi32, #tpu.memory_space<vmem>>) target_semaphore(%dma_start3A_45 : memref<!tpu.dma_semaphore, #tpu.memory_space<semaphore_mem>>)
      %dma_start3A_50 = arith.constant 1 : i32
      %dma_start3A_51 = arith.constant 1 : i32
      %dma_start3A_52 = arith.constant 0 : i32
      %dma_start3A_53 = tpu.memref_slice %arg12[%dma_start3A_50, %dma_start3A_52] : memref<4x80xi32, #tpu.memory_space<vmem>> -> memref<1x80xi32, #tpu.memory_space<vmem>>
      %dma_start3A_54 = tpu.memref_squeeze %dma_start3A_53 : memref<1x80xi32, #tpu.memory_space<vmem>> -> memref<80xi32, #tpu.memory_space<vmem>>
      %dma_start3A_55 = tpu.memref_slice %arg6[%add3A_37] : memref<640000xi32, #tpu.memory_space<hbm>> -> memref<80xi32, #tpu.memory_space<hbm>>
      %dma_start3A_56 = tpu.memref_slice %arg15[%dma_start3A_51] : memref<4x!tpu.dma_semaphore, #tpu.memory_space<semaphore_mem>> -> memref<1x!tpu.dma_semaphore, #tpu.memory_space<semaphore_mem>>
      %dma_start3A_57 = tpu.memref_squeeze %dma_start3A_56 : memref<1x!tpu.dma_semaphore, #tpu.memory_space<semaphore_mem>> -> memref<!tpu.dma_semaphore, #tpu.memory_space<semaphore_mem>>
      %dma_start3A_58 = arith.constant 0 : i32
      %dma_start3A_59 = tpu.memref_slice %arg12[%dma_start3A_50, %dma_start3A_58] : memref<4x80xi32, #tpu.memory_space<vmem>> -> memref<1x80xi32, #tpu.memory_space<vmem>>
      %dma_start3A_60 = tpu.memref_squeeze %dma_start3A_59 : memref<1x80xi32, #tpu.memory_space<vmem>> -> memref<80xi32, #tpu.memory_space<vmem>>
      %dma_start3A_61 = tpu.memref_slice %arg6[%add3A_37] : memref<640000xi32, #tpu.memory_space<hbm>> -> memref<80xi32, #tpu.memory_space<hbm>>
      tpu.enqueue_dma source(%dma_start3A_61 : memref<80xi32, #tpu.memory_space<hbm>>) target(%dma_start3A_60 : memref<80xi32, #tpu.memory_space<vmem>>) target_semaphore(%dma_start3A_57 : memref<!tpu.dma_semaphore, #tpu.memory_space<semaphore_mem>>)
      %scan3A = arith.constant 0 : i32
      %scan3A_62 = arith.constant 94 : i32
      %scan3A_63 = arith.addi %scan3A, %scan3A_62 : i32
      %scan3A_64 = arith.constant 1 : i32
      scf.for %scan3A_102 = %scan3A to %scan3A_63 step %scan3A_64  : i32 {
        %mul3A_103 = arith.constant 4 : i32
        %mul3A_104 = arith.muli %scan3A_102, %mul3A_103 : i32
        %add3A_105 = arith.constant 0 : i32
        %add3A_106 = arith.addi %add3A_105, %mul3A_104 : i32
        %add3A_107 = arith.constant 0 : i32
        %add3A_108 = arith.addi %add3A_106, %add3A_107 : i32
        %dma_wait3A_109 = arith.constant 0 : i32
        %dma_wait3A_110 = arith.constant 0 : i32
        %dma_wait3A_111 = arith.constant 0 : i32
        %dma_wait3A_112 = tpu.memref_slice %arg11[%dma_wait3A_109, %dma_wait3A_111] : memref<4x80xi32, #tpu.memory_space<vmem>> -> memref<1x80xi32, #tpu.memory_space<vmem>>
        %dma_wait3A_113 = tpu.memref_squeeze %dma_wait3A_112 : memref<1x80xi32, #tpu.memory_space<vmem>> -> memref<80xi32, #tpu.memory_space<vmem>>
        %dma_wait3A_114 = arith.constant 0 : i32
        %dma_wait3A_115 = tpu.memref_slice %arg5[%dma_wait3A_114] : memref<640000xi32, #tpu.memory_space<hbm>> -> memref<80xi32, #tpu.memory_space<hbm>>
        %dma_wait3A_116 = tpu.memref_slice %arg15[%dma_wait3A_110] : memref<4x!tpu.dma_semaphore, #tpu.memory_space<semaphore_mem>> -> memref<1x!tpu.dma_semaphore, #tpu.memory_space<semaphore_mem>>
        %dma_wait3A_117 = tpu.memref_squeeze %dma_wait3A_116 : memref<1x!tpu.dma_semaphore, #tpu.memory_space<semaphore_mem>> -> memref<!tpu.dma_semaphore, #tpu.memory_space<semaphore_mem>>
        %dma_wait3A_118 = arith.constant 0 : i32
        %dma_wait3A_119 = tpu.memref_slice %arg11[%dma_wait3A_109, %dma_wait3A_118] : memref<4x80xi32, #tpu.memory_space<vmem>> -> memref<1x80xi32, #tpu.memory_space<vmem>>
        %dma_wait3A_120 = tpu.memref_squeeze %dma_wait3A_119 : memref<1x80xi32, #tpu.memory_space<vmem>> -> memref<80xi32, #tpu.memory_space<vmem>>
        %dma_wait3A_121 = arith.constant 0 : i32
        %dma_wait3A_122 = tpu.memref_slice %arg5[%dma_wait3A_121] : memref<640000xi32, #tpu.memory_space<hbm>> -> memref<80xi32, #tpu.memory_space<hbm>>
        tpu.wait_dma2 semaphore(%dma_wait3A_117 : memref<!tpu.dma_semaphore, #tpu.memory_space<semaphore_mem>>) src(%dma_wait3A_122 : memref<80xi32, #tpu.memory_space<hbm>>) dst(%dma_wait3A_120 : memref<80xi32, #tpu.memory_space<vmem>>)
        %dma_wait3A_123 = arith.constant 0 : i32
        %dma_wait3A_124 = arith.constant 0 : i32
        %dma_wait3A_125 = arith.constant 0 : i32
        %dma_wait3A_126 = tpu.memref_slice %arg12[%dma_wait3A_123, %dma_wait3A_125] : memref<4x80xi32, #tpu.memory_space<vmem>> -> memref<1x80xi32, #tpu.memory_space<vmem>>
        %dma_wait3A_127 = tpu.memref_squeeze %dma_wait3A_126 : memref<1x80xi32, #tpu.memory_space<vmem>> -> memref<80xi32, #tpu.memory_space<vmem>>
        %dma_wait3A_128 = arith.constant 0 : i32
        %dma_wait3A_129 = tpu.memref_slice %arg6[%dma_wait3A_128] : memref<640000xi32, #tpu.memory_space<hbm>> -> memref<80xi32, #tpu.memory_space<hbm>>
        %dma_wait3A_130 = tpu.memref_slice %arg15[%dma_wait3A_124] : memref<4x!tpu.dma_semaphore, #tpu.memory_space<semaphore_mem>> -> memref<1x!tpu.dma_semaphore, #tpu.memory_space<semaphore_mem>>
        %dma_wait3A_131 = tpu.memref_squeeze %dma_wait3A_130 : memref<1x!tpu.dma_semaphore, #tpu.memory_space<semaphore_mem>> -> memref<!tpu.dma_semaphore, #tpu.memory_space<semaphore_mem>>
        %dma_wait3A_132 = arith.constant 0 : i32
        %dma_wait3A_133 = tpu.memref_slice %arg12[%dma_wait3A_123, %dma_wait3A_132] : memref<4x80xi32, #tpu.memory_space<vmem>> -> memref<1x80xi32, #tpu.memory_space<vmem>>
        %dma_wait3A_134 = tpu.memref_squeeze %dma_wait3A_133 : memref<1x80xi32, #tpu.memory_space<vmem>> -> memref<80xi32, #tpu.memory_space<vmem>>
        %dma_wait3A_135 = arith.constant 0 : i32
        %dma_wait3A_136 = tpu.memref_slice %arg6[%dma_wait3A_135] : memref<640000xi32, #tpu.memory_space<hbm>> -> memref<80xi32, #tpu.memory_space<hbm>>
        tpu.wait_dma2 semaphore(%dma_wait3A_131 : memref<!tpu.dma_semaphore, #tpu.memory_space<semaphore_mem>>) src(%dma_wait3A_136 : memref<80xi32, #tpu.memory_space<hbm>>) dst(%dma_wait3A_134 : memref<80xi32, #tpu.memory_space<vmem>>)
        %dma_start3A_137 = arith.constant 0 : i32
        %dma_start3A_138 = arith.constant 0 : i32
        %dma_start3A_139 = arith.constant 0 : i32
        %dma_start3A_140 = arith.constant 0 : i32
        %dma_start3A_141 = arith.constant 0 : i32
        %dma_start3A_142 = tpu.memref_slice %arg13[%dma_start3A_138, %dma_start3A_140, %dma_start3A_141] : memref<4x80x128xf32, #tpu.memory_space<vmem>> -> memref<1x80x128xf32, #tpu.memory_space<vmem>>
        %dma_start3A_143 = tpu.memref_squeeze %dma_start3A_142 : memref<1x80x128xf32, #tpu.memory_space<vmem>> -> memref<80x128xf32, #tpu.memory_space<vmem>>
        %dma_start3A_144 = arith.constant 0 : i32
        %dma_start3A_145 = tpu.memref_slice %arg11[%dma_start3A_137, %dma_start3A_144] : memref<4x80xi32, #tpu.memory_space<vmem>> -> memref<1x80xi32, #tpu.memory_space<vmem>>
        %dma_start3A_146 = tpu.memref_squeeze %dma_start3A_145 : memref<1x80xi32, #tpu.memory_space<vmem>> -> memref<80xi32, #tpu.memory_space<vmem>>
        %dma_start3A_147 = arith.constant 0 : i32
        %dma_start3A_148 = arith.constant 0 : i32
        %dma_start3A_149 = tpu.memref_slice %arg2[%dma_start3A_147, %dma_start3A_148] : memref<10000x128xf32, #tpu.memory_space<hbm>> -> memref<10000x128xf32, #tpu.memory_space<hbm>>
        %dma_start3A_150 = tpu.memref_slice %arg16[%dma_start3A_139] : memref<4x!tpu.dma_semaphore, #tpu.memory_space<semaphore_mem>> -> memref<1x!tpu.dma_semaphore, #tpu.memory_space<semaphore_mem>>
        %dma_start3A_151 = tpu.memref_squeeze %dma_start3A_150 : memref<1x!tpu.dma_semaphore, #tpu.memory_space<semaphore_mem>> -> memref<!tpu.dma_semaphore, #tpu.memory_space<semaphore_mem>>
        tpu.enqueue_indirect_dma source(%dma_start3A_149 : memref<10000x128xf32, #tpu.memory_space<hbm>>) target(%dma_start3A_143 : memref<80x128xf32, #tpu.memory_space<vmem>>) offsets(%dma_start3A_146 : memref<80xi32, #tpu.memory_space<vmem>>) semaphore(%dma_start3A_151 : memref<!tpu.dma_semaphore, #tpu.memory_space<semaphore_mem>>)
        %dma_wait3A_152 = arith.constant 1 : i32
        %dma_wait3A_153 = arith.constant 1 : i32
        %dma_wait3A_154 = arith.constant 0 : i32
        %dma_wait3A_155 = tpu.memref_slice %arg11[%dma_wait3A_152, %dma_wait3A_154] : memref<4x80xi32, #tpu.memory_space<vmem>> -> memref<1x80xi32, #tpu.memory_space<vmem>>
        %dma_wait3A_156 = tpu.memref_squeeze %dma_wait3A_155 : memref<1x80xi32, #tpu.memory_space<vmem>> -> memref<80xi32, #tpu.memory_space<vmem>>
        %dma_wait3A_157 = arith.constant 0 : i32
        %dma_wait3A_158 = tpu.memref_slice %arg5[%dma_wait3A_157] : memref<640000xi32, #tpu.memory_space<hbm>> -> memref<80xi32, #tpu.memory_space<hbm>>
        %dma_wait3A_159 = tpu.memref_slice %arg15[%dma_wait3A_153] : memref<4x!tpu.dma_semaphore, #tpu.memory_space<semaphore_mem>> -> memref<1x!tpu.dma_semaphore, #tpu.memory_space<semaphore_mem>>
        %dma_wait3A_160 = tpu.memref_squeeze %dma_wait3A_159 : memref<1x!tpu.dma_semaphore, #tpu.memory_space<semaphore_mem>> -> memref<!tpu.dma_semaphore, #tpu.memory_space<semaphore_mem>>
        %dma_wait3A_161 = arith.constant 0 : i32
        %dma_wait3A_162 = tpu.memref_slice %arg11[%dma_wait3A_152, %dma_wait3A_161] : memref<4x80xi32, #tpu.memory_space<vmem>> -> memref<1x80xi32, #tpu.memory_space<vmem>>
        %dma_wait3A_163 = tpu.memref_squeeze %dma_wait3A_162 : memref<1x80xi32, #tpu.memory_space<vmem>> -> memref<80xi32, #tpu.memory_space<vmem>>
        %dma_wait3A_164 = arith.constant 0 : i32
        %dma_wait3A_165 = tpu.memref_slice %arg5[%dma_wait3A_164] : memref<640000xi32, #tpu.memory_space<hbm>> -> memref<80xi32, #tpu.memory_space<hbm>>
        tpu.wait_dma2 semaphore(%dma_wait3A_160 : memref<!tpu.dma_semaphore, #tpu.memory_space<semaphore_mem>>) src(%dma_wait3A_165 : memref<80xi32, #tpu.memory_space<hbm>>) dst(%dma_wait3A_163 : memref<80xi32, #tpu.memory_space<vmem>>)
        %dma_wait3A_166 = arith.constant 1 : i32
        %dma_wait3A_167 = arith.constant 1 : i32
        %dma_wait3A_168 = arith.constant 0 : i32
        %dma_wait3A_169 = tpu.memref_slice %arg12[%dma_wait3A_166, %dma_wait3A_168] : memref<4x80xi32, #tpu.memory_space<vmem>> -> memref<1x80xi32, #tpu.memory_space<vmem>>
        %dma_wait3A_170 = tpu.memref_squeeze %dma_wait3A_169 : memref<1x80xi32, #tpu.memory_space<vmem>> -> memref<80xi32, #tpu.memory_space<vmem>>
        %dma_wait3A_171 = arith.constant 0 : i32
        %dma_wait3A_172 = tpu.memref_slice %arg6[%dma_wait3A_171] : memref<640000xi32, #tpu.memory_space<hbm>> -> memref<80xi32, #tpu.memory_space<hbm>>
        %dma_wait3A_173 = tpu.memref_slice %arg15[%dma_wait3A_167] : memref<4x!tpu.dma_semaphore, #tpu.memory_space<semaphore_mem>> -> memref<1x!tpu.dma_semaphore, #tpu.memory_space<semaphore_mem>>
        %dma_wait3A_174 = tpu.memref_squeeze %dma_wait3A_173 : memref<1x!tpu.dma_semaphore, #tpu.memory_space<semaphore_mem>> -> memref<!tpu.dma_semaphore, #tpu.memory_space<semaphore_mem>>
        %dma_wait3A_175 = arith.constant 0 : i32
        %dma_wait3A_176 = tpu.memref_slice %arg12[%dma_wait3A_166, %dma_wait3A_175] : memref<4x80xi32, #tpu.memory_space<vmem>> -> memref<1x80xi32, #tpu.memory_space<vmem>>
        %dma_wait3A_177 = tpu.memref_squeeze %dma_wait3A_176 : memref<1x80xi32, #tpu.memory_space<vmem>> -> memref<80xi32, #tpu.memory_space<vmem>>
        %dma_wait3A_178 = arith.constant 0 : i32
        %dma_wait3A_179 = tpu.memref_slice %arg6[%dma_wait3A_178] : memref<640000xi32, #tpu.memory_space<hbm>> -> memref<80xi32, #tpu.memory_space<hbm>>
        tpu.wait_dma2 semaphore(%dma_wait3A_174 : memref<!tpu.dma_semaphore, #tpu.memory_space<semaphore_mem>>) src(%dma_wait3A_179 : memref<80xi32, #tpu.memory_space<hbm>>) dst(%dma_wait3A_177 : memref<80xi32, #tpu.memory_space<vmem>>)
        %dma_start3A_180 = arith.constant 1 : i32
        %dma_start3A_181 = arith.constant 1 : i32
        %dma_start3A_182 = arith.constant 1 : i32
        %dma_start3A_183 = arith.constant 0 : i32
        %dma_start3A_184 = arith.constant 0 : i32
        %dma_start3A_185 = tpu.memref_slice %arg13[%dma_start3A_181, %dma_start3A_183, %dma_start3A_184] : memref<4x80x128xf32, #tpu.memory_space<vmem>> -> memref<1x80x128xf32, #tpu.memory_space<vmem>>
        %dma_start3A_186 = tpu.memref_squeeze %dma_start3A_185 : memref<1x80x128xf32, #tpu.memory_space<vmem>> -> memref<80x128xf32, #tpu.memory_space<vmem>>
        %dma_start3A_187 = arith.constant 0 : i32
        %dma_start3A_188 = tpu.memref_slice %arg11[%dma_start3A_180, %dma_start3A_187] : memref<4x80xi32, #tpu.memory_space<vmem>> -> memref<1x80xi32, #tpu.memory_space<vmem>>
        %dma_start3A_189 = tpu.memref_squeeze %dma_start3A_188 : memref<1x80xi32, #tpu.memory_space<vmem>> -> memref<80xi32, #tpu.memory_space<vmem>>
        %dma_start3A_190 = arith.constant 0 : i32
        %dma_start3A_191 = arith.constant 0 : i32
        %dma_start3A_192 = tpu.memref_slice %arg2[%dma_start3A_190, %dma_start3A_191] : memref<10000x128xf32, #tpu.memory_space<hbm>> -> memref<10000x128xf32, #tpu.memory_space<hbm>>
        %dma_start3A_193 = tpu.memref_slice %arg16[%dma_start3A_182] : memref<4x!tpu.dma_semaphore, #tpu.memory_space<semaphore_mem>> -> memref<1x!tpu.dma_semaphore, #tpu.memory_space<semaphore_mem>>
        %dma_start3A_194 = tpu.memref_squeeze %dma_start3A_193 : memref<1x!tpu.dma_semaphore, #tpu.memory_space<semaphore_mem>> -> memref<!tpu.dma_semaphore, #tpu.memory_space<semaphore_mem>>
        tpu.enqueue_indirect_dma source(%dma_start3A_192 : memref<10000x128xf32, #tpu.memory_space<hbm>>) target(%dma_start3A_186 : memref<80x128xf32, #tpu.memory_space<vmem>>) offsets(%dma_start3A_189 : memref<80xi32, #tpu.memory_space<vmem>>) semaphore(%dma_start3A_194 : memref<!tpu.dma_semaphore, #tpu.memory_space<semaphore_mem>>)
        %dma_wait3A_195 = arith.constant 0 : i32
        %dma_wait3A_196 = arith.constant 0 : i32
        %dma_wait3A_197 = arith.constant 0 : i32
        %dma_wait3A_198 = arith.constant 0 : i32
        %dma_wait3A_199 = tpu.memref_slice %arg13[%dma_wait3A_195, %dma_wait3A_197, %dma_wait3A_198] : memref<4x80x128xf32, #tpu.memory_space<vmem>> -> memref<1x80x128xf32, #tpu.memory_space<vmem>>
        %dma_wait3A_200 = tpu.memref_squeeze %dma_wait3A_199 : memref<1x80x128xf32, #tpu.memory_space<vmem>> -> memref<80x128xf32, #tpu.memory_space<vmem>>
        %dma_wait3A_201 = arith.constant 0 : i32
        %dma_wait3A_202 = arith.constant 0 : i32
        %dma_wait3A_203 = tpu.memref_slice %arg2[%dma_wait3A_201, %dma_wait3A_202] : memref<10000x128xf32, #tpu.memory_space<hbm>> -> memref<80x128xf32, #tpu.memory_space<hbm>>
        %dma_wait3A_204 = tpu.memref_slice %arg16[%dma_wait3A_196] : memref<4x!tpu.dma_semaphore, #tpu.memory_space<semaphore_mem>> -> memref<1x!tpu.dma_semaphore, #tpu.memory_space<semaphore_mem>>
        %dma_wait3A_205 = tpu.memref_squeeze %dma_wait3A_204 : memref<1x!tpu.dma_semaphore, #tpu.memory_space<semaphore_mem>> -> memref<!tpu.dma_semaphore, #tpu.memory_space<semaphore_mem>>
        %dma_wait3A_206 = arith.constant 0 : i32
        %dma_wait3A_207 = arith.constant 0 : i32
        %dma_wait3A_208 = tpu.memref_slice %arg13[%dma_wait3A_195, %dma_wait3A_206, %dma_wait3A_207] : memref<4x80x128xf32, #tpu.memory_space<vmem>> -> memref<1x80x128xf32, #tpu.memory_space<vmem>>
        %dma_wait3A_209 = tpu.memref_squeeze %dma_wait3A_208 : memref<1x80x128xf32, #tpu.memory_space<vmem>> -> memref<80x128xf32, #tpu.memory_space<vmem>>
        %dma_wait3A_210 = arith.constant 0 : i32
        %dma_wait3A_211 = arith.constant 0 : i32
        %dma_wait3A_212 = tpu.memref_slice %arg2[%dma_wait3A_210, %dma_wait3A_211] : memref<10000x128xf32, #tpu.memory_space<hbm>> -> memref<80x128xf32, #tpu.memory_space<hbm>>
        tpu.wait_dma2 semaphore(%dma_wait3A_205 : memref<!tpu.dma_semaphore, #tpu.memory_space<semaphore_mem>>) src(%dma_wait3A_212 : memref<80x128xf32, #tpu.memory_space<hbm>>) dst(%dma_wait3A_209 : memref<80x128xf32, #tpu.memory_space<vmem>>)
        %dma_start3A_213 = arith.constant 0 : i32
        %dma_start3A_214 = arith.constant 0 : i32
        %dma_start3A_215 = arith.constant 0 : i32
        %dma_start3A_216 = arith.constant 0 : i32
        %dma_start3A_217 = arith.constant 0 : i32
        %dma_start3A_218 = tpu.memref_slice %arg13[%dma_start3A_213, %dma_start3A_216, %dma_start3A_217] : memref<4x80x128xf32, #tpu.memory_space<vmem>> -> memref<1x80x128xf32, #tpu.memory_space<vmem>>
        %dma_start3A_219 = tpu.memref_squeeze %dma_start3A_218 : memref<1x80x128xf32, #tpu.memory_space<vmem>> -> memref<80x128xf32, #tpu.memory_space<vmem>>
        %dma_start3A_220 = arith.constant 0 : i32
        %dma_start3A_221 = tpu.memref_slice %arg12[%dma_start3A_214, %dma_start3A_220] : memref<4x80xi32, #tpu.memory_space<vmem>> -> memref<1x80xi32, #tpu.memory_space<vmem>>
        %dma_start3A_222 = tpu.memref_squeeze %dma_start3A_221 : memref<1x80xi32, #tpu.memory_space<vmem>> -> memref<80xi32, #tpu.memory_space<vmem>>
        %dma_start3A_223 = arith.constant 0 : i32
        %dma_start3A_224 = arith.constant 0 : i32
        %dma_start3A_225 = tpu.memref_slice %arg14[%dma_start3A_223, %dma_start3A_224] : memref<10112x128xf32, #tpu.memory_space<vmem_shared>> -> memref<10112x128xf32, #tpu.memory_space<vmem_shared>>
        %dma_start3A_226 = tpu.memref_slice %arg17[%dma_start3A_215] : memref<4x!tpu.dma_semaphore, #tpu.memory_space<semaphore_mem>> -> memref<1x!tpu.dma_semaphore, #tpu.memory_space<semaphore_mem>>
        %dma_start3A_227 = tpu.memref_squeeze %dma_start3A_226 : memref<1x!tpu.dma_semaphore, #tpu.memory_space<semaphore_mem>> -> memref<!tpu.dma_semaphore, #tpu.memory_space<semaphore_mem>>
        tpu.enqueue_indirect_dma source(%dma_start3A_219 : memref<80x128xf32, #tpu.memory_space<vmem>>) target(%dma_start3A_225 : memref<10112x128xf32, #tpu.memory_space<vmem_shared>>) offsets(%dma_start3A_222 : memref<80xi32, #tpu.memory_space<vmem>>) semaphore(%dma_start3A_227 : memref<!tpu.dma_semaphore, #tpu.memory_space<semaphore_mem>>) {add = true}
        %dma_wait3A_228 = arith.constant 1 : i32
        %dma_wait3A_229 = arith.constant 1 : i32
        %dma_wait3A_230 = arith.constant 0 : i32
        %dma_wait3A_231 = arith.constant 0 : i32
        %dma_wait3A_232 = tpu.memref_slice %arg13[%dma_wait3A_228, %dma_wait3A_230, %dma_wait3A_231] : memref<4x80x128xf32, #tpu.memory_space<vmem>> -> memref<1x80x128xf32, #tpu.memory_space<vmem>>
        %dma_wait3A_233 = tpu.memref_squeeze %dma_wait3A_232 : memref<1x80x128xf32, #tpu.memory_space<vmem>> -> memref<80x128xf32, #tpu.memory_space<vmem>>
        %dma_wait3A_234 = arith.constant 0 : i32
        %dma_wait3A_235 = arith.constant 0 : i32
        %dma_wait3A_236 = tpu.memref_slice %arg2[%dma_wait3A_234, %dma_wait3A_235] : memref<10000x128xf32, #tpu.memory_space<hbm>> -> memref<80x128xf32, #tpu.memory_space<hbm>>
        %dma_wait3A_237 = tpu.memref_slice %arg16[%dma_wait3A_229] : memref<4x!tpu.dma_semaphore, #tpu.memory_space<semaphore_mem>> -> memref<1x!tpu.dma_semaphore, #tpu.memory_space<semaphore_mem>>
        %dma_wait3A_238 = tpu.memref_squeeze %dma_wait3A_237 : memref<1x!tpu.dma_semaphore, #tpu.memory_space<semaphore_mem>> -> memref<!tpu.dma_semaphore, #tpu.memory_space<semaphore_mem>>
        %dma_wait3A_239 = arith.constant 0 : i32
        %dma_wait3A_240 = arith.constant 0 : i32
        %dma_wait3A_241 = tpu.memref_slice %arg13[%dma_wait3A_228, %dma_wait3A_239, %dma_wait3A_240] : memref<4x80x128xf32, #tpu.memory_space<vmem>> -> memref<1x80x128xf32, #tpu.memory_space<vmem>>
        %dma_wait3A_242 = tpu.memref_squeeze %dma_wait3A_241 : memref<1x80x128xf32, #tpu.memory_space<vmem>> -> memref<80x128xf32, #tpu.memory_space<vmem>>
        %dma_wait3A_243 = arith.constant 0 : i32
        %dma_wait3A_244 = arith.constant 0 : i32
        %dma_wait3A_245 = tpu.memref_slice %arg2[%dma_wait3A_243, %dma_wait3A_244] : memref<10000x128xf32, #tpu.memory_space<hbm>> -> memref<80x128xf32, #tpu.memory_space<hbm>>
        tpu.wait_dma2 semaphore(%dma_wait3A_238 : memref<!tpu.dma_semaphore, #tpu.memory_space<semaphore_mem>>) src(%dma_wait3A_245 : memref<80x128xf32, #tpu.memory_space<hbm>>) dst(%dma_wait3A_242 : memref<80x128xf32, #tpu.memory_space<vmem>>)
        %dma_start3A_246 = arith.constant 1 : i32
        %dma_start3A_247 = arith.constant 1 : i32
        %dma_start3A_248 = arith.constant 1 : i32
        %dma_start3A_249 = arith.constant 0 : i32
        %dma_start3A_250 = arith.constant 0 : i32
        %dma_start3A_251 = tpu.memref_slice %arg13[%dma_start3A_246, %dma_start3A_249, %dma_start3A_250] : memref<4x80x128xf32, #tpu.memory_space<vmem>> -> memref<1x80x128xf32, #tpu.memory_space<vmem>>
        %dma_start3A_252 = tpu.memref_squeeze %dma_start3A_251 : memref<1x80x128xf32, #tpu.memory_space<vmem>> -> memref<80x128xf32, #tpu.memory_space<vmem>>
        %dma_start3A_253 = arith.constant 0 : i32
        %dma_start3A_254 = tpu.memref_slice %arg12[%dma_start3A_247, %dma_start3A_253] : memref<4x80xi32, #tpu.memory_space<vmem>> -> memref<1x80xi32, #tpu.memory_space<vmem>>
        %dma_start3A_255 = tpu.memref_squeeze %dma_start3A_254 : memref<1x80xi32, #tpu.memory_space<vmem>> -> memref<80xi32, #tpu.memory_space<vmem>>
        %dma_start3A_256 = arith.constant 0 : i32
        %dma_start3A_257 = arith.constant 0 : i32
        %dma_start3A_258 = tpu.memref_slice %arg14[%dma_start3A_256, %dma_start3A_257] : memref<10112x128xf32, #tpu.memory_space<vmem_shared>> -> memref<10112x128xf32, #tpu.memory_space<vmem_shared>>
        %dma_start3A_259 = tpu.memref_slice %arg17[%dma_start3A_248] : memref<4x!tpu.dma_semaphore, #tpu.memory_space<semaphore_mem>> -> memref<1x!tpu.dma_semaphore, #tpu.memory_space<semaphore_mem>>
        %dma_start3A_260 = tpu.memref_squeeze %dma_start3A_259 : memref<1x!tpu.dma_semaphore, #tpu.memory_space<semaphore_mem>> -> memref<!tpu.dma_semaphore, #tpu.memory_space<semaphore_mem>>
        tpu.enqueue_indirect_dma source(%dma_start3A_252 : memref<80x128xf32, #tpu.memory_space<vmem>>) target(%dma_start3A_258 : memref<10112x128xf32, #tpu.memory_space<vmem_shared>>) offsets(%dma_start3A_255 : memref<80xi32, #tpu.memory_space<vmem>>) semaphore(%dma_start3A_260 : memref<!tpu.dma_semaphore, #tpu.memory_space<semaphore_mem>>) {add = true}
        %add3A_261 = arith.constant 2 : i32
        %add3A_262 = arith.addi %add3A_108, %add3A_261 : i32
        %add3A_263 = arith.constant 0 : i32
        %add3A_264 = arith.addi %add3A_262, %add3A_263 : i32
        %gt3A = arith.constant 0 : i32
        %gt3A_265 = arith.cmpi sgt, %add3A_106, %gt3A : i32
        %convert_element_type3A_266 = arith.extui %gt3A_265 : i1 to i32
        %cond3A_267 = arith.constant 0 : i32
        %cond3A_268 = arith.cmpi ne, %convert_element_type3A_266, %cond3A_267 : i32
        scf.if %cond3A_268 {
          %dma_wait3A_495 = arith.constant 2 : i32
          %dma_wait3A_496 = arith.constant 2 : i32
          %dma_wait3A_497 = arith.constant 0 : i32
          %dma_wait3A_498 = arith.constant 0 : i32
          %dma_wait3A_499 = tpu.memref_slice %arg13[%dma_wait3A_495, %dma_wait3A_497, %dma_wait3A_498] : memref<4x80x128xf32, #tpu.memory_space<vmem>> -> memref<1x80x128xf32, #tpu.memory_space<vmem>>
          %dma_wait3A_500 = tpu.memref_squeeze %dma_wait3A_499 : memref<1x80x128xf32, #tpu.memory_space<vmem>> -> memref<80x128xf32, #tpu.memory_space<vmem>>
          %dma_wait3A_501 = arith.constant 0 : i32
          %dma_wait3A_502 = arith.constant 0 : i32
          %dma_wait3A_503 = tpu.memref_slice %arg7[%dma_wait3A_501, %dma_wait3A_502] : memref<10112x128xf32, #tpu.memory_space<hbm>> -> memref<80x128xf32, #tpu.memory_space<hbm>>
          %dma_wait3A_504 = tpu.memref_slice %arg17[%dma_wait3A_496] : memref<4x!tpu.dma_semaphore, #tpu.memory_space<semaphore_mem>> -> memref<1x!tpu.dma_semaphore, #tpu.memory_space<semaphore_mem>>
          %dma_wait3A_505 = tpu.memref_squeeze %dma_wait3A_504 : memref<1x!tpu.dma_semaphore, #tpu.memory_space<semaphore_mem>> -> memref<!tpu.dma_semaphore, #tpu.memory_space<semaphore_mem>>
          %dma_wait3A_506 = arith.constant 0 : i32
          %dma_wait3A_507 = arith.constant 0 : i32
          %dma_wait3A_508 = tpu.memref_slice %arg13[%dma_wait3A_495, %dma_wait3A_506, %dma_wait3A_507] : memref<4x80x128xf32, #tpu.memory_space<vmem>> -> memref<1x80x128xf32, #tpu.memory_space<vmem>>
          %dma_wait3A_509 = tpu.memref_squeeze %dma_wait3A_508 : memref<1x80x128xf32, #tpu.memory_space<vmem>> -> memref<80x128xf32, #tpu.memory_space<vmem>>
          %dma_wait3A_510 = arith.constant 0 : i32
          %dma_wait3A_511 = arith.constant 0 : i32
          %dma_wait3A_512 = tpu.memref_slice %arg7[%dma_wait3A_510, %dma_wait3A_511] : memref<10112x128xf32, #tpu.memory_space<hbm>> -> memref<80x128xf32, #tpu.memory_space<hbm>>
          tpu.wait_dma2 semaphore(%dma_wait3A_505 : memref<!tpu.dma_semaphore, #tpu.memory_space<semaphore_mem>>) src(%dma_wait3A_512 : memref<80x128xf32, #tpu.memory_space<hbm>>) dst(%dma_wait3A_509 : memref<80x128xf32, #tpu.memory_space<vmem>>)
        } else {
        }
        %lt3A = arith.constant 376 : i32
        %lt3A_269 = arith.cmpi slt, %add3A_264, %lt3A : i32
        %convert_element_type3A_270 = arith.extui %lt3A_269 : i1 to i32
        %cond3A_271 = arith.constant 0 : i32
        %cond3A_272 = arith.cmpi ne, %convert_element_type3A_270, %cond3A_271 : i32
        scf.if %cond3A_272 {
          %mul3A_495 = arith.constant 80 : i32
          %mul3A_496 = arith.muli %add3A_264, %mul3A_495 : i32
          %add3A_497 = arith.addi %add3A_10, %mul3A_496 : i32
          %dma_start3A_498 = arith.constant 2 : i32
          %dma_start3A_499 = arith.constant 2 : i32
          %dma_start3A_500 = arith.constant 0 : i32
          %dma_start3A_501 = tpu.memref_slice %arg11[%dma_start3A_498, %dma_start3A_500] : memref<4x80xi32, #tpu.memory_space<vmem>> -> memref<1x80xi32, #tpu.memory_space<vmem>>
          %dma_start3A_502 = tpu.memref_squeeze %dma_start3A_501 : memref<1x80xi32, #tpu.memory_space<vmem>> -> memref<80xi32, #tpu.memory_space<vmem>>
          %dma_start3A_503 = tpu.memref_slice %arg5[%add3A_497] : memref<640000xi32, #tpu.memory_space<hbm>> -> memref<80xi32, #tpu.memory_space<hbm>>
          %dma_start3A_504 = tpu.memref_slice %arg15[%dma_start3A_499] : memref<4x!tpu.dma_semaphore, #tpu.memory_space<semaphore_mem>> -> memref<1x!tpu.dma_semaphore, #tpu.memory_space<semaphore_mem>>
          %dma_start3A_505 = tpu.memref_squeeze %dma_start3A_504 : memref<1x!tpu.dma_semaphore, #tpu.memory_space<semaphore_mem>> -> memref<!tpu.dma_semaphore, #tpu.memory_space<semaphore_mem>>
          %dma_start3A_506 = arith.constant 0 : i32
          %dma_start3A_507 = tpu.memref_slice %arg11[%dma_start3A_498, %dma_start3A_506] : memref<4x80xi32, #tpu.memory_space<vmem>> -> memref<1x80xi32, #tpu.memory_space<vmem>>
          %dma_start3A_508 = tpu.memref_squeeze %dma_start3A_507 : memref<1x80xi32, #tpu.memory_space<vmem>> -> memref<80xi32, #tpu.memory_space<vmem>>
          %dma_start3A_509 = tpu.memref_slice %arg5[%add3A_497] : memref<640000xi32, #tpu.memory_space<hbm>> -> memref<80xi32, #tpu.memory_space<hbm>>
          tpu.enqueue_dma source(%dma_start3A_509 : memref<80xi32, #tpu.memory_space<hbm>>) target(%dma_start3A_508 : memref<80xi32, #tpu.memory_space<vmem>>) target_semaphore(%dma_start3A_505 : memref<!tpu.dma_semaphore, #tpu.memory_space<semaphore_mem>>)
          %dma_start3A_510 = arith.constant 2 : i32
          %dma_start3A_511 = arith.constant 2 : i32
          %dma_start3A_512 = arith.constant 0 : i32
          %dma_start3A_513 = tpu.memref_slice %arg12[%dma_start3A_510, %dma_start3A_512] : memref<4x80xi32, #tpu.memory_space<vmem>> -> memref<1x80xi32, #tpu.memory_space<vmem>>
          %dma_start3A_514 = tpu.memref_squeeze %dma_start3A_513 : memref<1x80xi32, #tpu.memory_space<vmem>> -> memref<80xi32, #tpu.memory_space<vmem>>
          %dma_start3A_515 = tpu.memref_slice %arg6[%add3A_497] : memref<640000xi32, #tpu.memory_space<hbm>> -> memref<80xi32, #tpu.memory_space<hbm>>
          %dma_start3A_516 = tpu.memref_slice %arg15[%dma_start3A_511] : memref<4x!tpu.dma_semaphore, #tpu.memory_space<semaphore_mem>> -> memref<1x!tpu.dma_semaphore, #tpu.memory_space<semaphore_mem>>
          %dma_start3A_517 = tpu.memref_squeeze %dma_start3A_516 : memref<1x!tpu.dma_semaphore, #tpu.memory_space<semaphore_mem>> -> memref<!tpu.dma_semaphore, #tpu.memory_space<semaphore_mem>>
          %dma_start3A_518 = arith.constant 0 : i32
          %dma_start3A_519 = tpu.memref_slice %arg12[%dma_start3A_510, %dma_start3A_518] : memref<4x80xi32, #tpu.memory_space<vmem>> -> memref<1x80xi32, #tpu.memory_space<vmem>>
          %dma_start3A_520 = tpu.memref_squeeze %dma_start3A_519 : memref<1x80xi32, #tpu.memory_space<vmem>> -> memref<80xi32, #tpu.memory_space<vmem>>
          %dma_start3A_521 = tpu.memref_slice %arg6[%add3A_497] : memref<640000xi32, #tpu.memory_space<hbm>> -> memref<80xi32, #tpu.memory_space<hbm>>
          tpu.enqueue_dma source(%dma_start3A_521 : memref<80xi32, #tpu.memory_space<hbm>>) target(%dma_start3A_520 : memref<80xi32, #tpu.memory_space<vmem>>) target_semaphore(%dma_start3A_517 : memref<!tpu.dma_semaphore, #tpu.memory_space<semaphore_mem>>)
        } else {
        }
        %add3A_273 = arith.constant 2 : i32
        %add3A_274 = arith.addi %add3A_108, %add3A_273 : i32
        %add3A_275 = arith.constant 1 : i32
        %add3A_276 = arith.addi %add3A_274, %add3A_275 : i32
        %gt3A_277 = arith.constant 0 : i32
        %gt3A_278 = arith.cmpi sgt, %add3A_106, %gt3A_277 : i32
        %convert_element_type3A_279 = arith.extui %gt3A_278 : i1 to i32
        %cond3A_280 = arith.constant 0 : i32
        %cond3A_281 = arith.cmpi ne, %convert_element_type3A_279, %cond3A_280 : i32
        scf.if %cond3A_281 {
          %dma_wait3A_495 = arith.constant 3 : i32
          %dma_wait3A_496 = arith.constant 3 : i32
          %dma_wait3A_497 = arith.constant 0 : i32
          %dma_wait3A_498 = arith.constant 0 : i32
          %dma_wait3A_499 = tpu.memref_slice %arg13[%dma_wait3A_495, %dma_wait3A_497, %dma_wait3A_498] : memref<4x80x128xf32, #tpu.memory_space<vmem>> -> memref<1x80x128xf32, #tpu.memory_space<vmem>>
          %dma_wait3A_500 = tpu.memref_squeeze %dma_wait3A_499 : memref<1x80x128xf32, #tpu.memory_space<vmem>> -> memref<80x128xf32, #tpu.memory_space<vmem>>
          %dma_wait3A_501 = arith.constant 0 : i32
          %dma_wait3A_502 = arith.constant 0 : i32
          %dma_wait3A_503 = tpu.memref_slice %arg7[%dma_wait3A_501, %dma_wait3A_502] : memref<10112x128xf32, #tpu.memory_space<hbm>> -> memref<80x128xf32, #tpu.memory_space<hbm>>
          %dma_wait3A_504 = tpu.memref_slice %arg17[%dma_wait3A_496] : memref<4x!tpu.dma_semaphore, #tpu.memory_space<semaphore_mem>> -> memref<1x!tpu.dma_semaphore, #tpu.memory_space<semaphore_mem>>
          %dma_wait3A_505 = tpu.memref_squeeze %dma_wait3A_504 : memref<1x!tpu.dma_semaphore, #tpu.memory_space<semaphore_mem>> -> memref<!tpu.dma_semaphore, #tpu.memory_space<semaphore_mem>>
          %dma_wait3A_506 = arith.constant 0 : i32
          %dma_wait3A_507 = arith.constant 0 : i32
          %dma_wait3A_508 = tpu.memref_slice %arg13[%dma_wait3A_495, %dma_wait3A_506, %dma_wait3A_507] : memref<4x80x128xf32, #tpu.memory_space<vmem>> -> memref<1x80x128xf32, #tpu.memory_space<vmem>>
          %dma_wait3A_509 = tpu.memref_squeeze %dma_wait3A_508 : memref<1x80x128xf32, #tpu.memory_space<vmem>> -> memref<80x128xf32, #tpu.memory_space<vmem>>
          %dma_wait3A_510 = arith.constant 0 : i32
          %dma_wait3A_511 = arith.constant 0 : i32
          %dma_wait3A_512 = tpu.memref_slice %arg7[%dma_wait3A_510, %dma_wait3A_511] : memref<10112x128xf32, #tpu.memory_space<hbm>> -> memref<80x128xf32, #tpu.memory_space<hbm>>
          tpu.wait_dma2 semaphore(%dma_wait3A_505 : memref<!tpu.dma_semaphore, #tpu.memory_space<semaphore_mem>>) src(%dma_wait3A_512 : memref<80x128xf32, #tpu.memory_space<hbm>>) dst(%dma_wait3A_509 : memref<80x128xf32, #tpu.memory_space<vmem>>)
        } else {
        }
        %lt3A_282 = arith.constant 376 : i32
        %lt3A_283 = arith.cmpi slt, %add3A_276, %lt3A_282 : i32
        %convert_element_type3A_284 = arith.extui %lt3A_283 : i1 to i32
        %cond3A_285 = arith.constant 0 : i32
        %cond3A_286 = arith.cmpi ne, %convert_element_type3A_284, %cond3A_285 : i32
        scf.if %cond3A_286 {
          %mul3A_495 = arith.constant 80 : i32
          %mul3A_496 = arith.muli %add3A_276, %mul3A_495 : i32
          %add3A_497 = arith.addi %add3A_10, %mul3A_496 : i32
          %dma_start3A_498 = arith.constant 3 : i32
          %dma_start3A_499 = arith.constant 3 : i32
          %dma_start3A_500 = arith.constant 0 : i32
          %dma_start3A_501 = tpu.memref_slice %arg11[%dma_start3A_498, %dma_start3A_500] : memref<4x80xi32, #tpu.memory_space<vmem>> -> memref<1x80xi32, #tpu.memory_space<vmem>>
          %dma_start3A_502 = tpu.memref_squeeze %dma_start3A_501 : memref<1x80xi32, #tpu.memory_space<vmem>> -> memref<80xi32, #tpu.memory_space<vmem>>
          %dma_start3A_503 = tpu.memref_slice %arg5[%add3A_497] : memref<640000xi32, #tpu.memory_space<hbm>> -> memref<80xi32, #tpu.memory_space<hbm>>
          %dma_start3A_504 = tpu.memref_slice %arg15[%dma_start3A_499] : memref<4x!tpu.dma_semaphore, #tpu.memory_space<semaphore_mem>> -> memref<1x!tpu.dma_semaphore, #tpu.memory_space<semaphore_mem>>
          %dma_start3A_505 = tpu.memref_squeeze %dma_start3A_504 : memref<1x!tpu.dma_semaphore, #tpu.memory_space<semaphore_mem>> -> memref<!tpu.dma_semaphore, #tpu.memory_space<semaphore_mem>>
          %dma_start3A_506 = arith.constant 0 : i32
          %dma_start3A_507 = tpu.memref_slice %arg11[%dma_start3A_498, %dma_start3A_506] : memref<4x80xi32, #tpu.memory_space<vmem>> -> memref<1x80xi32, #tpu.memory_space<vmem>>
          %dma_start3A_508 = tpu.memref_squeeze %dma_start3A_507 : memref<1x80xi32, #tpu.memory_space<vmem>> -> memref<80xi32, #tpu.memory_space<vmem>>
          %dma_start3A_509 = tpu.memref_slice %arg5[%add3A_497] : memref<640000xi32, #tpu.memory_space<hbm>> -> memref<80xi32, #tpu.memory_space<hbm>>
          tpu.enqueue_dma source(%dma_start3A_509 : memref<80xi32, #tpu.memory_space<hbm>>) target(%dma_start3A_508 : memref<80xi32, #tpu.memory_space<vmem>>) target_semaphore(%dma_start3A_505 : memref<!tpu.dma_semaphore, #tpu.memory_space<semaphore_mem>>)
          %dma_start3A_510 = arith.constant 3 : i32
          %dma_start3A_511 = arith.constant 3 : i32
          %dma_start3A_512 = arith.constant 0 : i32
          %dma_start3A_513 = tpu.memref_slice %arg12[%dma_start3A_510, %dma_start3A_512] : memref<4x80xi32, #tpu.memory_space<vmem>> -> memref<1x80xi32, #tpu.memory_space<vmem>>
          %dma_start3A_514 = tpu.memref_squeeze %dma_start3A_513 : memref<1x80xi32, #tpu.memory_space<vmem>> -> memref<80xi32, #tpu.memory_space<vmem>>
          %dma_start3A_515 = tpu.memref_slice %arg6[%add3A_497] : memref<640000xi32, #tpu.memory_space<hbm>> -> memref<80xi32, #tpu.memory_space<hbm>>
          %dma_start3A_516 = tpu.memref_slice %arg15[%dma_start3A_511] : memref<4x!tpu.dma_semaphore, #tpu.memory_space<semaphore_mem>> -> memref<1x!tpu.dma_semaphore, #tpu.memory_space<semaphore_mem>>
          %dma_start3A_517 = tpu.memref_squeeze %dma_start3A_516 : memref<1x!tpu.dma_semaphore, #tpu.memory_space<semaphore_mem>> -> memref<!tpu.dma_semaphore, #tpu.memory_space<semaphore_mem>>
          %dma_start3A_518 = arith.constant 0 : i32
          %dma_start3A_519 = tpu.memref_slice %arg12[%dma_start3A_510, %dma_start3A_518] : memref<4x80xi32, #tpu.memory_space<vmem>> -> memref<1x80xi32, #tpu.memory_space<vmem>>
          %dma_start3A_520 = tpu.memref_squeeze %dma_start3A_519 : memref<1x80xi32, #tpu.memory_space<vmem>> -> memref<80xi32, #tpu.memory_space<vmem>>
          %dma_start3A_521 = tpu.memref_slice %arg6[%add3A_497] : memref<640000xi32, #tpu.memory_space<hbm>> -> memref<80xi32, #tpu.memory_space<hbm>>
          tpu.enqueue_dma source(%dma_start3A_521 : memref<80xi32, #tpu.memory_space<hbm>>) target(%dma_start3A_520 : memref<80xi32, #tpu.memory_space<vmem>>) target_semaphore(%dma_start3A_517 : memref<!tpu.dma_semaphore, #tpu.memory_space<semaphore_mem>>)
        } else {
        }
        %add3A_287 = arith.constant 2 : i32
        %add3A_288 = arith.addi %add3A_106, %add3A_287 : i32
        %dma_wait3A_289 = arith.constant 2 : i32
        %dma_wait3A_290 = arith.constant 2 : i32
        %dma_wait3A_291 = arith.constant 0 : i32
        %dma_wait3A_292 = tpu.memref_slice %arg11[%dma_wait3A_289, %dma_wait3A_291] : memref<4x80xi32, #tpu.memory_space<vmem>> -> memref<1x80xi32, #tpu.memory_space<vmem>>
        %dma_wait3A_293 = tpu.memref_squeeze %dma_wait3A_292 : memref<1x80xi32, #tpu.memory_space<vmem>> -> memref<80xi32, #tpu.memory_space<vmem>>
        %dma_wait3A_294 = arith.constant 0 : i32
        %dma_wait3A_295 = tpu.memref_slice %arg5[%dma_wait3A_294] : memref<640000xi32, #tpu.memory_space<hbm>> -> memref<80xi32, #tpu.memory_space<hbm>>
        %dma_wait3A_296 = tpu.memref_slice %arg15[%dma_wait3A_290] : memref<4x!tpu.dma_semaphore, #tpu.memory_space<semaphore_mem>> -> memref<1x!tpu.dma_semaphore, #tpu.memory_space<semaphore_mem>>
        %dma_wait3A_297 = tpu.memref_squeeze %dma_wait3A_296 : memref<1x!tpu.dma_semaphore, #tpu.memory_space<semaphore_mem>> -> memref<!tpu.dma_semaphore, #tpu.memory_space<semaphore_mem>>
        %dma_wait3A_298 = arith.constant 0 : i32
        %dma_wait3A_299 = tpu.memref_slice %arg11[%dma_wait3A_289, %dma_wait3A_298] : memref<4x80xi32, #tpu.memory_space<vmem>> -> memref<1x80xi32, #tpu.memory_space<vmem>>
        %dma_wait3A_300 = tpu.memref_squeeze %dma_wait3A_299 : memref<1x80xi32, #tpu.memory_space<vmem>> -> memref<80xi32, #tpu.memory_space<vmem>>
        %dma_wait3A_301 = arith.constant 0 : i32
        %dma_wait3A_302 = tpu.memref_slice %arg5[%dma_wait3A_301] : memref<640000xi32, #tpu.memory_space<hbm>> -> memref<80xi32, #tpu.memory_space<hbm>>
        tpu.wait_dma2 semaphore(%dma_wait3A_297 : memref<!tpu.dma_semaphore, #tpu.memory_space<semaphore_mem>>) src(%dma_wait3A_302 : memref<80xi32, #tpu.memory_space<hbm>>) dst(%dma_wait3A_300 : memref<80xi32, #tpu.memory_space<vmem>>)
        %dma_wait3A_303 = arith.constant 2 : i32
        %dma_wait3A_304 = arith.constant 2 : i32
        %dma_wait3A_305 = arith.constant 0 : i32
        %dma_wait3A_306 = tpu.memref_slice %arg12[%dma_wait3A_303, %dma_wait3A_305] : memref<4x80xi32, #tpu.memory_space<vmem>> -> memref<1x80xi32, #tpu.memory_space<vmem>>
        %dma_wait3A_307 = tpu.memref_squeeze %dma_wait3A_306 : memref<1x80xi32, #tpu.memory_space<vmem>> -> memref<80xi32, #tpu.memory_space<vmem>>
        %dma_wait3A_308 = arith.constant 0 : i32
        %dma_wait3A_309 = tpu.memref_slice %arg6[%dma_wait3A_308] : memref<640000xi32, #tpu.memory_space<hbm>> -> memref<80xi32, #tpu.memory_space<hbm>>
        %dma_wait3A_310 = tpu.memref_slice %arg15[%dma_wait3A_304] : memref<4x!tpu.dma_semaphore, #tpu.memory_space<semaphore_mem>> -> memref<1x!tpu.dma_semaphore, #tpu.memory_space<semaphore_mem>>
        %dma_wait3A_311 = tpu.memref_squeeze %dma_wait3A_310 : memref<1x!tpu.dma_semaphore, #tpu.memory_space<semaphore_mem>> -> memref<!tpu.dma_semaphore, #tpu.memory_space<semaphore_mem>>
        %dma_wait3A_312 = arith.constant 0 : i32
        %dma_wait3A_313 = tpu.memref_slice %arg12[%dma_wait3A_303, %dma_wait3A_312] : memref<4x80xi32, #tpu.memory_space<vmem>> -> memref<1x80xi32, #tpu.memory_space<vmem>>
        %dma_wait3A_314 = tpu.memref_squeeze %dma_wait3A_313 : memref<1x80xi32, #tpu.memory_space<vmem>> -> memref<80xi32, #tpu.memory_space<vmem>>
        %dma_wait3A_315 = arith.constant 0 : i32
        %dma_wait3A_316 = tpu.memref_slice %arg6[%dma_wait3A_315] : memref<640000xi32, #tpu.memory_space<hbm>> -> memref<80xi32, #tpu.memory_space<hbm>>
        tpu.wait_dma2 semaphore(%dma_wait3A_311 : memref<!tpu.dma_semaphore, #tpu.memory_space<semaphore_mem>>) src(%dma_wait3A_316 : memref<80xi32, #tpu.memory_space<hbm>>) dst(%dma_wait3A_314 : memref<80xi32, #tpu.memory_space<vmem>>)
        %dma_start3A_317 = arith.constant 2 : i32
        %dma_start3A_318 = arith.constant 2 : i32
        %dma_start3A_319 = arith.constant 2 : i32
        %dma_start3A_320 = arith.constant 0 : i32
        %dma_start3A_321 = arith.constant 0 : i32
        %dma_start3A_322 = tpu.memref_slice %arg13[%dma_start3A_318, %dma_start3A_320, %dma_start3A_321] : memref<4x80x128xf32, #tpu.memory_space<vmem>> -> memref<1x80x128xf32, #tpu.memory_space<vmem>>
        %dma_start3A_323 = tpu.memref_squeeze %dma_start3A_322 : memref<1x80x128xf32, #tpu.memory_space<vmem>> -> memref<80x128xf32, #tpu.memory_space<vmem>>
        %dma_start3A_324 = arith.constant 0 : i32
        %dma_start3A_325 = tpu.memref_slice %arg11[%dma_start3A_317, %dma_start3A_324] : memref<4x80xi32, #tpu.memory_space<vmem>> -> memref<1x80xi32, #tpu.memory_space<vmem>>
        %dma_start3A_326 = tpu.memref_squeeze %dma_start3A_325 : memref<1x80xi32, #tpu.memory_space<vmem>> -> memref<80xi32, #tpu.memory_space<vmem>>
        %dma_start3A_327 = arith.constant 0 : i32
        %dma_start3A_328 = arith.constant 0 : i32
        %dma_start3A_329 = tpu.memref_slice %arg2[%dma_start3A_327, %dma_start3A_328] : memref<10000x128xf32, #tpu.memory_space<hbm>> -> memref<10000x128xf32, #tpu.memory_space<hbm>>
        %dma_start3A_330 = tpu.memref_slice %arg16[%dma_start3A_319] : memref<4x!tpu.dma_semaphore, #tpu.memory_space<semaphore_mem>> -> memref<1x!tpu.dma_semaphore, #tpu.memory_space<semaphore_mem>>
        %dma_start3A_331 = tpu.memref_squeeze %dma_start3A_330 : memref<1x!tpu.dma_semaphore, #tpu.memory_space<semaphore_mem>> -> memref<!tpu.dma_semaphore, #tpu.memory_space<semaphore_mem>>
        tpu.enqueue_indirect_dma source(%dma_start3A_329 : memref<10000x128xf32, #tpu.memory_space<hbm>>) target(%dma_start3A_323 : memref<80x128xf32, #tpu.memory_space<vmem>>) offsets(%dma_start3A_326 : memref<80xi32, #tpu.memory_space<vmem>>) semaphore(%dma_start3A_331 : memref<!tpu.dma_semaphore, #tpu.memory_space<semaphore_mem>>)
        %dma_wait3A_332 = arith.constant 3 : i32
        %dma_wait3A_333 = arith.constant 3 : i32
        %dma_wait3A_334 = arith.constant 0 : i32
        %dma_wait3A_335 = tpu.memref_slice %arg11[%dma_wait3A_332, %dma_wait3A_334] : memref<4x80xi32, #tpu.memory_space<vmem>> -> memref<1x80xi32, #tpu.memory_space<vmem>>
        %dma_wait3A_336 = tpu.memref_squeeze %dma_wait3A_335 : memref<1x80xi32, #tpu.memory_space<vmem>> -> memref<80xi32, #tpu.memory_space<vmem>>
        %dma_wait3A_337 = arith.constant 0 : i32
        %dma_wait3A_338 = tpu.memref_slice %arg5[%dma_wait3A_337] : memref<640000xi32, #tpu.memory_space<hbm>> -> memref<80xi32, #tpu.memory_space<hbm>>
        %dma_wait3A_339 = tpu.memref_slice %arg15[%dma_wait3A_333] : memref<4x!tpu.dma_semaphore, #tpu.memory_space<semaphore_mem>> -> memref<1x!tpu.dma_semaphore, #tpu.memory_space<semaphore_mem>>
        %dma_wait3A_340 = tpu.memref_squeeze %dma_wait3A_339 : memref<1x!tpu.dma_semaphore, #tpu.memory_space<semaphore_mem>> -> memref<!tpu.dma_semaphore, #tpu.memory_space<semaphore_mem>>
        %dma_wait3A_341 = arith.constant 0 : i32
        %dma_wait3A_342 = tpu.memref_slice %arg11[%dma_wait3A_332, %dma_wait3A_341] : memref<4x80xi32, #tpu.memory_space<vmem>> -> memref<1x80xi32, #tpu.memory_space<vmem>>
        %dma_wait3A_343 = tpu.memref_squeeze %dma_wait3A_342 : memref<1x80xi32, #tpu.memory_space<vmem>> -> memref<80xi32, #tpu.memory_space<vmem>>
        %dma_wait3A_344 = arith.constant 0 : i32
        %dma_wait3A_345 = tpu.memref_slice %arg5[%dma_wait3A_344] : memref<640000xi32, #tpu.memory_space<hbm>> -> memref<80xi32, #tpu.memory_space<hbm>>
        tpu.wait_dma2 semaphore(%dma_wait3A_340 : memref<!tpu.dma_semaphore, #tpu.memory_space<semaphore_mem>>) src(%dma_wait3A_345 : memref<80xi32, #tpu.memory_space<hbm>>) dst(%dma_wait3A_343 : memref<80xi32, #tpu.memory_space<vmem>>)
        %dma_wait3A_346 = arith.constant 3 : i32
        %dma_wait3A_347 = arith.constant 3 : i32
        %dma_wait3A_348 = arith.constant 0 : i32
        %dma_wait3A_349 = tpu.memref_slice %arg12[%dma_wait3A_346, %dma_wait3A_348] : memref<4x80xi32, #tpu.memory_space<vmem>> -> memref<1x80xi32, #tpu.memory_space<vmem>>
        %dma_wait3A_350 = tpu.memref_squeeze %dma_wait3A_349 : memref<1x80xi32, #tpu.memory_space<vmem>> -> memref<80xi32, #tpu.memory_space<vmem>>
        %dma_wait3A_351 = arith.constant 0 : i32
        %dma_wait3A_352 = tpu.memref_slice %arg6[%dma_wait3A_351] : memref<640000xi32, #tpu.memory_space<hbm>> -> memref<80xi32, #tpu.memory_space<hbm>>
        %dma_wait3A_353 = tpu.memref_slice %arg15[%dma_wait3A_347] : memref<4x!tpu.dma_semaphore, #tpu.memory_space<semaphore_mem>> -> memref<1x!tpu.dma_semaphore, #tpu.memory_space<semaphore_mem>>
        %dma_wait3A_354 = tpu.memref_squeeze %dma_wait3A_353 : memref<1x!tpu.dma_semaphore, #tpu.memory_space<semaphore_mem>> -> memref<!tpu.dma_semaphore, #tpu.memory_space<semaphore_mem>>
        %dma_wait3A_355 = arith.constant 0 : i32
        %dma_wait3A_356 = tpu.memref_slice %arg12[%dma_wait3A_346, %dma_wait3A_355] : memref<4x80xi32, #tpu.memory_space<vmem>> -> memref<1x80xi32, #tpu.memory_space<vmem>>
        %dma_wait3A_357 = tpu.memref_squeeze %dma_wait3A_356 : memref<1x80xi32, #tpu.memory_space<vmem>> -> memref<80xi32, #tpu.memory_space<vmem>>
        %dma_wait3A_358 = arith.constant 0 : i32
        %dma_wait3A_359 = tpu.memref_slice %arg6[%dma_wait3A_358] : memref<640000xi32, #tpu.memory_space<hbm>> -> memref<80xi32, #tpu.memory_space<hbm>>
        tpu.wait_dma2 semaphore(%dma_wait3A_354 : memref<!tpu.dma_semaphore, #tpu.memory_space<semaphore_mem>>) src(%dma_wait3A_359 : memref<80xi32, #tpu.memory_space<hbm>>) dst(%dma_wait3A_357 : memref<80xi32, #tpu.memory_space<vmem>>)
        %dma_start3A_360 = arith.constant 3 : i32
        %dma_start3A_361 = arith.constant 3 : i32
        %dma_start3A_362 = arith.constant 3 : i32
        %dma_start3A_363 = arith.constant 0 : i32
        %dma_start3A_364 = arith.constant 0 : i32
        %dma_start3A_365 = tpu.memref_slice %arg13[%dma_start3A_361, %dma_start3A_363, %dma_start3A_364] : memref<4x80x128xf32, #tpu.memory_space<vmem>> -> memref<1x80x128xf32, #tpu.memory_space<vmem>>
        %dma_start3A_366 = tpu.memref_squeeze %dma_start3A_365 : memref<1x80x128xf32, #tpu.memory_space<vmem>> -> memref<80x128xf32, #tpu.memory_space<vmem>>
        %dma_start3A_367 = arith.constant 0 : i32
        %dma_start3A_368 = tpu.memref_slice %arg11[%dma_start3A_360, %dma_start3A_367] : memref<4x80xi32, #tpu.memory_space<vmem>> -> memref<1x80xi32, #tpu.memory_space<vmem>>
        %dma_start3A_369 = tpu.memref_squeeze %dma_start3A_368 : memref<1x80xi32, #tpu.memory_space<vmem>> -> memref<80xi32, #tpu.memory_space<vmem>>
        %dma_start3A_370 = arith.constant 0 : i32
        %dma_start3A_371 = arith.constant 0 : i32
        %dma_start3A_372 = tpu.memref_slice %arg2[%dma_start3A_370, %dma_start3A_371] : memref<10000x128xf32, #tpu.memory_space<hbm>> -> memref<10000x128xf32, #tpu.memory_space<hbm>>
        %dma_start3A_373 = tpu.memref_slice %arg16[%dma_start3A_362] : memref<4x!tpu.dma_semaphore, #tpu.memory_space<semaphore_mem>> -> memref<1x!tpu.dma_semaphore, #tpu.memory_space<semaphore_mem>>
        %dma_start3A_374 = tpu.memref_squeeze %dma_start3A_373 : memref<1x!tpu.dma_semaphore, #tpu.memory_space<semaphore_mem>> -> memref<!tpu.dma_semaphore, #tpu.memory_space<semaphore_mem>>
        tpu.enqueue_indirect_dma source(%dma_start3A_372 : memref<10000x128xf32, #tpu.memory_space<hbm>>) target(%dma_start3A_366 : memref<80x128xf32, #tpu.memory_space<vmem>>) offsets(%dma_start3A_369 : memref<80xi32, #tpu.memory_space<vmem>>) semaphore(%dma_start3A_374 : memref<!tpu.dma_semaphore, #tpu.memory_space<semaphore_mem>>)
        %dma_wait3A_375 = arith.constant 2 : i32
        %dma_wait3A_376 = arith.constant 2 : i32
        %dma_wait3A_377 = arith.constant 0 : i32
        %dma_wait3A_378 = arith.constant 0 : i32
        %dma_wait3A_379 = tpu.memref_slice %arg13[%dma_wait3A_375, %dma_wait3A_377, %dma_wait3A_378] : memref<4x80x128xf32, #tpu.memory_space<vmem>> -> memref<1x80x128xf32, #tpu.memory_space<vmem>>
        %dma_wait3A_380 = tpu.memref_squeeze %dma_wait3A_379 : memref<1x80x128xf32, #tpu.memory_space<vmem>> -> memref<80x128xf32, #tpu.memory_space<vmem>>
        %dma_wait3A_381 = arith.constant 0 : i32
        %dma_wait3A_382 = arith.constant 0 : i32
        %dma_wait3A_383 = tpu.memref_slice %arg2[%dma_wait3A_381, %dma_wait3A_382] : memref<10000x128xf32, #tpu.memory_space<hbm>> -> memref<80x128xf32, #tpu.memory_space<hbm>>
        %dma_wait3A_384 = tpu.memref_slice %arg16[%dma_wait3A_376] : memref<4x!tpu.dma_semaphore, #tpu.memory_space<semaphore_mem>> -> memref<1x!tpu.dma_semaphore, #tpu.memory_space<semaphore_mem>>
        %dma_wait3A_385 = tpu.memref_squeeze %dma_wait3A_384 : memref<1x!tpu.dma_semaphore, #tpu.memory_space<semaphore_mem>> -> memref<!tpu.dma_semaphore, #tpu.memory_space<semaphore_mem>>
        %dma_wait3A_386 = arith.constant 0 : i32
        %dma_wait3A_387 = arith.constant 0 : i32
        %dma_wait3A_388 = tpu.memref_slice %arg13[%dma_wait3A_375, %dma_wait3A_386, %dma_wait3A_387] : memref<4x80x128xf32, #tpu.memory_space<vmem>> -> memref<1x80x128xf32, #tpu.memory_space<vmem>>
        %dma_wait3A_389 = tpu.memref_squeeze %dma_wait3A_388 : memref<1x80x128xf32, #tpu.memory_space<vmem>> -> memref<80x128xf32, #tpu.memory_space<vmem>>
        %dma_wait3A_390 = arith.constant 0 : i32
        %dma_wait3A_391 = arith.constant 0 : i32
        %dma_wait3A_392 = tpu.memref_slice %arg2[%dma_wait3A_390, %dma_wait3A_391] : memref<10000x128xf32, #tpu.memory_space<hbm>> -> memref<80x128xf32, #tpu.memory_space<hbm>>
        tpu.wait_dma2 semaphore(%dma_wait3A_385 : memref<!tpu.dma_semaphore, #tpu.memory_space<semaphore_mem>>) src(%dma_wait3A_392 : memref<80x128xf32, #tpu.memory_space<hbm>>) dst(%dma_wait3A_389 : memref<80x128xf32, #tpu.memory_space<vmem>>)
        %dma_start3A_393 = arith.constant 2 : i32
        %dma_start3A_394 = arith.constant 2 : i32
        %dma_start3A_395 = arith.constant 2 : i32
        %dma_start3A_396 = arith.constant 0 : i32
        %dma_start3A_397 = arith.constant 0 : i32
        %dma_start3A_398 = tpu.memref_slice %arg13[%dma_start3A_393, %dma_start3A_396, %dma_start3A_397] : memref<4x80x128xf32, #tpu.memory_space<vmem>> -> memref<1x80x128xf32, #tpu.memory_space<vmem>>
        %dma_start3A_399 = tpu.memref_squeeze %dma_start3A_398 : memref<1x80x128xf32, #tpu.memory_space<vmem>> -> memref<80x128xf32, #tpu.memory_space<vmem>>
        %dma_start3A_400 = arith.constant 0 : i32
        %dma_start3A_401 = tpu.memref_slice %arg12[%dma_start3A_394, %dma_start3A_400] : memref<4x80xi32, #tpu.memory_space<vmem>> -> memref<1x80xi32, #tpu.memory_space<vmem>>
        %dma_start3A_402 = tpu.memref_squeeze %dma_start3A_401 : memref<1x80xi32, #tpu.memory_space<vmem>> -> memref<80xi32, #tpu.memory_space<vmem>>
        %dma_start3A_403 = arith.constant 0 : i32
        %dma_start3A_404 = arith.constant 0 : i32
        %dma_start3A_405 = tpu.memref_slice %arg14[%dma_start3A_403, %dma_start3A_404] : memref<10112x128xf32, #tpu.memory_space<vmem_shared>> -> memref<10112x128xf32, #tpu.memory_space<vmem_shared>>
        %dma_start3A_406 = tpu.memref_slice %arg17[%dma_start3A_395] : memref<4x!tpu.dma_semaphore, #tpu.memory_space<semaphore_mem>> -> memref<1x!tpu.dma_semaphore, #tpu.memory_space<semaphore_mem>>
        %dma_start3A_407 = tpu.memref_squeeze %dma_start3A_406 : memref<1x!tpu.dma_semaphore, #tpu.memory_space<semaphore_mem>> -> memref<!tpu.dma_semaphore, #tpu.memory_space<semaphore_mem>>
        tpu.enqueue_indirect_dma source(%dma_start3A_399 : memref<80x128xf32, #tpu.memory_space<vmem>>) target(%dma_start3A_405 : memref<10112x128xf32, #tpu.memory_space<vmem_shared>>) offsets(%dma_start3A_402 : memref<80xi32, #tpu.memory_space<vmem>>) semaphore(%dma_start3A_407 : memref<!tpu.dma_semaphore, #tpu.memory_space<semaphore_mem>>) {add = true}
        %dma_wait3A_408 = arith.constant 3 : i32
        %dma_wait3A_409 = arith.constant 3 : i32
        %dma_wait3A_410 = arith.constant 0 : i32
        %dma_wait3A_411 = arith.constant 0 : i32
        %dma_wait3A_412 = tpu.memref_slice %arg13[%dma_wait3A_408, %dma_wait3A_410, %dma_wait3A_411] : memref<4x80x128xf32, #tpu.memory_space<vmem>> -> memref<1x80x128xf32, #tpu.memory_space<vmem>>
        %dma_wait3A_413 = tpu.memref_squeeze %dma_wait3A_412 : memref<1x80x128xf32, #tpu.memory_space<vmem>> -> memref<80x128xf32, #tpu.memory_space<vmem>>
        %dma_wait3A_414 = arith.constant 0 : i32
        %dma_wait3A_415 = arith.constant 0 : i32
        %dma_wait3A_416 = tpu.memref_slice %arg2[%dma_wait3A_414, %dma_wait3A_415] : memref<10000x128xf32, #tpu.memory_space<hbm>> -> memref<80x128xf32, #tpu.memory_space<hbm>>
        %dma_wait3A_417 = tpu.memref_slice %arg16[%dma_wait3A_409] : memref<4x!tpu.dma_semaphore, #tpu.memory_space<semaphore_mem>> -> memref<1x!tpu.dma_semaphore, #tpu.memory_space<semaphore_mem>>
        %dma_wait3A_418 = tpu.memref_squeeze %dma_wait3A_417 : memref<1x!tpu.dma_semaphore, #tpu.memory_space<semaphore_mem>> -> memref<!tpu.dma_semaphore, #tpu.memory_space<semaphore_mem>>
        %dma_wait3A_419 = arith.constant 0 : i32
        %dma_wait3A_420 = arith.constant 0 : i32
        %dma_wait3A_421 = tpu.memref_slice %arg13[%dma_wait3A_408, %dma_wait3A_419, %dma_wait3A_420] : memref<4x80x128xf32, #tpu.memory_space<vmem>> -> memref<1x80x128xf32, #tpu.memory_space<vmem>>
        %dma_wait3A_422 = tpu.memref_squeeze %dma_wait3A_421 : memref<1x80x128xf32, #tpu.memory_space<vmem>> -> memref<80x128xf32, #tpu.memory_space<vmem>>
        %dma_wait3A_423 = arith.constant 0 : i32
        %dma_wait3A_424 = arith.constant 0 : i32
        %dma_wait3A_425 = tpu.memref_slice %arg2[%dma_wait3A_423, %dma_wait3A_424] : memref<10000x128xf32, #tpu.memory_space<hbm>> -> memref<80x128xf32, #tpu.memory_space<hbm>>
        tpu.wait_dma2 semaphore(%dma_wait3A_418 : memref<!tpu.dma_semaphore, #tpu.memory_space<semaphore_mem>>) src(%dma_wait3A_425 : memref<80x128xf32, #tpu.memory_space<hbm>>) dst(%dma_wait3A_422 : memref<80x128xf32, #tpu.memory_space<vmem>>)
        %dma_start3A_426 = arith.constant 3 : i32
        %dma_start3A_427 = arith.constant 3 : i32
        %dma_start3A_428 = arith.constant 3 : i32
        %dma_start3A_429 = arith.constant 0 : i32
        %dma_start3A_430 = arith.constant 0 : i32
        %dma_start3A_431 = tpu.memref_slice %arg13[%dma_start3A_426, %dma_start3A_429, %dma_start3A_430] : memref<4x80x128xf32, #tpu.memory_space<vmem>> -> memref<1x80x128xf32, #tpu.memory_space<vmem>>
        %dma_start3A_432 = tpu.memref_squeeze %dma_start3A_431 : memref<1x80x128xf32, #tpu.memory_space<vmem>> -> memref<80x128xf32, #tpu.memory_space<vmem>>
        %dma_start3A_433 = arith.constant 0 : i32
        %dma_start3A_434 = tpu.memref_slice %arg12[%dma_start3A_427, %dma_start3A_433] : memref<4x80xi32, #tpu.memory_space<vmem>> -> memref<1x80xi32, #tpu.memory_space<vmem>>
        %dma_start3A_435 = tpu.memref_squeeze %dma_start3A_434 : memref<1x80xi32, #tpu.memory_space<vmem>> -> memref<80xi32, #tpu.memory_space<vmem>>
        %dma_start3A_436 = arith.constant 0 : i32
        %dma_start3A_437 = arith.constant 0 : i32
        %dma_start3A_438 = tpu.memref_slice %arg14[%dma_start3A_436, %dma_start3A_437] : memref<10112x128xf32, #tpu.memory_space<vmem_shared>> -> memref<10112x128xf32, #tpu.memory_space<vmem_shared>>
        %dma_start3A_439 = tpu.memref_slice %arg17[%dma_start3A_428] : memref<4x!tpu.dma_semaphore, #tpu.memory_space<semaphore_mem>> -> memref<1x!tpu.dma_semaphore, #tpu.memory_space<semaphore_mem>>
        %dma_start3A_440 = tpu.memref_squeeze %dma_start3A_439 : memref<1x!tpu.dma_semaphore, #tpu.memory_space<semaphore_mem>> -> memref<!tpu.dma_semaphore, #tpu.memory_space<semaphore_mem>>
        tpu.enqueue_indirect_dma source(%dma_start3A_432 : memref<80x128xf32, #tpu.memory_space<vmem>>) target(%dma_start3A_438 : memref<10112x128xf32, #tpu.memory_space<vmem_shared>>) offsets(%dma_start3A_435 : memref<80xi32, #tpu.memory_space<vmem>>) semaphore(%dma_start3A_440 : memref<!tpu.dma_semaphore, #tpu.memory_space<semaphore_mem>>) {add = true}
        %add3A_441 = arith.constant 2 : i32
        %add3A_442 = arith.addi %add3A_288, %add3A_441 : i32
        %add3A_443 = arith.constant 0 : i32
        %add3A_444 = arith.addi %add3A_442, %add3A_443 : i32
        %dma_wait3A_445 = arith.constant 0 : i32
        %dma_wait3A_446 = arith.constant 0 : i32
        %dma_wait3A_447 = arith.constant 0 : i32
        %dma_wait3A_448 = arith.constant 0 : i32
        %dma_wait3A_449 = tpu.memref_slice %arg13[%dma_wait3A_445, %dma_wait3A_447, %dma_wait3A_448] : memref<4x80x128xf32, #tpu.memory_space<vmem>> -> memref<1x80x128xf32, #tpu.memory_space<vmem>>
        %dma_wait3A_450 = tpu.memref_squeeze %dma_wait3A_449 : memref<1x80x128xf32, #tpu.memory_space<vmem>> -> memref<80x128xf32, #tpu.memory_space<vmem>>
        %dma_wait3A_451 = arith.constant 0 : i32
        %dma_wait3A_452 = arith.constant 0 : i32
        %dma_wait3A_453 = tpu.memref_slice %arg7[%dma_wait3A_451, %dma_wait3A_452] : memref<10112x128xf32, #tpu.memory_space<hbm>> -> memref<80x128xf32, #tpu.memory_space<hbm>>
        %dma_wait3A_454 = tpu.memref_slice %arg17[%dma_wait3A_446] : memref<4x!tpu.dma_semaphore, #tpu.memory_space<semaphore_mem>> -> memref<1x!tpu.dma_semaphore, #tpu.memory_space<semaphore_mem>>
        %dma_wait3A_455 = tpu.memref_squeeze %dma_wait3A_454 : memref<1x!tpu.dma_semaphore, #tpu.memory_space<semaphore_mem>> -> memref<!tpu.dma_semaphore, #tpu.memory_space<semaphore_mem>>
        %dma_wait3A_456 = arith.constant 0 : i32
        %dma_wait3A_457 = arith.constant 0 : i32
        %dma_wait3A_458 = tpu.memref_slice %arg13[%dma_wait3A_445, %dma_wait3A_456, %dma_wait3A_457] : memref<4x80x128xf32, #tpu.memory_space<vmem>> -> memref<1x80x128xf32, #tpu.memory_space<vmem>>
        %dma_wait3A_459 = tpu.memref_squeeze %dma_wait3A_458 : memref<1x80x128xf32, #tpu.memory_space<vmem>> -> memref<80x128xf32, #tpu.memory_space<vmem>>
        %dma_wait3A_460 = arith.constant 0 : i32
        %dma_wait3A_461 = arith.constant 0 : i32
        %dma_wait3A_462 = tpu.memref_slice %arg7[%dma_wait3A_460, %dma_wait3A_461] : memref<10112x128xf32, #tpu.memory_space<hbm>> -> memref<80x128xf32, #tpu.memory_space<hbm>>
        tpu.wait_dma2 semaphore(%dma_wait3A_455 : memref<!tpu.dma_semaphore, #tpu.memory_space<semaphore_mem>>) src(%dma_wait3A_462 : memref<80x128xf32, #tpu.memory_space<hbm>>) dst(%dma_wait3A_459 : memref<80x128xf32, #tpu.memory_space<vmem>>)
        %lt3A_463 = arith.constant 376 : i32
        %lt3A_464 = arith.cmpi slt, %add3A_444, %lt3A_463 : i32
        %convert_element_type3A_465 = arith.extui %lt3A_464 : i1 to i32
        %cond3A_466 = arith.constant 0 : i32
        %cond3A_467 = arith.cmpi ne, %convert_element_type3A_465, %cond3A_466 : i32
        scf.if %cond3A_467 {
          %mul3A_495 = arith.constant 80 : i32
          %mul3A_496 = arith.muli %add3A_444, %mul3A_495 : i32
          %add3A_497 = arith.addi %add3A_10, %mul3A_496 : i32
          %dma_start3A_498 = arith.constant 0 : i32
          %dma_start3A_499 = arith.constant 0 : i32
          %dma_start3A_500 = arith.constant 0 : i32
          %dma_start3A_501 = tpu.memref_slice %arg11[%dma_start3A_498, %dma_start3A_500] : memref<4x80xi32, #tpu.memory_space<vmem>> -> memref<1x80xi32, #tpu.memory_space<vmem>>
          %dma_start3A_502 = tpu.memref_squeeze %dma_start3A_501 : memref<1x80xi32, #tpu.memory_space<vmem>> -> memref<80xi32, #tpu.memory_space<vmem>>
          %dma_start3A_503 = tpu.memref_slice %arg5[%add3A_497] : memref<640000xi32, #tpu.memory_space<hbm>> -> memref<80xi32, #tpu.memory_space<hbm>>
          %dma_start3A_504 = tpu.memref_slice %arg15[%dma_start3A_499] : memref<4x!tpu.dma_semaphore, #tpu.memory_space<semaphore_mem>> -> memref<1x!tpu.dma_semaphore, #tpu.memory_space<semaphore_mem>>
          %dma_start3A_505 = tpu.memref_squeeze %dma_start3A_504 : memref<1x!tpu.dma_semaphore, #tpu.memory_space<semaphore_mem>> -> memref<!tpu.dma_semaphore, #tpu.memory_space<semaphore_mem>>
          %dma_start3A_506 = arith.constant 0 : i32
          %dma_start3A_507 = tpu.memref_slice %arg11[%dma_start3A_498, %dma_start3A_506] : memref<4x80xi32, #tpu.memory_space<vmem>> -> memref<1x80xi32, #tpu.memory_space<vmem>>
          %dma_start3A_508 = tpu.memref_squeeze %dma_start3A_507 : memref<1x80xi32, #tpu.memory_space<vmem>> -> memref<80xi32, #tpu.memory_space<vmem>>
          %dma_start3A_509 = tpu.memref_slice %arg5[%add3A_497] : memref<640000xi32, #tpu.memory_space<hbm>> -> memref<80xi32, #tpu.memory_space<hbm>>
          tpu.enqueue_dma source(%dma_start3A_509 : memref<80xi32, #tpu.memory_space<hbm>>) target(%dma_start3A_508 : memref<80xi32, #tpu.memory_space<vmem>>) target_semaphore(%dma_start3A_505 : memref<!tpu.dma_semaphore, #tpu.memory_space<semaphore_mem>>)
          %dma_start3A_510 = arith.constant 0 : i32
          %dma_start3A_511 = arith.constant 0 : i32
          %dma_start3A_512 = arith.constant 0 : i32
          %dma_start3A_513 = tpu.memref_slice %arg12[%dma_start3A_510, %dma_start3A_512] : memref<4x80xi32, #tpu.memory_space<vmem>> -> memref<1x80xi32, #tpu.memory_space<vmem>>
          %dma_start3A_514 = tpu.memref_squeeze %dma_start3A_513 : memref<1x80xi32, #tpu.memory_space<vmem>> -> memref<80xi32, #tpu.memory_space<vmem>>
          %dma_start3A_515 = tpu.memref_slice %arg6[%add3A_497] : memref<640000xi32, #tpu.memory_space<hbm>> -> memref<80xi32, #tpu.memory_space<hbm>>
          %dma_start3A_516 = tpu.memref_slice %arg15[%dma_start3A_511] : memref<4x!tpu.dma_semaphore, #tpu.memory_space<semaphore_mem>> -> memref<1x!tpu.dma_semaphore, #tpu.memory_space<semaphore_mem>>
          %dma_start3A_517 = tpu.memref_squeeze %dma_start3A_516 : memref<1x!tpu.dma_semaphore, #tpu.memory_space<semaphore_mem>> -> memref<!tpu.dma_semaphore, #tpu.memory_space<semaphore_mem>>
          %dma_start3A_518 = arith.constant 0 : i32
          %dma_start3A_519 = tpu.memref_slice %arg12[%dma_start3A_510, %dma_start3A_518] : memref<4x80xi32, #tpu.memory_space<vmem>> -> memref<1x80xi32, #tpu.memory_space<vmem>>
          %dma_start3A_520 = tpu.memref_squeeze %dma_start3A_519 : memref<1x80xi32, #tpu.memory_space<vmem>> -> memref<80xi32, #tpu.memory_space<vmem>>
          %dma_start3A_521 = tpu.memref_slice %arg6[%add3A_497] : memref<640000xi32, #tpu.memory_space<hbm>> -> memref<80xi32, #tpu.memory_space<hbm>>
          tpu.enqueue_dma source(%dma_start3A_521 : memref<80xi32, #tpu.memory_space<hbm>>) target(%dma_start3A_520 : memref<80xi32, #tpu.memory_space<vmem>>) target_semaphore(%dma_start3A_517 : memref<!tpu.dma_semaphore, #tpu.memory_space<semaphore_mem>>)
        } else {
        }
        %add3A_468 = arith.constant 2 : i32
        %add3A_469 = arith.addi %add3A_288, %add3A_468 : i32
        %add3A_470 = arith.constant 1 : i32
        %add3A_471 = arith.addi %add3A_469, %add3A_470 : i32
        %dma_wait3A_472 = arith.constant 1 : i32
        %dma_wait3A_473 = arith.constant 1 : i32
        %dma_wait3A_474 = arith.constant 0 : i32
        %dma_wait3A_475 = arith.constant 0 : i32
        %dma_wait3A_476 = tpu.memref_slice %arg13[%dma_wait3A_472, %dma_wait3A_474, %dma_wait3A_475] : memref<4x80x128xf32, #tpu.memory_space<vmem>> -> memref<1x80x128xf32, #tpu.memory_space<vmem>>
        %dma_wait3A_477 = tpu.memref_squeeze %dma_wait3A_476 : memref<1x80x128xf32, #tpu.memory_space<vmem>> -> memref<80x128xf32, #tpu.memory_space<vmem>>
        %dma_wait3A_478 = arith.constant 0 : i32
        %dma_wait3A_479 = arith.constant 0 : i32
        %dma_wait3A_480 = tpu.memref_slice %arg7[%dma_wait3A_478, %dma_wait3A_479] : memref<10112x128xf32, #tpu.memory_space<hbm>> -> memref<80x128xf32, #tpu.memory_space<hbm>>
        %dma_wait3A_481 = tpu.memref_slice %arg17[%dma_wait3A_473] : memref<4x!tpu.dma_semaphore, #tpu.memory_space<semaphore_mem>> -> memref<1x!tpu.dma_semaphore, #tpu.memory_space<semaphore_mem>>
        %dma_wait3A_482 = tpu.memref_squeeze %dma_wait3A_481 : memref<1x!tpu.dma_semaphore, #tpu.memory_space<semaphore_mem>> -> memref<!tpu.dma_semaphore, #tpu.memory_space<semaphore_mem>>
        %dma_wait3A_483 = arith.constant 0 : i32
        %dma_wait3A_484 = arith.constant 0 : i32
        %dma_wait3A_485 = tpu.memref_slice %arg13[%dma_wait3A_472, %dma_wait3A_483, %dma_wait3A_484] : memref<4x80x128xf32, #tpu.memory_space<vmem>> -> memref<1x80x128xf32, #tpu.memory_space<vmem>>
        %dma_wait3A_486 = tpu.memref_squeeze %dma_wait3A_485 : memref<1x80x128xf32, #tpu.memory_space<vmem>> -> memref<80x128xf32, #tpu.memory_space<vmem>>
        %dma_wait3A_487 = arith.constant 0 : i32
        %dma_wait3A_488 = arith.constant 0 : i32
        %dma_wait3A_489 = tpu.memref_slice %arg7[%dma_wait3A_487, %dma_wait3A_488] : memref<10112x128xf32, #tpu.memory_space<hbm>> -> memref<80x128xf32, #tpu.memory_space<hbm>>
        tpu.wait_dma2 semaphore(%dma_wait3A_482 : memref<!tpu.dma_semaphore, #tpu.memory_space<semaphore_mem>>) src(%dma_wait3A_489 : memref<80x128xf32, #tpu.memory_space<hbm>>) dst(%dma_wait3A_486 : memref<80x128xf32, #tpu.memory_space<vmem>>)
        %lt3A_490 = arith.constant 376 : i32
        %lt3A_491 = arith.cmpi slt, %add3A_471, %lt3A_490 : i32
        %convert_element_type3A_492 = arith.extui %lt3A_491 : i1 to i32
        %cond3A_493 = arith.constant 0 : i32
        %cond3A_494 = arith.cmpi ne, %convert_element_type3A_492, %cond3A_493 : i32
        scf.if %cond3A_494 {
          %mul3A_495 = arith.constant 80 : i32
          %mul3A_496 = arith.muli %add3A_471, %mul3A_495 : i32
          %add3A_497 = arith.addi %add3A_10, %mul3A_496 : i32
          %dma_start3A_498 = arith.constant 1 : i32
          %dma_start3A_499 = arith.constant 1 : i32
          %dma_start3A_500 = arith.constant 0 : i32
          %dma_start3A_501 = tpu.memref_slice %arg11[%dma_start3A_498, %dma_start3A_500] : memref<4x80xi32, #tpu.memory_space<vmem>> -> memref<1x80xi32, #tpu.memory_space<vmem>>
          %dma_start3A_502 = tpu.memref_squeeze %dma_start3A_501 : memref<1x80xi32, #tpu.memory_space<vmem>> -> memref<80xi32, #tpu.memory_space<vmem>>
          %dma_start3A_503 = tpu.memref_slice %arg5[%add3A_497] : memref<640000xi32, #tpu.memory_space<hbm>> -> memref<80xi32, #tpu.memory_space<hbm>>
          %dma_start3A_504 = tpu.memref_slice %arg15[%dma_start3A_499] : memref<4x!tpu.dma_semaphore, #tpu.memory_space<semaphore_mem>> -> memref<1x!tpu.dma_semaphore, #tpu.memory_space<semaphore_mem>>
          %dma_start3A_505 = tpu.memref_squeeze %dma_start3A_504 : memref<1x!tpu.dma_semaphore, #tpu.memory_space<semaphore_mem>> -> memref<!tpu.dma_semaphore, #tpu.memory_space<semaphore_mem>>
          %dma_start3A_506 = arith.constant 0 : i32
          %dma_start3A_507 = tpu.memref_slice %arg11[%dma_start3A_498, %dma_start3A_506] : memref<4x80xi32, #tpu.memory_space<vmem>> -> memref<1x80xi32, #tpu.memory_space<vmem>>
          %dma_start3A_508 = tpu.memref_squeeze %dma_start3A_507 : memref<1x80xi32, #tpu.memory_space<vmem>> -> memref<80xi32, #tpu.memory_space<vmem>>
          %dma_start3A_509 = tpu.memref_slice %arg5[%add3A_497] : memref<640000xi32, #tpu.memory_space<hbm>> -> memref<80xi32, #tpu.memory_space<hbm>>
          tpu.enqueue_dma source(%dma_start3A_509 : memref<80xi32, #tpu.memory_space<hbm>>) target(%dma_start3A_508 : memref<80xi32, #tpu.memory_space<vmem>>) target_semaphore(%dma_start3A_505 : memref<!tpu.dma_semaphore, #tpu.memory_space<semaphore_mem>>)
          %dma_start3A_510 = arith.constant 1 : i32
          %dma_start3A_511 = arith.constant 1 : i32
          %dma_start3A_512 = arith.constant 0 : i32
          %dma_start3A_513 = tpu.memref_slice %arg12[%dma_start3A_510, %dma_start3A_512] : memref<4x80xi32, #tpu.memory_space<vmem>> -> memref<1x80xi32, #tpu.memory_space<vmem>>
          %dma_start3A_514 = tpu.memref_squeeze %dma_start3A_513 : memref<1x80xi32, #tpu.memory_space<vmem>> -> memref<80xi32, #tpu.memory_space<vmem>>
          %dma_start3A_515 = tpu.memref_slice %arg6[%add3A_497] : memref<640000xi32, #tpu.memory_space<hbm>> -> memref<80xi32, #tpu.memory_space<hbm>>
          %dma_start3A_516 = tpu.memref_slice %arg15[%dma_start3A_511] : memref<4x!tpu.dma_semaphore, #tpu.memory_space<semaphore_mem>> -> memref<1x!tpu.dma_semaphore, #tpu.memory_space<semaphore_mem>>
          %dma_start3A_517 = tpu.memref_squeeze %dma_start3A_516 : memref<1x!tpu.dma_semaphore, #tpu.memory_space<semaphore_mem>> -> memref<!tpu.dma_semaphore, #tpu.memory_space<semaphore_mem>>
          %dma_start3A_518 = arith.constant 0 : i32
          %dma_start3A_519 = tpu.memref_slice %arg12[%dma_start3A_510, %dma_start3A_518] : memref<4x80xi32, #tpu.memory_space<vmem>> -> memref<1x80xi32, #tpu.memory_space<vmem>>
          %dma_start3A_520 = tpu.memref_squeeze %dma_start3A_519 : memref<1x80xi32, #tpu.memory_space<vmem>> -> memref<80xi32, #tpu.memory_space<vmem>>
          %dma_start3A_521 = tpu.memref_slice %arg6[%add3A_497] : memref<640000xi32, #tpu.memory_space<hbm>> -> memref<80xi32, #tpu.memory_space<hbm>>
          tpu.enqueue_dma source(%dma_start3A_521 : memref<80xi32, #tpu.memory_space<hbm>>) target(%dma_start3A_520 : memref<80xi32, #tpu.memory_space<vmem>>) target_semaphore(%dma_start3A_517 : memref<!tpu.dma_semaphore, #tpu.memory_space<semaphore_mem>>)
        } else {
        }
      }
      %scan3A_65 = arith.constant 94 : i32
      %dma_wait3A = arith.constant 2 : i32
      %dma_wait3A_66 = arith.constant 2 : i32
      %dma_wait3A_67 = arith.constant 0 : i32
      %dma_wait3A_68 = arith.constant 0 : i32
      %dma_wait3A_69 = tpu.memref_slice %arg13[%dma_wait3A, %dma_wait3A_67, %dma_wait3A_68] : memref<4x80x128xf32, #tpu.memory_space<vmem>> -> memref<1x80x128xf32, #tpu.memory_space<vmem>>
      %dma_wait3A_70 = tpu.memref_squeeze %dma_wait3A_69 : memref<1x80x128xf32, #tpu.memory_space<vmem>> -> memref<80x128xf32, #tpu.memory_space<vmem>>
      %dma_wait3A_71 = arith.constant 0 : i32
      %dma_wait3A_72 = arith.constant 0 : i32
      %dma_wait3A_73 = tpu.memref_slice %arg7[%dma_wait3A_71, %dma_wait3A_72] : memref<10112x128xf32, #tpu.memory_space<hbm>> -> memref<80x128xf32, #tpu.memory_space<hbm>>
      %dma_wait3A_74 = tpu.memref_slice %arg17[%dma_wait3A_66] : memref<4x!tpu.dma_semaphore, #tpu.memory_space<semaphore_mem>> -> memref<1x!tpu.dma_semaphore, #tpu.memory_space<semaphore_mem>>
      %dma_wait3A_75 = tpu.memref_squeeze %dma_wait3A_74 : memref<1x!tpu.dma_semaphore, #tpu.memory_space<semaphore_mem>> -> memref<!tpu.dma_semaphore, #tpu.memory_space<semaphore_mem>>
      %dma_wait3A_76 = arith.constant 0 : i32
      %dma_wait3A_77 = arith.constant 0 : i32
      %dma_wait3A_78 = tpu.memref_slice %arg13[%dma_wait3A, %dma_wait3A_76, %dma_wait3A_77] : memref<4x80x128xf32, #tpu.memory_space<vmem>> -> memref<1x80x128xf32, #tpu.memory_space<vmem>>
      %dma_wait3A_79 = tpu.memref_squeeze %dma_wait3A_78 : memref<1x80x128xf32, #tpu.memory_space<vmem>> -> memref<80x128xf32, #tpu.memory_space<vmem>>
      %dma_wait3A_80 = arith.constant 0 : i32
      %dma_wait3A_81 = arith.constant 0 : i32
      %dma_wait3A_82 = tpu.memref_slice %arg7[%dma_wait3A_80, %dma_wait3A_81] : memref<10112x128xf32, #tpu.memory_space<hbm>> -> memref<80x128xf32, #tpu.memory_space<hbm>>
      tpu.wait_dma2 semaphore(%dma_wait3A_75 : memref<!tpu.dma_semaphore, #tpu.memory_space<semaphore_mem>>) src(%dma_wait3A_82 : memref<80x128xf32, #tpu.memory_space<hbm>>) dst(%dma_wait3A_79 : memref<80x128xf32, #tpu.memory_space<vmem>>)
      %dma_wait3A_83 = arith.constant 3 : i32
      %dma_wait3A_84 = arith.constant 3 : i32
      %dma_wait3A_85 = arith.constant 0 : i32
      %dma_wait3A_86 = arith.constant 0 : i32
      %dma_wait3A_87 = tpu.memref_slice %arg13[%dma_wait3A_83, %dma_wait3A_85, %dma_wait3A_86] : memref<4x80x128xf32, #tpu.memory_space<vmem>> -> memref<1x80x128xf32, #tpu.memory_space<vmem>>
      %dma_wait3A_88 = tpu.memref_squeeze %dma_wait3A_87 : memref<1x80x128xf32, #tpu.memory_space<vmem>> -> memref<80x128xf32, #tpu.memory_space<vmem>>
      %dma_wait3A_89 = arith.constant 0 : i32
      %dma_wait3A_90 = arith.constant 0 : i32
      %dma_wait3A_91 = tpu.memref_slice %arg7[%dma_wait3A_89, %dma_wait3A_90] : memref<10112x128xf32, #tpu.memory_space<hbm>> -> memref<80x128xf32, #tpu.memory_space<hbm>>
      %dma_wait3A_92 = tpu.memref_slice %arg17[%dma_wait3A_84] : memref<4x!tpu.dma_semaphore, #tpu.memory_space<semaphore_mem>> -> memref<1x!tpu.dma_semaphore, #tpu.memory_space<semaphore_mem>>
      %dma_wait3A_93 = tpu.memref_squeeze %dma_wait3A_92 : memref<1x!tpu.dma_semaphore, #tpu.memory_space<semaphore_mem>> -> memref<!tpu.dma_semaphore, #tpu.memory_space<semaphore_mem>>
      %dma_wait3A_94 = arith.constant 0 : i32
      %dma_wait3A_95 = arith.constant 0 : i32
      %dma_wait3A_96 = tpu.memref_slice %arg13[%dma_wait3A_83, %dma_wait3A_94, %dma_wait3A_95] : memref<4x80x128xf32, #tpu.memory_space<vmem>> -> memref<1x80x128xf32, #tpu.memory_space<vmem>>
      %dma_wait3A_97 = tpu.memref_squeeze %dma_wait3A_96 : memref<1x80x128xf32, #tpu.memory_space<vmem>> -> memref<80x128xf32, #tpu.memory_space<vmem>>
      %dma_wait3A_98 = arith.constant 0 : i32
      %dma_wait3A_99 = arith.constant 0 : i32
      %dma_wait3A_100 = tpu.memref_slice %arg7[%dma_wait3A_98, %dma_wait3A_99] : memref<10112x128xf32, #tpu.memory_space<hbm>> -> memref<80x128xf32, #tpu.memory_space<hbm>>
      tpu.wait_dma2 semaphore(%dma_wait3A_93 : memref<!tpu.dma_semaphore, #tpu.memory_space<semaphore_mem>>) src(%dma_wait3A_100 : memref<80x128xf32, #tpu.memory_space<hbm>>) dst(%dma_wait3A_97 : memref<80x128xf32, #tpu.memory_space<vmem>>)
      %barrier3A_101 = arith.constant 0 : index
      tpu.barrier barrier_id(%barrier3A_101)
      "tpu.region"() ({
        %run_scoped3A = tpu.sem_alloc : memref<!tpu.dma_semaphore, #tpu.memory_space<semaphore_mem>>
        %dma_start3A_102 = arith.constant 0 : i32
        %dma_start3A_103 = tpu.memref_slice %arg9[%multiple_of3A, %dma_start3A_102] : memref<10112x128xf32, #tpu.memory_space<hbm>> -> memref<632x128xf32, #tpu.memory_space<hbm>>
        %dma_start3A_104 = arith.constant 0 : i32
        %dma_start3A_105 = tpu.memref_slice %arg14[%multiple_of3A, %dma_start3A_104] : memref<10112x128xf32, #tpu.memory_space<vmem_shared>> -> memref<632x128xf32, #tpu.memory_space<vmem_shared>>
        tpu.enqueue_dma source(%dma_start3A_105 : memref<632x128xf32, #tpu.memory_space<vmem_shared>>) target(%dma_start3A_103 : memref<632x128xf32, #tpu.memory_space<hbm>>) target_semaphore(%run_scoped3A : memref<!tpu.dma_semaphore, #tpu.memory_space<semaphore_mem>>)
        %dma_wait3A_106 = arith.constant 0 : i32
        %dma_wait3A_107 = tpu.memref_slice %arg9[%multiple_of3A, %dma_wait3A_106] : memref<10112x128xf32, #tpu.memory_space<hbm>> -> memref<632x128xf32, #tpu.memory_space<hbm>>
        %dma_wait3A_108 = arith.constant 0 : i32
        %dma_wait3A_109 = tpu.memref_slice %arg14[%multiple_of3A, %dma_wait3A_108] : memref<10112x128xf32, #tpu.memory_space<vmem_shared>> -> memref<632x128xf32, #tpu.memory_space<vmem_shared>>
        tpu.wait_dma2 semaphore(%run_scoped3A : memref<!tpu.dma_semaphore, #tpu.memory_space<semaphore_mem>>) src(%dma_wait3A_109 : memref<632x128xf32, #tpu.memory_space<vmem_shared>>) dst(%dma_wait3A_107 : memref<632x128xf32, #tpu.memory_space<hbm>>)
        tpu.yield
      }) : () -> ()
    } else {
    }
    return
  }
}

module attributes {stable_mosaic.version = 14 : i64} {
  func.func @_merge_body(%arg0: i32, %arg1: memref<1024x128xf32, #tpu.memory_space<vmem>>, %arg2: memref<1024x128xf32, #tpu.memory_space<vmem>>, %arg3: memref<1024x128xf32, #tpu.memory_space<vmem>>) attributes {dimension_semantics = [#tpu.dimension_semantics<arbitrary>], iteration_bounds = array<i64: 9>, scalar_prefetch = 0 : i64, scratch_operands = 0 : i64, tpu.core_type = #tpu.core_type<tc>, window_params = [{transform_indices = @transform_0, window_bounds = array<i64: 1024, 128>}, {transform_indices = @transform_1, window_bounds = array<i64: 1024, 128>}, {transform_indices = @transform_2, window_bounds = array<i64: 1024, 128>}]} {
    %get3A = arith.constant 0 : index
    %get3A_0 = arith.constant 0 : index
    %get3A_1 = vector.load %arg1[%get3A, %get3A_0] : memref<1024x128xf32, #tpu.memory_space<vmem>>, vector<1024x128xf32>
    %get3A_2 = arith.constant 0 : index
    %get3A_3 = arith.constant 0 : index
    %get3A_4 = vector.load %arg2[%get3A_2, %get3A_3] : memref<1024x128xf32, #tpu.memory_space<vmem>>, vector<1024x128xf32>
    %add3A = arith.addf %get3A_1, %get3A_4 : vector<1024x128xf32>
    %swap3A = arith.constant 0 : index
    %swap3A_5 = arith.constant 0 : index
    %swap3A_6 = vector.load %arg3[%swap3A, %swap3A_5] : memref<1024x128xf32, #tpu.memory_space<vmem>>, vector<1024x128xf32>
    tpu.vector_store %arg3[%swap3A, %swap3A_5], %add3A {strides = array<i32>} : memref<1024x128xf32, #tpu.memory_space<vmem>>, vector<1024x128xf32>,
    return
  }
  func.func @transform_0(%arg0: i32) -> (i32, i32) {
    %c0_i32 = arith.constant 0 : i32
    %c0_i32_0 = arith.constant 0 : i32
    return %arg0, %c0_i32 : i32, i32
  }
  func.func @transform_1(%arg0: i32) -> (i32, i32) {
    %c0_i32 = arith.constant 0 : i32
    %c0_i32_0 = arith.constant 0 : i32
    return %arg0, %c0_i32 : i32, i32
  }
  func.func @transform_2(%arg0: i32) -> (i32, i32) {
    %c0_i32 = arith.constant 0 : i32
    %c0_i32_0 = arith.constant 0 : i32
    return %arg0, %c0_i32 : i32, i32
  }
}

</mosaic_0001>

<sc_bundles>
// kernel: kernel.4.cloned.1.call-start
scs
__scs_entry_jumppad:
0x0: {  	(pc) =	sbr.rel $0x88, $3  }
0x1: {  	(tag) =	ssettag $0x0;
	lr =	simm.s32 $0x1  }
0x2: {  	[smem:$0x3F9E] =	sst lr;
	_ =	strace $0xD0000000  }
0x3: {  	_ = 	snop  }
0x4: {  	_ = 	snop  }
0x5: {  	_ = 	snop  }
0x6: {  	_ = 	snop  }
0x7: {  	_ = 	snop  }
__scs_overlays_trampoline_lowered:
0x8: {  	[smem:$0x3FAD] =	sst s0  }
0x9: {  	[smem:$0x3FAE] =	sst s1  }
0xa: {  	[smem:$0x3FAF] =	sst s2  }
0xb: {  	[smem:$0x3FB0] =	sst s3  }
0xc: {  	[smem:$0x3FB1] =	sst s4  }
0xd: {  	[smem:$0x3FB2] =	sst s5  }
0xe: {  	[smem:$0x3FB3] =	sst s6  }
0xf: {  	[smem:$0x3FB4] =	sst s7  }
0x10: {  	[smem:$0x3FB5] =	sst s8  }
0x11: {  	[smem:$0x3FB6] =	sst s9;
	s0 =	simm.s32 @!p0 $0x0  }
0x12: {  	s1 =	sld [smem:$0x3F9C];
	s0 =	simm.s32 @p0 $0x1  }
0x13: {  	[smem:$0x3FB7] =	sst s0;
	s0 =	simm.s32 @!p1 $0x0  }
0x14: {  	s2 =	sld [smem:$0x3F9B];
	s0 =	simm.s32 @p1 $0x1  }
0x15: {  	[smem:$0x3FB8] =	sst s0;
	s0 =	simm.s32 @!p2 $0x0  }
0x16: {  	s3 =	sld [smem:$0x3FDB];
	s0 =	simm.s32 @p2 $0x1  }
0x17: {  	s4 =	simm.s32 $0x1BF5;
	[smem:$0x3FBA] =	sst s0  }
0x18: {  	s0 =	sld [smem:$0x3F9D];
	_ =	swait.ge [sflag:s4], $0x0  }
0x19: {  	s7 =	sld [smem:$0x3F9E]  }
0x1a: {  	s8 =	sadd.s32 $0xFFFFE003, lr  }
0x1b: {  	s9 =	sadd.s32 $0xFFFFFEF7, lr;
	s5 =	simm.s32 $0xFFFFFFFF;
	p2 =	slt.u32 s8, $0xFFFFF086  }
0x1c: {  	p1 =	slt.u32 s9, $0xF7A;
	s5 =	simm.s32 @!p2 $0x0  }
0x1d: {  	s5 =	simm.s32 @p1 $0x1;
	p0 =	seq.s32 s7, s2  }
0x1e: {  	s7 =	smul.u32 @!p0 $0xF7A, s2;
	p2 =	seq.s32 @!p0 s5, $0x0  }
0x1f: {  	s9 =	smul.u32 $0xF7A, s1;
	s8 =	simm.s32 @!p0 $0x1BF5;
	p2 =	por !p2, p0  }
0x20: {  	[sflag:s8] =	ssyncset.s32 @!p0 $0xFFFFF086;
	s6 =	sadd.s32 @!p0 s3, s7;
	s7 =	simm.s32 @!p0 $0x108  }
0x21: {  	s3 =	sadd.s32 s3, s9;
	s6 =	sadd.s32 @!p0 $0x88, s6;
	s7 =	simm.s32 @p2 $0x1082  }
0x22: {  	[simem:s7], [sflag:s8] =	dma.local @!p0 [hbm:s6], $0xF7A  }
0x23: {  	s9 =	sor.u32 $0xD0000000, s2;
	s6 =	simm.s32 $0x108;
	_ =	swait.ge @!p0 [sflag:s8], $0x0  }
0x24: {  	s3 =	sadd.s32 $0x88, s3;
	s6 =	simm.s32 @!p1 $0x1082;
	[sflag:s4] =	ssyncset.s32 $0xFFFFF086  }
0x25: {  	[simem:s6], [sflag:s4] =	dma.local [hbm:s3], $0xF7A  }
0x26: {  	[smem:$0x3F9E] =	sst s1;
	(tag) =	ssettag s2;
	_ =	strace s9  }
0x27: {  	s1 =	sld [smem:$0x3FAE]  }
0x28: {  	s2 =	sld [smem:$0x3FAF]  }
0x29: {  	s4 =	sld [smem:$0x3FB1]  }
0x2a: {  	p0 =	seq.s32 s5, $0x0;
	s5 =	sld [smem:$0x3FB2]  }
0x2b: {  	s6 =	sld [smem:$0x3FB3]  }
0x2c: {  	s7 =	sld [smem:$0x3FB4]  }
0x2d: {  	s3 =	simm.s32 $0x108;
	s8 =	sld [smem:$0x3FB5]  }
0x2e: {  	s3 =	simm.s32 @!p0 $0x1082;
	s9 =	sld [smem:$0x3FB6]  }
0x2f: {  	lr =	sadd.s32 s0, s3;
	s0 =	sld [smem:$0x3FAD]  }
0x30: {  	s3 =	sld [smem:$0x3FB0]  }
0x31: {  	[smem:$0x3FB9] =	sst s10  }
0x32: {  	s10 =	sld [smem:$0x3FB7];
	_ =	sdelay $0x3  }
0x33: {  	p0 =	seq.s32 s10, $0x1;
	s10 =	sld [smem:$0x3FB9];
	_ =	sdelay $0x3  }
0x34: {  	[smem:$0x3FB9] =	sst s10  }
0x35: {  	s10 =	sld [smem:$0x3FB8];
	_ =	sdelay $0x3  }
0x36: {  	p1 =	seq.s32 s10, $0x1;
	s10 =	sld [smem:$0x3FB9];
	_ =	sdelay $0x3  }
0x37: {  	[smem:$0x3FB9] =	sst s10  }
0x38: {  	s10 =	sld [smem:$0x3FBA]  }
0x39: {  	_ = 	snop;
	(pc) =	sbr.ind lr, $3  }
0x3a: {  	_ = 	snop  }
0x3b: {  	_ = 	snop  }
0x3c: {  	p2 =	seq.s32 s10, $0x1;
	s10 =	sld [smem:$0x3FB9]  }
0x3d: {  	_ =	shalt  }
0x3e: {  	_ =	shalt  }
0x3f: {  	_ =	shalt  }
0x40: {  	_ =	shalt  }
0x41: {  	_ =	shalt  }
0x42: {  	_ =	shalt  }
0x43: {  	_ =	shalt  }
0x44: {  	_ =	shalt  }
0x45: {  	_ =	shalt  }
0x46: {  	_ =	shalt  }
0x47: {  	_ =	shalt  }
0x48: {  	_ =	shalt  }
0x49: {  	_ =	shalt  }
0x4a: {  	_ =	shalt  }
0x4b: {  	_ =	shalt  }
0x4c: {  	_ =	shalt  }
0x4d: {  	_ =	shalt  }
0x4e: {  	_ =	shalt  }
0x4f: {  	_ =	shalt  }
0x50: {  	_ =	shalt  }
0x51: {  	_ =	shalt  }
0x52: {  	_ =	shalt  }
0x53: {  	_ =	shalt  }
0x54: {  	_ =	shalt  }
0x55: {  	_ =	shalt  }
0x56: {  	_ =	shalt  }
0x57: {  	_ =	shalt  }
0x58: {  	_ =	shalt  }
0x59: {  	_ =	shalt  }
0x5a: {  	_ =	shalt  }
0x5b: {  	_ =	shalt  }
0x5c: {  	_ =	shalt  }
0x5d: {  	_ =	shalt  }
0x5e: {  	_ =	shalt  }
0x5f: {  	_ =	shalt  }
0x60: {  	_ =	shalt  }
0x61: {  	_ =	shalt  }
0x62: {  	_ =	shalt  }
0x63: {  	_ =	shalt  }
0x64: {  	_ =	shalt  }
0x65: {  	_ =	shalt  }
0x66: {  	_ =	shalt  }
0x67: {  	_ =	shalt  }
0x68: {  	_ =	shalt  }
0x69: {  	_ =	shalt  }
0x6a: {  	_ =	shalt  }
0x6b: {  	_ =	shalt  }
0x6c: {  	_ =	shalt  }
0x6d: {  	_ =	shalt  }
0x6e: {  	_ =	shalt  }
0x6f: {  	_ =	shalt  }
0x70: {  	_ =	shalt  }
0x71: {  	_ =	shalt  }
0x72: {  	_ =	shalt  }
0x73: {  	_ =	shalt  }
0x74: {  	_ =	shalt  }
0x75: {  	_ =	shalt  }
0x76: {  	_ =	shalt  }
0x77: {  	_ =	shalt  }
0x78: {  	_ =	shalt  }
0x79: {  	_ =	shalt  }
0x7a: {  	_ =	shalt  }
0x7b: {  	_ =	shalt  }
0x7c: {  	_ =	shalt  }
0x7d: {  	_ =	shalt  }
0x7e: {  	_ =	shalt  }
0x7f: {  	_ =	shalt  }
0x80: {  	_ =	shalt  }
0x81: {  	_ =	shalt  }
0x82: {  	_ =	shalt  }
0x83: {  	_ =	shalt  }
0x84: {  	_ =	shalt  }
0x85: {  	_ =	shalt  }
0x86: {  	_ =	shalt  }
0x87: {  	_ =	shalt  }
.Lfunc_end0:
.L_simem_size_0:
called_computation_lowered:
.L_overlay_start_0:
0x88: {  	s2 =	sld [smem:$0x3FD9]  }
0x89: {  	s3 =	sld [smem:$0x3FFE];
	_ =	sdelay $0x1  }
0x8a: {  	s1 =	srdreg.scid  }
0x8b: {  	s0 =	sand.u32 $0x1, s1  }
0x8c: {  	s17 =	sshll.u32 s0, $0xA;
	s2 =	sadd.s32 s3, s2  }
0x8d: {  	s2 =	sadd.s32 s2, s17  }
0x8e: {  	[smem:$0x3FC5] =	sst s2  }
0x8f: {  	_ = 	snop  }
0x90: {  	s2 =	sld [smem:$0x3FC9]  }
0x91: {  	s18 =	sld [smem:$0x3FD0];
	(tm) =	ssettm $0x1  }
0x92: {  	s4 =	sld [smem:$0x3FFB];
	_ =	sdelay $0x3  }
0x93: {  	_ =	strace s4  }
0x94: {  	s4 =	sld [smem:$0x3FFC];
	_ =	sdelay $0x3  }
0x95: {  	_ =	strace s4  }
0x96: {  	s4 =	sld [smem:$0x3FFD];
	_ =	sdelay $0x3  }
0x97: {  	_ =	strace s4  }
0x98: {  	_ =	strace $0x8FFFFFFF  }
0x99: {  	s19 =	sld [smem:$0x3FDB];
	_ =	sdelay $0x1  }
0x9a: {  	s5 =	simm.s32 $_scs_section_size  }
0x9b: {  	s6 =	simm.s32 $_size__tile_overlayer_lowered;
	s7 =	simm.s32 $_tile_overlayer_lowered  }
0x9c: {  	s22 =	simm.s32 $0x1BFF;
	s21 =	sshll.u32 s7, $0x1;
	s4 =	sadd.s32 s5, s19  }
0x9d: {  	s8 =	simm.s32 $0x0;
	s20 =	sshll.u32 s6, $0x1;
	s6 =	sadd.s32 s21, s4  }
0x9e: {  	[timem:s8], [sflag:s22] =	dma.local [hbm:s6], s20  }
0x9f: {  	_ =	swait.ge [sflag:s22], s20  }
0xa0: {  	s5 =	ssub.s32 $0x0, s20;
	[sflag:s22] =	ssyncset.done $0x0  }
0xa1: {  	[sflag:s22] =	ssyncadd.s32 s5;
	_ =	sdelay $0x1  }
0xa2: {  	s23 =	simm.s32 $0x1B8B  }
0xa3: {  	_ =	swait.ge [sflag:s23], $0x1  }
0xa4: {  	[sflag:s23] =	ssyncset.done $0x0  }
0xa5: {  	s25 =	simm.s32 $0x1B8E;
	s24 =	sld [smem:$0x3FFE];
	[sflag:s23] =	ssyncadd.s32 $0xFFFFFFFF  }
0xa6: {  	s26 =	simm.s32 $execute0_lowered;
	[smem:$0x3FD2] =	sst s25  }
0xa7: {  	s6 =	sshll.u32 s26, $0x1;
	_ =	strace $0x80000046;
	[dreg:$0x1] =	wrdreg $0xFFFFFFFF  }
0xa8: {  	s28 =	simm.s32 $_size_execute0_lowered;
	s4 =	sadd.s32 s4, s6;
	[dreg:$0x0] =	wrdreg $0x0  }
0xa9: {  	s6 =	sshll.u32 s28, $0x1;
	[dreg:$0x2] =	wrdreg s4  }
0xaa: {  	[dreg:$0x3] =	wrdreg s6  }
0xab: {  	[dreg:$0x4] =	wrdreg $0xC0  }
0xac: {  	_ =	task [dreg:s8], $0x5FFFF  }
0xad: {  	[dreg:$0x1] =	wrdreg $0xFFFFFFFF  }
0xae: {  	[dreg:$0x0] =	wrdreg $0x60  }
0xaf: {  	[dreg:$0x2] =	wrdreg s2  }
0xb0: {  	[dreg:$0x3] =	wrdreg s24  }
0xb1: {  	[dreg:$0x4] =	wrdreg s18  }
0xb2: {  	[dreg:$0x5] =	wrdreg $0xA4000  }
0xb3: {  	[dreg:$0x6] =	wrdreg $0x9  }
0xb4: {  	_ =	task.clear_ibuf [dreg:s8], $0x7FFFF;
	_ =	strace $0x90000046  }
0xb5: {  	s29 =	simm.s32 $0x9;
	_ =	strace $0x80000048  }
0xb6: {  	_ =	swait.ge [sflag:s29], $0x1  }
0xb7: {  	[sflag:s29] =	ssyncadd.s32 $0xFFFFFFFF  }
0xb8: {  	_ =	strace $0x90000048  }
0xb9: {  	_ =	sfence  }
0xba: {  	s30 =	sld [smem:$0x0];
	_ =	sdelay $0x2  }
0xbb: {  	s31 =	sshll.u32 s1, $0xD;
	s1 =	sshrl.u32 s1, $0x2  }
0xbc: {  	s3 =	sand.u32 $0x4000, s31;
	s1 =	sadd.s32 s1, s30  }
0xbd: {  	s0 =	sor.u32 s3, s0;
	s1 =	sshll.u32 s1, $0x11  }
0xbe: {  	s0 =	sor.u32 s1, s0  }
0xbf: {  	s0 =	sadd.s32 $0x8F2B, s0  }
0xc0: {  	[sflag:s0] =	ssyncadd.remote.s32 $0x1  }
0xc1: {  	_ =	sfence.sel $0xFFFF  }
0xc2: {  	[dreg:$0x0] =	wrdreg $0xFFFFFFFF;
	(pc) =	sbr.abs _section_cstart, $3  }
0xc3: {  	[dreg:$0x1] =	wrdreg $0xFFFFFFFF  }
0xc4: {  	_ =	task.clear_ibuf [dreg:s8], $0x2FFFF;
	_ =	strace $0x9FFFFFFF  }
0xc5: {  	(tm) =	ssettm $0x7FFFFFFF  }
tec
execute0_lowered:
.L_overlay_start_1:
0x0: {  	(tag) =	ssettag $0x1  }
0x1: {  	s0 =	rddreg [dreg:$0x0]  }
0x2: {  	s2 =	rddreg [dreg:$0x1]  }
0x3: {  	s4 =	rddreg [dreg:$0x2]  }
0x4: {  	s1 =	rddreg [dreg:$0x3];
	s3 =	simm.s32 $0x0  }
0x5: {  	s5 =	srdreg.scid;
	s13 =	stileid.u32;
	s30 =	simm.s32 $0x5400  }
0x6: {  	s31 =	simm.s32 $0x7;
	s28 =	simm.s32 $0x8;
	s9 =	smul.u32 $0x4EC0, s13  }
0x7: {  	s29 =	simm.s32 $0x9;
	[smem:$0x7FF] =	sst s3;
	s14 =	smul.u32 $0x2780, s13  }
0x8: {  	s6 =	sadd.s32 $0x32000, s2;
	s5 =	sand.u32 $0x1, s5;
	s26 =	smul.u32 $0x26C0, s13  }
0x9: {  	s7 =	sadd.s32 $0x28200, s2;
	s10 =	sadd.s32 $0x14800, s2;
	s16 =	smul.u32 $0x7580, s13  }
0xa: {  	s11 =	sadd.s32 $0xE00, s2;
	s22 =	smul.u32 $0x9D8, s13;
	s8 =	ssub.s32 $0x2, s5  }
0xb: {  	s24 =	smul.u32 $0x4D8, s13;
	p0 =	seq.s32 s5, $0x1;
	s12 =	sshrl.u32 s8, $0x1  }
0xc: {  	s9 =	sshrl.u32 s9, $0x3;
	s5 =	sshrl.u32 s26, $0x3;
	s26 =	sadd.s32 s22, s7  }
0xd: {  	s4 =	sadd.s32 s4, s14;
	s8 =	ssub.s32 s8, s12;
	s25 =	sadd.s32 s6, s9  }
0xe: {  	s15 =	sadd.s32 s7, s9;
	s9 =	sadd.s32 $0xA, s9;
	[dreg:$0x12] =	wrdreg s26  }
0xf: {  	s17 =	sadd.s32 s10, s5;
	s18 =	sadd.s32 $0xA, s5;
	[dreg:$0x6] =	wrdreg s25  }
0x10: {  	s12 =	sshrl.u32 s16, $0x3;
	s5 =	sadd.s32 s11, s5;
	[dreg:$0x7] =	wrdreg s15  }
0x11: {  	s16 =	smul.u32 $0x4F000, s13;
	s15 =	sadd.s32 s6, s9;
	[dreg:$0xa] =	wrdreg s17  }
0x12: {  	s9 =	sadd.s32 s7, s9;
	[dreg:$0xb] =	wrdreg s5;
	s19 =	sadd.s32 s10, s18  }
0x13: {  	s20 =	sadd.s32 $0x4D80, s12;
	s23 =	sadd.s32 $0x4D8A, s12;
	[dreg:$0x8] =	wrdreg s15  }
0x14: {  	s6 =	sadd.s32 s22, s6;
	s7 =	sadd.s32 s24, s11;
	[dreg:$0x9] =	wrdreg s9  }
0x15: {  	s26 =	smax.u32 s8, $0x1;
	s8 =	simm.s32 $0x50;
	[dreg:$0xc] =	wrdreg s19  }
0x16: {  	s12 =	simm.s32 $0x5;
	s9 =	sadd.s32 s11, s18;
	[dreg:$0x13] =	wrdreg s6  }
0x17: {  	s21 =	sadd.s32 s10, s20;
	s5 =	sadd.s32 s11, s20;
	[dreg:$0x14] =	wrdreg s7  }
0x18: {  	s25 =	sadd.s32 s10, s23;
	s15 =	sadd.s32 s24, s10;
	[dreg:$0xd] =	wrdreg s9  }
0x19: {  	s17 =	sshrl.u32 s16, $0x2;
	s18 =	sadd.s32 s14, s2;
	[dreg:$0xe] =	wrdreg s21  }
0x1a: {  	s20 =	sadd.s32 $0x63600, s2;
	s2 =	sadd.s32 $0x8AE00, s2;
	[dreg:$0xf] =	wrdreg s5  }
0x1b: {  	s24 =	sshll.u32 s13, $0x6;
	s6 =	simm.s32 $0x280;
	[dreg:$0x10] =	wrdreg s25  }
0x1c: {  	s7 =	simm.s32 $0x1;
	s5 =	sadd.s32 s11, s23;
	[dreg:$0x15] =	wrdreg s15  }
0x1d: {  	s16 =	simm.s32 $0xA;
	s9 =	smul.u32 $0xEB0, s13;
	[dreg:$0x11] =	wrdreg s5  }
0x1e: {  	s21 =	sadd.s32 s17, s1;
	_ =	strace $0x80000047;
	[dreg:$0x16] =	wrdreg s20  }
0x1f: {  	s19 =	sor.u32 $0x1C0D, s24;
	s25 =	sadd.s32 $0x3BE00, s18;
	[dreg:$0x17] =	wrdreg s2  }
0x20: {  	s13 =	simm.s32 $0x6;
	s15 =	simm.s32 $0x300;
	[dreg:$0x18] =	wrdreg s21  }
0x21: {  	s17 =	simm.s32 $0x180;
	s24 =	simm.s32 $0x380;
	[dreg:$0x5] =	wrdreg s14  }
0x22: {  	s5 =	simm.s32 $0x80;
	s22 =	sadd.s32 s9, s11;
	[dreg:$0x19] =	wrdreg s4  }
.Ltmp0:
0x23: {  	s23 =	sadd.s32 s9, s10;
	[dreg:$0x1b] =	wrdreg s25;
	(pc) =	sbr.rel .LBB2_1-.Ltmp0, $4  }
0x24: {  	[dreg:$0x1c] =	wrdreg s26;
	s20 =	simm.s32 $0xD;
	s2 =	simm.s32 $0x200  }
0x25: {  	s9 =	simm.s32 $0x400;
	s10 =	simm.s32 $0x2;
	s11 =	simm.s32 $0x2C00  }
0x26: {  	s14 =	simm.s32 $0x100;
	s25 =	simm.s32 $0x3;
	s4 =	simm.s32 $0x4  }
0x27: {  	s26 =	simm.s32 $0x7C00;
	s21 =	simm.s32 $0x0;
	[dreg:$0x1a] =	wrdreg s19  }
.LBB2_11:
0x28: {  	s18 =	rddreg [dreg:$0x16]  }
0x29: {  	s21 =	rddreg [dreg:$0x1d]  }
.LBB2_12:
0x2a: {  	_ =	swait.ge [sflag:s16], $0x2800  }
0x2b: {  	[sflag:s16] =	ssyncset.done $0x0  }
0x2c: {  	s19 =	simm.s32 $0xB;
	[sflag:s16] =	ssyncadd.s32 $0xFFFFD800  }
0x2d: {  	_ =	swait.ge [sflag:s19], $0x2800  }
0x2e: {  	[sflag:s19] =	ssyncset.done $0x0  }
0x2f: {  	s20 =	simm.s32 $0xC;
	[sflag:s19] =	ssyncadd.s32 $0xFFFFD800  }
0x30: {  	_ =	swait.ge [sflag:s20], $0x2800  }
0x31: {  	[sflag:s20] =	ssyncset.done $0x0  }
0x32: {  	[sflag:s20] =	ssyncadd.s32 $0xFFFFD800  }
0x33: {  	s20 =	rddreg [dreg:$0x5];
	[bflag:$0x0] =	sbarrier.arrive $0xFFFF  }
0x34: {  	s19 =	rddreg [dreg:$0x1a]  }
0x35: {  	s18 =	sadd.s32 s18, s20;
	s20 =	rddreg [dreg:$0x1e]  }
0x36: {  	[hbm:s18], [sflag:s19] =	dma.local [spmem:s20], $0x2780  }
0x37: {  	s20 =	simm.s32 $0xD  }
0x38: {  	_ =	swait.ge [sflag:s20], $0x2780  }
0x39: {  	s21 =	sadd.s32 $0x1, s21;
	s18 =	rddreg [dreg:$0x1c]  }
0x3a: {  	p1 =	sne.s32 s21, s18  }
.Ltmp1:
0x3b: {  	_ = 	snop;
	(pc) =	sbr.rel @!p1 .LBB2_13-.Ltmp1, $3  }
0x3c: {  	_ =	sdelay $0x1  }
0x3d: {  	[sflag:s20] =	ssyncset.done $0x0  }
0x3e: {  	[sflag:s20] =	ssyncadd.s32 $0xFFFFD880  }
.LBB2_1:
0x3f: {  	[dreg:$0x1d] =	wrdreg s21  }
0x40: {  	s18 =	rddreg [dreg:$0x18]  }
0x41: {  	s21 =	sshrl.u32 s18, $0x3;
	s18 =	rddreg [dreg:$0x19]  }
0x42: {  	[dreg:$0x1e] =	wrdreg s21  }
0x43: {  	[spmem:s21], [sflag:s19] =	dma.local [hbm:s18], $0x2780  }
.Ltmp2:
0x44: {  	_ =	swait.ge [sflag:s20], $0x2780;
	(pc) =	sbr.rel @!p0 .LBB2_2-.Ltmp2, $4  }
0x45: {  	[sflag:s20] =	ssyncset.done $0x0  }
0x46: {  	[sflag:s20] =	ssyncadd.s32 $0xFFFFD880  }
0x47: {  	[bflag:$0x0] =	sbarrier.arrive $0xFFFF  }
0x48: {  	s18 =	simm.s32 $0x0  }
0x49: {  	s19 =	rddreg [dreg:$0xe]  }
0x4a: {  	[tilespmem:s18], [sflag:$0x1] =	stream.linear.gather [hbm4b:s19+s18], $0x50, $0x38;
	[tilespmem:$0x1E000] =	vst v63  }
0x4b: {  	s21 =	rddreg [dreg:$0xf]  }
0x4c: {  	[tilespmem:s2], [sflag:$0x1] =	stream.linear.gather [hbm4b:s21+s18], $0x50, $0x38;
	[tilespmem:$0x1E000] =	vst v63  }
0x4d: {  	s20 =	rddreg [dreg:$0x10]  }
0x4e: {  	[tilespmem:s5], [sflag:$0x2] =	stream.linear.gather [hbm4b:s20+s18], $0x50, $0x38;
	[tilespmem:$0x1E000] =	vst v63  }
0x4f: {  	s21 =	rddreg [dreg:$0x11]  }
0x50: {  	[tilespmem:s6], [sflag:$0x2] =	stream.linear.gather [hbm4b:s21+s18], $0x50, $0x38;
	[tilespmem:$0x1E000] =	vst v63  }
.LBB2_10:
0x51: {  	_ =	swait.ge [sflag:s7], $0x50  }
0x52: {  	[sflag:s7] =	ssyncset.done $0x0  }
0x53: {  	[sflag:s7] =	ssyncadd.s32 $0xFFFFFFB0  }
0x54: {  	_ =	swait.ge [sflag:s7], $0x50  }
0x55: {  	[sflag:s7] =	ssyncset.done $0x0  }
0x56: {  	[sflag:s7] =	ssyncadd.s32 $0xFFFFFFB0  }
0x57: {  	[tilespmem:s9], [sflag:$0x5] =	stream.indirect.gather [hbm4b:s0+s8], $0x80, s3, s8, $0xb8;
	[tilespmem:$0x1E000] =	vst v63  }
0x58: {  	_ =	swait.ge [sflag:s10], $0x50  }
0x59: {  	[sflag:s10] =	ssyncset.done $0x0  }
0x5a: {  	[sflag:s10] =	ssyncadd.s32 $0xFFFFFFB0  }
0x5b: {  	_ =	swait.ge [sflag:s10], $0x50  }
0x5c: {  	[sflag:s10] =	ssyncset.done $0x0  }
0x5d: {  	[sflag:s10] =	ssyncadd.s32 $0xFFFFFFB0  }
0x5e: {  	[tilespmem:s11], [sflag:$0x6] =	stream.indirect.gather [hbm4b:s0+s8], $0x80, s5, s8, $0xb8;
	[tilespmem:$0x1E000] =	vst v63  }
0x5f: {  	_ =	swait.ge [sflag:s12], $0x2800  }
0x60: {  	[sflag:s12] =	ssyncset.done $0x0  }
0x61: {  	[sflag:s12] =	ssyncadd.s32 $0xFFFFD800  }
0x62: {  	[spmem:s1] =	stream.indirect.scatter.add.f32 [tilespmem:s9], [sflag:$0x9], $0x80, s2, s8, $0xb8;
	[tilespmem:$0x1E000] =	vst v63  }
0x63: {  	_ =	swait.ge [sflag:s13], $0x2800  }
0x64: {  	p1 =	seq.s32 s18, $0x0;
	[sflag:s13] =	ssyncset.done $0x0  }
0x65: {  	s20 =	simm.s32 @!p1 $0xB;
	[sflag:s13] =	ssyncadd.s32 $0xFFFFD800  }
0x66: {  	[spmem:s1] =	stream.indirect.scatter.add.f32 [tilespmem:s11], [sflag:$0xA], $0x80, s6, s8, $0xb8;
	[tilespmem:$0x1E000] =	vst v63  }
0x67: {  	_ =	swait.ge @!p1 [sflag:s20], $0x2800  }
0x68: {  	s19 =	sadd.s32 s18, s23;
	[sflag:s20] =	ssyncset.done @!p1 $0x0  }
0x69: {  	s21 =	sadd.s32 $0x4D94, s19;
	[sflag:s20] =	ssyncadd.s32 @!p1 $0xFFFFD800;
	s20 =	sadd.s32 s18, s22  }
0x6a: {  	[tilespmem:s14], [sflag:$0x3] =	stream.linear.gather [hbm4b:s21+s3], $0x50, $0x38;
	[tilespmem:$0x1E000] =	vst v63  }
0x6b: {  	s21 =	sadd.s32 $0x4D94, s20  }
0x6c: {  	[tilespmem:s15], [sflag:$0x3] =	stream.linear.gather [hbm4b:s21+s3], $0x50, $0x38;
	[tilespmem:$0x1E000] =	vst v63  }
0x6d: {  	s21 =	simm.s32 @!p1 $0xC  }
0x6e: {  	_ =	swait.ge @!p1 [sflag:s21], $0x2800  }
0x6f: {  	[sflag:s21] =	ssyncset.done @!p1 $0x0  }
0x70: {  	[sflag:s21] =	ssyncadd.s32 @!p1 $0xFFFFD800;
	s21 =	sadd.s32 $0x4D9E, s19  }
0x71: {  	[tilespmem:s17], [sflag:$0x4] =	stream.linear.gather [hbm4b:s21+s3], $0x50, $0x38;
	[tilespmem:$0x1E000] =	vst v63  }
0x72: {  	s21 =	sadd.s32 $0x4D9E, s20  }
0x73: {  	[tilespmem:s24], [sflag:$0x4] =	stream.linear.gather [hbm4b:s21+s3], $0x50, $0x38;
	[tilespmem:$0x1E000] =	vst v63  }
0x74: {  	_ =	swait.ge [sflag:s25], $0x50  }
0x75: {  	[sflag:s25] =	ssyncset.done $0x0  }
0x76: {  	[sflag:s25] =	ssyncadd.s32 $0xFFFFFFB0  }
0x77: {  	_ =	swait.ge [sflag:s25], $0x50  }
0x78: {  	[sflag:s25] =	ssyncset.done $0x0  }
0x79: {  	[sflag:s25] =	ssyncadd.s32 $0xFFFFFFB0  }
0x7a: {  	[tilespmem:s30], [sflag:$0x7] =	stream.indirect.gather [hbm4b:s0+s8], $0x80, s14, s8, $0xb8;
	[tilespmem:$0x1E000] =	vst v63  }
0x7b: {  	_ =	swait.ge [sflag:s4], $0x50  }
0x7c: {  	[sflag:s4] =	ssyncset.done $0x0  }
0x7d: {  	[sflag:s4] =	ssyncadd.s32 $0xFFFFFFB0  }
0x7e: {  	_ =	swait.ge [sflag:s4], $0x50  }
0x7f: {  	[sflag:s4] =	ssyncset.done $0x0  }
0x80: {  	[sflag:s4] =	ssyncadd.s32 $0xFFFFFFB0  }
0x81: {  	[tilespmem:s26], [sflag:$0x8] =	stream.indirect.gather [hbm4b:s0+s8], $0x80, s17, s8, $0xb8;
	[tilespmem:$0x1E000] =	vst v63  }
0x82: {  	_ =	swait.ge [sflag:s31], $0x2800  }
0x83: {  	[sflag:s31] =	ssyncset.done $0x0  }
0x84: {  	[sflag:s31] =	ssyncadd.s32 $0xFFFFD800  }
0x85: {  	[spmem:s1] =	stream.indirect.scatter.add.f32 [tilespmem:s30], [sflag:$0xB], $0x80, s15, s8, $0xb8;
	[tilespmem:$0x1E000] =	vst v63  }
0x86: {  	_ =	swait.ge [sflag:s28], $0x2800  }
0x87: {  	p1 =	seq.s32 s18, $0xE88;
	[sflag:s28] =	ssyncset.done $0x0  }
.Ltmp3:
0x88: {  	[sflag:s28] =	ssyncadd.s32 $0xFFFFD800;
	(pc) =	sbr.rel @p1 .LBB2_11-.Ltmp3, $4  }
0x89: {  	[spmem:s1] =	stream.indirect.scatter.add.f32 [tilespmem:s26], [sflag:$0xC], $0x80, s24, s8, $0xb8;
	[tilespmem:$0x1E000] =	vst v63  }
0x8a: {  	_ =	swait.ge [sflag:s29], $0x2800  }
0x8b: {  	[sflag:s29] =	ssyncset.done $0x0  }
0x8c: {  	[sflag:s29] =	ssyncadd.s32 $0xFFFFD800  }
0x8d: {  	s21 =	sadd.s32 $0x4DA8, s19  }
0x8e: {  	[tilespmem:s3], [sflag:$0x1] =	stream.linear.gather [hbm4b:s21+s3], $0x50, $0x38;
	[tilespmem:$0x1E000] =	vst v63  }
0x8f: {  	s21 =	sadd.s32 $0x4DA8, s20  }
0x90: {  	[tilespmem:s2], [sflag:$0x1] =	stream.linear.gather [hbm4b:s21+s3], $0x50, $0x38;
	[tilespmem:$0x1E000] =	vst v63  }
0x91: {  	_ =	swait.ge [sflag:s16], $0x2800  }
.Ltmp4:
0x92: {  	[sflag:s16] =	ssyncset.done $0x0;
	(pc) =	sbr.rel .LBB2_10-.Ltmp4, $4  }
0x93: {  	s21 =	sadd.s32 $0x4DB2, s19;
	[sflag:s16] =	ssyncadd.s32 $0xFFFFD800  }
0x94: {  	[tilespmem:s5], [sflag:$0x2] =	stream.linear.gather [hbm4b:s21+s3], $0x50, $0x38;
	[tilespmem:$0x1E000] =	vst v63  }
0x95: {  	s18 =	sadd.s32 $0x28, s18;
	s21 =	sadd.s32 $0x4DB2, s20  }
0x96: {  	[tilespmem:s6], [sflag:$0x2] =	stream.linear.gather [hbm4b:s21+s3], $0x50, $0x38;
	[tilespmem:$0x1E000] =	vst v63  }
.LBB2_2:
0x97: {  	s19 =	rddreg [dreg:$0x6]  }
0x98: {  	[tilespmem:s18], [sflag:$0x1] =	stream.linear.gather [hbm4b:s19+s18], $0x50, $0x38;
	[tilespmem:$0x1E000] =	vst v63  }
0x99: {  	s21 =	rddreg [dreg:$0x7]  }
0x9a: {  	[tilespmem:s2], [sflag:$0x1] =	stream.linear.gather [hbm4b:s21+s18], $0x50, $0x38;
	[tilespmem:$0x1E000] =	vst v63  }
0x9b: {  	s20 =	rddreg [dreg:$0x8]  }
0x9c: {  	[tilespmem:s5], [sflag:$0x2] =	stream.linear.gather [hbm4b:s20+s18], $0x50, $0x38;
	[tilespmem:$0x1E000] =	vst v63  }
0x9d: {  	s21 =	rddreg [dreg:$0x9]  }
0x9e: {  	[tilespmem:s6], [sflag:$0x2] =	stream.linear.gather [hbm4b:s21+s18], $0x50, $0x38;
	[tilespmem:$0x1E000] =	vst v63  }
.LBB2_3:
0x9f: {  	_ =	swait.ge [sflag:s7], $0x50  }
0xa0: {  	[sflag:s7] =	ssyncset.done $0x0  }
0xa1: {  	[sflag:s7] =	ssyncadd.s32 $0xFFFFFFB0  }
0xa2: {  	_ =	swait.ge [sflag:s7], $0x50  }
0xa3: {  	[sflag:s7] =	ssyncset.done $0x0  }
0xa4: {  	[sflag:s7] =	ssyncadd.s32 $0xFFFFFFB0  }
0xa5: {  	[tilespmem:s9], [sflag:$0x5] =	stream.indirect.gather [hbm4b:s0+s8], $0x80, s3, s8, $0xb8;
	[tilespmem:$0x1E000] =	vst v63  }
0xa6: {  	_ =	swait.ge [sflag:s10], $0x50  }
0xa7: {  	[sflag:s10] =	ssyncset.done $0x0  }
0xa8: {  	[sflag:s10] =	ssyncadd.s32 $0xFFFFFFB0  }
0xa9: {  	_ =	swait.ge [sflag:s10], $0x50  }
0xaa: {  	[sflag:s10] =	ssyncset.done $0x0  }
0xab: {  	[sflag:s10] =	ssyncadd.s32 $0xFFFFFFB0  }
0xac: {  	[tilespmem:s11], [sflag:$0x6] =	stream.indirect.gather [hbm4b:s0+s8], $0x80, s5, s8, $0xb8;
	[tilespmem:$0x1E000] =	vst v63  }
0xad: {  	_ =	swait.ge [sflag:s12], $0x2800  }
0xae: {  	[sflag:s12] =	ssyncset.done $0x0  }
0xaf: {  	[sflag:s12] =	ssyncadd.s32 $0xFFFFD800  }
0xb0: {  	[spmem:s1] =	stream.indirect.scatter.add.f32 [tilespmem:s9], [sflag:$0x9], $0x80, s2, s8, $0xb8;
	[tilespmem:$0x1E000] =	vst v63  }
0xb1: {  	_ =	swait.ge [sflag:s13], $0x2800  }
0xb2: {  	p1 =	seq.s32 s18, $0x0;
	[sflag:s13] =	ssyncset.done $0x0  }
0xb3: {  	s20 =	simm.s32 @!p1 $0xB;
	[sflag:s13] =	ssyncadd.s32 $0xFFFFD800  }
0xb4: {  	[spmem:s1] =	stream.indirect.scatter.add.f32 [tilespmem:s11], [sflag:$0xA], $0x80, s6, s8, $0xb8;
	[tilespmem:$0x1E000] =	vst v63  }
0xb5: {  	_ =	swait.ge @!p1 [sflag:s20], $0x2800  }
0xb6: {  	s19 =	rddreg [dreg:$0x13]  }
0xb7: {  	[sflag:s20] =	ssyncset.done @!p1 $0x0;
	s19 =	sadd.s32 s18, s19  }
0xb8: {  	[sflag:s20] =	ssyncadd.s32 @!p1 $0xFFFFD800;
	s21 =	sadd.s32 $0x14, s19  }
0xb9: {  	[tilespmem:s14], [sflag:$0x3] =	stream.linear.gather [hbm4b:s21+s3], $0x50, $0x38;
	[tilespmem:$0x1E000] =	vst v63  }
0xba: {  	s21 =	rddreg [dreg:$0x12]  }
0xbb: {  	s20 =	sadd.s32 s18, s21  }
0xbc: {  	s21 =	sadd.s32 $0x14, s20  }
0xbd: {  	[tilespmem:s15], [sflag:$0x3] =	stream.linear.gather [hbm4b:s21+s3], $0x50, $0x38;
	[tilespmem:$0x1E000] =	vst v63  }
0xbe: {  	s21 =	simm.s32 @!p1 $0xC  }
0xbf: {  	_ =	swait.ge @!p1 [sflag:s21], $0x2800  }
0xc0: {  	[sflag:s21] =	ssyncset.done @!p1 $0x0  }
0xc1: {  	[sflag:s21] =	ssyncadd.s32 @!p1 $0xFFFFD800;
	s21 =	sadd.s32 $0x1E, s19  }
0xc2: {  	[tilespmem:s17], [sflag:$0x4] =	stream.linear.gather [hbm4b:s21+s3], $0x50, $0x38;
	[tilespmem:$0x1E000] =	vst v63  }
0xc3: {  	s21 =	sadd.s32 $0x1E, s20  }
0xc4: {  	[tilespmem:s24], [sflag:$0x4] =	stream.linear.gather [hbm4b:s21+s3], $0x50, $0x38;
	[tilespmem:$0x1E000] =	vst v63  }
0xc5: {  	_ =	swait.ge [sflag:s25], $0x50  }
0xc6: {  	[sflag:s25] =	ssyncset.done $0x0  }
0xc7: {  	[sflag:s25] =	ssyncadd.s32 $0xFFFFFFB0  }
0xc8: {  	_ =	swait.ge [sflag:s25], $0x50  }
0xc9: {  	[sflag:s25] =	ssyncset.done $0x0  }
0xca: {  	[sflag:s25] =	ssyncadd.s32 $0xFFFFFFB0  }
0xcb: {  	[tilespmem:s30], [sflag:$0x7] =	stream.indirect.gather [hbm4b:s0+s8], $0x80, s14, s8, $0xb8;
	[tilespmem:$0x1E000] =	vst v63  }
0xcc: {  	_ =	swait.ge [sflag:s4], $0x50  }
0xcd: {  	[sflag:s4] =	ssyncset.done $0x0  }
0xce: {  	[sflag:s4] =	ssyncadd.s32 $0xFFFFFFB0  }
0xcf: {  	_ =	swait.ge [sflag:s4], $0x50  }
0xd0: {  	[sflag:s4] =	ssyncset.done $0x0  }
0xd1: {  	[sflag:s4] =	ssyncadd.s32 $0xFFFFFFB0  }
0xd2: {  	[tilespmem:s26], [sflag:$0x8] =	stream.indirect.gather [hbm4b:s0+s8], $0x80, s17, s8, $0xb8;
	[tilespmem:$0x1E000] =	vst v63  }
0xd3: {  	_ =	swait.ge [sflag:s31], $0x2800  }
0xd4: {  	[sflag:s31] =	ssyncset.done $0x0  }
0xd5: {  	[sflag:s31] =	ssyncadd.s32 $0xFFFFD800  }
0xd6: {  	[spmem:s1] =	stream.indirect.scatter.add.f32 [tilespmem:s30], [sflag:$0xB], $0x80, s15, s8, $0xb8;
	[tilespmem:$0x1E000] =	vst v63  }
0xd7: {  	_ =	swait.ge [sflag:s28], $0x2800  }
0xd8: {  	p1 =	seq.s32 s18, $0x9B0;
	[sflag:s28] =	ssyncset.done $0x0  }
.Ltmp5:
0xd9: {  	[sflag:s28] =	ssyncadd.s32 $0xFFFFD800;
	(pc) =	sbr.rel @p1 .LBB2_5-.Ltmp5, $4  }
0xda: {  	[spmem:s1] =	stream.indirect.scatter.add.f32 [tilespmem:s26], [sflag:$0xC], $0x80, s24, s8, $0xb8;
	[tilespmem:$0x1E000] =	vst v63  }
0xdb: {  	_ =	swait.ge [sflag:s29], $0x2800  }
0xdc: {  	[sflag:s29] =	ssyncset.done $0x0  }
0xdd: {  	[sflag:s29] =	ssyncadd.s32 $0xFFFFD800  }
0xde: {  	s21 =	sadd.s32 $0x28, s19  }
0xdf: {  	[tilespmem:s3], [sflag:$0x1] =	stream.linear.gather [hbm4b:s21+s3], $0x50, $0x38;
	[tilespmem:$0x1E000] =	vst v63  }
0xe0: {  	s21 =	sadd.s32 $0x28, s20  }
0xe1: {  	[tilespmem:s2], [sflag:$0x1] =	stream.linear.gather [hbm4b:s21+s3], $0x50, $0x38;
	[tilespmem:$0x1E000] =	vst v63  }
0xe2: {  	_ =	swait.ge [sflag:s16], $0x2800  }
.Ltmp6:
0xe3: {  	[sflag:s16] =	ssyncset.done $0x0;
	(pc) =	sbr.rel .LBB2_3-.Ltmp6, $4  }
0xe4: {  	s21 =	sadd.s32 $0x32, s19;
	[sflag:s16] =	ssyncadd.s32 $0xFFFFD800  }
0xe5: {  	[tilespmem:s5], [sflag:$0x2] =	stream.linear.gather [hbm4b:s21+s3], $0x50, $0x38;
	[tilespmem:$0x1E000] =	vst v63  }
0xe6: {  	s18 =	sadd.s32 $0x28, s18;
	s21 =	sadd.s32 $0x32, s20  }
0xe7: {  	[tilespmem:s6], [sflag:$0x2] =	stream.linear.gather [hbm4b:s21+s3], $0x50, $0x38;
	[tilespmem:$0x1E000] =	vst v63  }
.LBB2_5:
0xe8: {  	_ =	swait.ge [sflag:s16], $0x2800  }
0xe9: {  	[sflag:s16] =	ssyncset.done $0x0  }
0xea: {  	s18 =	simm.s32 $0xB;
	[sflag:s16] =	ssyncadd.s32 $0xFFFFD800  }
0xeb: {  	_ =	swait.ge [sflag:s18], $0x2800  }
0xec: {  	[sflag:s18] =	ssyncset.done $0x0  }
0xed: {  	s19 =	simm.s32 $0xC;
	[sflag:s18] =	ssyncadd.s32 $0xFFFFD800  }
0xee: {  	_ =	swait.ge [sflag:s19], $0x2800  }
0xef: {  	[sflag:s19] =	ssyncset.done $0x0  }
0xf0: {  	[sflag:s19] =	ssyncadd.s32 $0xFFFFD800  }
0xf1: {  	[bflag:$0x0] =	sbarrier.arrive $0xFFFF  }
0xf2: {  	s19 =	rddreg [dreg:$0x1a]  }
0xf3: {  	s20 =	rddreg [dreg:$0x1b]  }
0xf4: {  	s21 =	rddreg [dreg:$0x1e]  }
0xf5: {  	[hbm:s20], [sflag:s19] =	dma.local [spmem:s21], $0x2780  }
0xf6: {  	s20 =	simm.s32 $0xD  }
0xf7: {  	_ =	swait.ge [sflag:s20], $0x2780  }
0xf8: {  	[sflag:s20] =	ssyncset.done $0x0  }
0xf9: {  	s18 =	rddreg [dreg:$0x19];
	[sflag:s20] =	ssyncadd.s32 $0xFFFFD880  }
0xfa: {  	[spmem:s21], [sflag:s19] =	dma.local [hbm:s18], $0x2780  }
0xfb: {  	_ =	swait.ge [sflag:s20], $0x2780  }
0xfc: {  	[sflag:s20] =	ssyncset.done $0x0  }
0xfd: {  	[sflag:s20] =	ssyncadd.s32 $0xFFFFD880  }
0xfe: {  	[bflag:$0x0] =	sbarrier.arrive $0xFFFF  }
0xff: {  	s18 =	simm.s32 $0x0;
	s20 =	rddreg [dreg:$0xa]  }
0x100: {  	[tilespmem:s18], [sflag:$0x1] =	stream.linear.gather [hbm4b:s20+s18], $0x50, $0x38;
	[tilespmem:$0x1E000] =	vst v63  }
0x101: {  	s21 =	rddreg [dreg:$0xb]  }
0x102: {  	[tilespmem:s2], [sflag:$0x1] =	stream.linear.gather [hbm4b:s21+s18], $0x50, $0x38;
	[tilespmem:$0x1E000] =	vst v63  }
0x103: {  	s20 =	rddreg [dreg:$0xc]  }
0x104: {  	[tilespmem:s5], [sflag:$0x2] =	stream.linear.gather [hbm4b:s20+s18], $0x50, $0x38;
	[tilespmem:$0x1E000] =	vst v63  }
0x105: {  	s21 =	rddreg [dreg:$0xd]  }
0x106: {  	[tilespmem:s6], [sflag:$0x2] =	stream.linear.gather [hbm4b:s21+s18], $0x50, $0x38;
	[tilespmem:$0x1E000] =	vst v63  }
.LBB2_6:
0x107: {  	_ =	swait.ge [sflag:s7], $0x50  }
0x108: {  	[sflag:s7] =	ssyncset.done $0x0  }
0x109: {  	[sflag:s7] =	ssyncadd.s32 $0xFFFFFFB0  }
0x10a: {  	_ =	swait.ge [sflag:s7], $0x50  }
0x10b: {  	[sflag:s7] =	ssyncset.done $0x0  }
0x10c: {  	[sflag:s7] =	ssyncadd.s32 $0xFFFFFFB0  }
0x10d: {  	[tilespmem:s9], [sflag:$0x5] =	stream.indirect.gather [hbm4b:s0+s8], $0x80, s3, s8, $0xb8;
	[tilespmem:$0x1E000] =	vst v63  }
0x10e: {  	_ =	swait.ge [sflag:s10], $0x50  }
0x10f: {  	[sflag:s10] =	ssyncset.done $0x0  }
0x110: {  	[sflag:s10] =	ssyncadd.s32 $0xFFFFFFB0  }
0x111: {  	_ =	swait.ge [sflag:s10], $0x50  }
0x112: {  	[sflag:s10] =	ssyncset.done $0x0  }
0x113: {  	[sflag:s10] =	ssyncadd.s32 $0xFFFFFFB0  }
0x114: {  	[tilespmem:s11], [sflag:$0x6] =	stream.indirect.gather [hbm4b:s0+s8], $0x80, s5, s8, $0xb8;
	[tilespmem:$0x1E000] =	vst v63  }
0x115: {  	_ =	swait.ge [sflag:s12], $0x2800  }
0x116: {  	[sflag:s12] =	ssyncset.done $0x0  }
0x117: {  	[sflag:s12] =	ssyncadd.s32 $0xFFFFD800  }
0x118: {  	[spmem:s1] =	stream.indirect.scatter.add.f32 [tilespmem:s9], [sflag:$0x9], $0x80, s2, s8, $0xb8;
	[tilespmem:$0x1E000] =	vst v63  }
0x119: {  	_ =	swait.ge [sflag:s13], $0x2800  }
0x11a: {  	p1 =	seq.s32 s18, $0x0;
	[sflag:s13] =	ssyncset.done $0x0  }
0x11b: {  	s20 =	simm.s32 @!p1 $0xB;
	[sflag:s13] =	ssyncadd.s32 $0xFFFFD800  }
0x11c: {  	[spmem:s1] =	stream.indirect.scatter.add.f32 [tilespmem:s11], [sflag:$0xA], $0x80, s6, s8, $0xb8;
	[tilespmem:$0x1E000] =	vst v63  }
0x11d: {  	_ =	swait.ge @!p1 [sflag:s20], $0x2800  }
0x11e: {  	s19 =	rddreg [dreg:$0x15]  }
0x11f: {  	[sflag:s20] =	ssyncset.done @!p1 $0x0;
	s19 =	sadd.s32 s18, s19  }
0x120: {  	[sflag:s20] =	ssyncadd.s32 @!p1 $0xFFFFD800;
	s21 =	sadd.s32 $0x14, s19  }
0x121: {  	[tilespmem:s14], [sflag:$0x3] =	stream.linear.gather [hbm4b:s21+s3], $0x50, $0x38;
	[tilespmem:$0x1E000] =	vst v63  }
0x122: {  	s21 =	rddreg [dreg:$0x14]  }
0x123: {  	s20 =	sadd.s32 s18, s21  }
0x124: {  	s21 =	sadd.s32 $0x14, s20  }
0x125: {  	[tilespmem:s15], [sflag:$0x3] =	stream.linear.gather [hbm4b:s21+s3], $0x50, $0x38;
	[tilespmem:$0x1E000] =	vst v63  }
0x126: {  	s21 =	simm.s32 @!p1 $0xC  }
0x127: {  	_ =	swait.ge @!p1 [sflag:s21], $0x2800  }
0x128: {  	[sflag:s21] =	ssyncset.done @!p1 $0x0  }
0x129: {  	[sflag:s21] =	ssyncadd.s32 @!p1 $0xFFFFD800;
	s21 =	sadd.s32 $0x1E, s19  }
0x12a: {  	[tilespmem:s17], [sflag:$0x4] =	stream.linear.gather [hbm4b:s21+s3], $0x50, $0x38;
	[tilespmem:$0x1E000] =	vst v63  }
0x12b: {  	s21 =	sadd.s32 $0x1E, s20  }
0x12c: {  	[tilespmem:s24], [sflag:$0x4] =	stream.linear.gather [hbm4b:s21+s3], $0x50, $0x38;
	[tilespmem:$0x1E000] =	vst v63  }
0x12d: {  	_ =	swait.ge [sflag:s25], $0x50  }
0x12e: {  	[sflag:s25] =	ssyncset.done $0x0  }
0x12f: {  	[sflag:s25] =	ssyncadd.s32 $0xFFFFFFB0  }
0x130: {  	_ =	swait.ge [sflag:s25], $0x50  }
0x131: {  	[sflag:s25] =	ssyncset.done $0x0  }
0x132: {  	[sflag:s25] =	ssyncadd.s32 $0xFFFFFFB0  }
0x133: {  	[tilespmem:s30], [sflag:$0x7] =	stream.indirect.gather [hbm4b:s0+s8], $0x80, s14, s8, $0xb8;
	[tilespmem:$0x1E000] =	vst v63  }
0x134: {  	_ =	swait.ge [sflag:s4], $0x50  }
0x135: {  	[sflag:s4] =	ssyncset.done $0x0  }
0x136: {  	[sflag:s4] =	ssyncadd.s32 $0xFFFFFFB0  }
0x137: {  	_ =	swait.ge [sflag:s4], $0x50  }
0x138: {  	[sflag:s4] =	ssyncset.done $0x0  }
0x139: {  	[sflag:s4] =	ssyncadd.s32 $0xFFFFFFB0  }
0x13a: {  	[tilespmem:s26], [sflag:$0x8] =	stream.indirect.gather [hbm4b:s0+s8], $0x80, s17, s8, $0xb8;
	[tilespmem:$0x1E000] =	vst v63  }
0x13b: {  	_ =	swait.ge [sflag:s31], $0x2800  }
0x13c: {  	[sflag:s31] =	ssyncset.done $0x0  }
0x13d: {  	[sflag:s31] =	ssyncadd.s32 $0xFFFFD800  }
0x13e: {  	[spmem:s1] =	stream.indirect.scatter.add.f32 [tilespmem:s30], [sflag:$0xB], $0x80, s15, s8, $0xb8;
	[tilespmem:$0x1E000] =	vst v63  }
0x13f: {  	_ =	swait.ge [sflag:s28], $0x2800  }
0x140: {  	p1 =	seq.s32 s18, $0x4B0;
	[sflag:s28] =	ssyncset.done $0x0  }
.Ltmp7:
0x141: {  	[sflag:s28] =	ssyncadd.s32 $0xFFFFD800;
	(pc) =	sbr.rel @p1 .LBB2_7-.Ltmp7, $4  }
0x142: {  	[spmem:s1] =	stream.indirect.scatter.add.f32 [tilespmem:s26], [sflag:$0xC], $0x80, s24, s8, $0xb8;
	[tilespmem:$0x1E000] =	vst v63  }
0x143: {  	_ =	swait.ge [sflag:s29], $0x2800  }
0x144: {  	[sflag:s29] =	ssyncset.done $0x0  }
0x145: {  	[sflag:s29] =	ssyncadd.s32 $0xFFFFD800  }
0x146: {  	s21 =	sadd.s32 $0x28, s19  }
0x147: {  	[tilespmem:s3], [sflag:$0x1] =	stream.linear.gather [hbm4b:s21+s3], $0x50, $0x38;
	[tilespmem:$0x1E000] =	vst v63  }
0x148: {  	s21 =	sadd.s32 $0x28, s20  }
0x149: {  	[tilespmem:s2], [sflag:$0x1] =	stream.linear.gather [hbm4b:s21+s3], $0x50, $0x38;
	[tilespmem:$0x1E000] =	vst v63  }
0x14a: {  	_ =	swait.ge [sflag:s16], $0x2800  }
.Ltmp8:
0x14b: {  	[sflag:s16] =	ssyncset.done $0x0;
	(pc) =	sbr.rel .LBB2_6-.Ltmp8, $4  }
0x14c: {  	s21 =	sadd.s32 $0x32, s19;
	[sflag:s16] =	ssyncadd.s32 $0xFFFFD800  }
0x14d: {  	[tilespmem:s5], [sflag:$0x2] =	stream.linear.gather [hbm4b:s21+s3], $0x50, $0x38;
	[tilespmem:$0x1E000] =	vst v63  }
0x14e: {  	s18 =	sadd.s32 $0x28, s18;
	s21 =	sadd.s32 $0x32, s20  }
0x14f: {  	[tilespmem:s6], [sflag:$0x2] =	stream.linear.gather [hbm4b:s21+s3], $0x50, $0x38;
	[tilespmem:$0x1E000] =	vst v63  }
.LBB2_7:
.Ltmp9:
0x150: {  	(pc) =	sbr.rel .LBB2_12-.Ltmp9, $3  }
0x151: {  	_ =	sdelay $0x1  }
0x152: {  	s18 =	rddreg [dreg:$0x17]  }
0x153: {  	s21 =	rddreg [dreg:$0x1d]  }
.LBB2_13:
0x154: {  	_ =	sfence.sel $0x180000  }
0x155: {  	[bflag:$0x0] =	sbarrier.arrive $0xFFFF  }
0x156: {  	_ =	strace $0x90000047  }
0x157: {  	s0 =	stileid.u32;
	[bflag:$0x2] =	sbarrier.arrive $0xFFFF  }
0x158: {  	p0 =	sne.s32 s0, $0x0;
	s0 =	rddreg [dreg:$0x4]  }
0x159: {  	s0 =	sadd.s32 @!p0 $0x100000, s0  }
0x15a: {  	[sflag:s0] =	ssyncadd.tile.s32 @!p0 $0x1;
	_ =	shalt  }
.Lfunc_end2:
_tile_overlayer_lowered:
.L_overlay_start_2:
0x15b: {  	(tag) =	ssettag $0x2  }
0x15c: {  	s0 =	rddreg [dreg:$0x0];
	s2 =	stileid.u32  }
0x15d: {  	s1 =	rddreg [dreg:$0x1];
	p0 =	sne.s32 s2, $0x0  }
0x15e: {  	s3 =	rddreg [dreg:$0x2];
	[bflag:$0x3] =	sbarrier.arrive $0xFFFF;
	s2 =	simm.s32 @!p0 $0x1C0D  }
0x15f: {  	[timem:s3], [sflag:s2] =	dma.local @!p0 [hbm:s0], s1  }
0x160: {  	s0 =	simm.s32 @!p0 $0xD  }
0x161: {  	_ =	swait.ge @!p0 [sflag:s0], s1  }
0x162: {  	s1 =	ssub.s32 @!p0 $0x0, s1;
	[sflag:s0] =	ssyncset.done @!p0 $0x0  }
0x163: {  	[sflag:s0] =	ssyncadd.s32 @!p0 s1  }
0x164: {  	[bflag:$0x3] =	sbarrier.arrive $0xFFFF  }
0x165: {  	_ =	shalt  }

</sc_bundles>
